<compile_context>
chip_gen: v7x
topology: tpu7x:2x2x1
jax: 0.10.2.dev20260603
libtpu: 0.0.44.dev20260713+nightly
codegen_flags: <defaults>
</compile_context>

<pallas_src>
import jax
import jax.numpy as jnp
from jax import lax
from jax.experimental import pallas as pl
from jax.experimental.pallas import tpu as pltpu
from jax.experimental.pallas import tpu_sc as plsc

NUM_VOCAB = 1000000
EMBED_DIM = 32
BS = 4096
FEAT_LEN = 26
WORD_LEN = 20

L = 16
NC, NS = 2, 16
NW = NC * NS
ROWS = BS * FEAT_LEN
BATCH_PER_W = BS // NW
CHUNK_B = 2
CHUNK = CHUNK_B * FEAT_LEN
N_CHUNKS = BATCH_PER_W // CHUNK_B
IDX_PER_CHUNK = CHUNK * WORD_LEN
GATHER = 104
N_GATHER = IDX_PER_CHUNK // GATHER
OPAD = 128


def _embed_mean_kernel(idx_hbm, table_hbm, out_hbm,
                       idx_a, idx_b, rows_a, rows_b, out_v, sem_a, sem_b):
    wid = lax.axis_index("s") * NC + lax.axis_index("c")
    inv_n = jnp.float32(1.0 / WORD_LEN)

    def stage(c, idx_v, rows_v, sem):
        gbase = (wid * N_CHUNKS + c) * IDX_PER_CHUNK
        pltpu.sync_copy(idx_hbm.at[pl.ds(gbase, IDX_PER_CHUNK)], idx_v)
        for j in range(N_GATHER):
            pltpu.async_copy(
                table_hbm.at[idx_v.at[pl.ds(j * GATHER, GATHER)]],
                rows_v.at[pl.ds(j * GATHER, GATHER)],
                sem,
            )

    def drain(idx_v, rows_v, sem):
        for j in range(N_GATHER):
            pltpu.make_async_copy(
                table_hbm.at[idx_v.at[pl.ds(j * GATHER, GATHER)]],
                rows_v.at[pl.ds(j * GATHER, GATHER)],
                sem,
            ).wait()

    def compute(c, rows_v):
        def row_body(r, carry):
            base = r * WORD_LEN
            acc0 = rows_v[base, pl.ds(0, L)]
            acc1 = rows_v[base, pl.ds(L, L)]
            for j in range(1, WORD_LEN):
                acc0 = acc0 + rows_v[base + j, pl.ds(0, L)]
                acc1 = acc1 + rows_v[base + j, pl.ds(L, L)]
            out_v[r, pl.ds(0, L)] = acc0 * inv_n
            out_v[r, pl.ds(L, L)] = acc1 * inv_n
            return carry

        lax.fori_loop(0, CHUNK, row_body, 0, unroll=2)
        b0 = wid * BATCH_PER_W + c * CHUNK_B
        for k in range(CHUNK_B):
            pltpu.sync_copy(
                out_v.at[pl.ds(k * FEAT_LEN, FEAT_LEN)],
                out_hbm.at[pl.ds((b0 + k) * 32, FEAT_LEN), pl.ds(0, EMBED_DIM)],
            )

    stage(0, idx_a, rows_a, sem_a)

    def pair_body(i, carry):
        c0 = 2 * i
        c1 = 2 * i + 1
        stage(c1, idx_b, rows_b, sem_b)
        drain(idx_a, rows_a, sem_a)
        compute(c0, rows_a)
        stage((c0 + 2) % N_CHUNKS, idx_a, rows_a, sem_a)
        drain(idx_b, rows_b, sem_b)
        compute(c1, rows_b)
        return carry

    lax.fori_loop(0, N_CHUNKS // 2, pair_body, 0, unroll=False)
    drain(idx_a, rows_a, sem_a)


CBLK = 8192
NBLK = NUM_VOCAB // CBLK
MAIN = NBLK * CBLK
TAIL = NUM_VOCAB - MAIN
GROUPS = -(-NBLK // 4)
GRID = GROUPS + 1
OUT_ROWS = GRID * CBLK
VIEW_ROWS = OUT_ROWS * 4
TAIL_Q0 = 4 * GROUPS * CBLK - 4 * MAIN


def _transpose_kernel(t0, t1, t2, t3, tail_ref, out_ref):
    b = pl.program_id(0)

    @pl.when(b < GROUPS)
    def _main():
        stacked = jnp.concatenate([t0[...], t1[...], t2[...], t3[...]], axis=0)
        out_ref[...] = stacked.T

    @pl.when(b == GROUPS)
    def _tail():
        out_ref[0:TAIL, 0:EMBED_DIM] = tail_ref[...]


def _relayout_table(table):
    t = table.T
    tail = jax.lax.slice(table, (MAIN, 0), (NUM_VOCAB, EMBED_DIM))
    specs = [
        pl.BlockSpec((32, CBLK), lambda b, u=u: (0, jnp.minimum(4 * b + u, NBLK - 1)))
        for u in range(4)
    ]
    specs.append(pl.BlockSpec((TAIL, EMBED_DIM), lambda b: (0, 0)))
    return pl.pallas_call(
        _transpose_kernel,
        out_shape=jax.ShapeDtypeStruct((OUT_ROWS, 128), jnp.float32),
        grid=(GRID,),
        in_specs=specs,
        out_specs=pl.BlockSpec((CBLK, 128), lambda b: (b, 0)),
        compiler_params=pltpu.CompilerParams(
            dimension_semantics=("parallel",)),
    )(t, t, t, t, tail)


SLICE_B = 32


def _slice_kernel(in_ref, out_ref):
    out_ref[...] = in_ref[:, :FEAT_LEN, :EMBED_DIM]


def _slice_out(padded):
    return pl.pallas_call(
        _slice_kernel,
        out_shape=jax.ShapeDtypeStruct((BS, FEAT_LEN, EMBED_DIM), jnp.float32),
        grid=(BS // SLICE_B,),
        in_specs=[pl.BlockSpec((SLICE_B, 32, OPAD), lambda i: (i, 0, 0))],
        out_specs=pl.BlockSpec((SLICE_B, FEAT_LEN, EMBED_DIM),
                               lambda i: (i, 0, 0)),
        compiler_params=pltpu.CompilerParams(
            dimension_semantics=("parallel",)),
    )(padded)


@jax.jit
def kernel(input_text, table):
    flat = input_text.reshape(ROWS * WORD_LEN).astype(jnp.int32)
    m = flat // CBLK
    q_main = 4 * ((m // 4) * CBLK + (flat % CBLK)) + (m % 4)
    idx = jnp.where(flat >= MAIN, 4 * flat + TAIL_Q0, q_main)
    table_rm = _relayout_table(table).reshape(VIEW_ROWS, EMBED_DIM)
    run = pl.kernel(
        _embed_mean_kernel,
        out_type=jax.ShapeDtypeStruct((BS * 32, OPAD), jnp.float32),
        mesh=plsc.VectorSubcoreMesh(core_axis_name="c", subcore_axis_name="s"),
        scratch_types=[
            pltpu.VMEM((IDX_PER_CHUNK,), jnp.int32),
            pltpu.VMEM((IDX_PER_CHUNK,), jnp.int32),
            pltpu.VMEM((IDX_PER_CHUNK, EMBED_DIM), jnp.float32),
            pltpu.VMEM((IDX_PER_CHUNK, EMBED_DIM), jnp.float32),
            pltpu.VMEM((CHUNK, EMBED_DIM), jnp.float32),
            pltpu.SemaphoreType.DMA,
            pltpu.SemaphoreType.DMA,
        ],
        compiler_params=pltpu.CompilerParams(use_tc_tiling_on_sc=False),
    )
    out = run(idx, table_rm)
    out = out.reshape(BS, 32, OPAD)
    return lax.slice(out, (0, 0, 0), (BS, FEAT_LEN, EMBED_DIM))

# --- scband reference (transcript-rebuilt; emitter-appended) ---
"""Pipeline reference for scband-image-text-feature-embedding-9861244912055 (READ-ONLY COPY).

The authoritative reference and input builder live on the scoring server;
editing this copy changes nothing except your own understanding.
"""

import jax, jax.numpy as jnp
import numpy as np

NUM_VOCAB = 1000000
EMBED_DIM = 32
BS = 4096
FEAT_LEN = 26
WORD_LEN = 20

def setup_inputs(seed: int = 0) -> dict:
    key = jax.random.key(seed)
    k1, k2 = jax.random.split(key)
    input_text = jax.random.randint(k1, (BS, FEAT_LEN, WORD_LEN), 0, NUM_VOCAB, dtype=jnp.int64 if jax.config.jax_enable_x64 else jnp.int32)
    # nn.Embedding default init: N(0, 1)
    table = jax.random.normal(k2, (NUM_VOCAB, EMBED_DIM), dtype=jnp.float32)
    return {"input_text": input_text, "table": table}

def reference(input_text, table):
    input_shape = input_text.shape  # (bs, feat_len, word_len)
    word_len = input_shape[2]
    flat = input_text.reshape(-1, word_len)
    embed_txt = jnp.take(table, flat, axis=0)  # (bs*feat_len, word_len, dim)
    embed_txt = embed_txt.reshape(*input_shape, -1)  # (bs, feat_len, word_len, dim)
    embed_txt = embed_txt.mean(axis=2)  # (bs, feat_len, dim)
    return embed_txt

if __name__ == "__main__":
    import jax
    _d = setup_inputs()
    print(jax.jit(kernel)(*tuple(_d.values())))

</pallas_src>

<mosaic_0001>
#map = affine_map<(d0, d1) -> (0)>
#map1 = affine_map<(d0, d1) -> (0, 0)>
module attributes {stable_mosaic.version = 14 : i64} {
  func.func @_embed_mean_kernel(%arg0: i32, %arg1: i32, %arg2: memref<2129920xi32, #tpu.memory_space<hbm>>, %arg3: memref<1048576x32xf32, #tpu.memory_space<hbm>>, %arg4: memref<131072x128xf32, #tpu.memory_space<hbm>>, %arg5: memref<1040xi32, #tpu.memory_space<vmem>>, %arg6: memref<1040xi32, #tpu.memory_space<vmem>>, %arg7: memref<1040x32xf32, #tpu.memory_space<vmem>>, %arg8: memref<1040x32xf32, #tpu.memory_space<vmem>>, %arg9: memref<52x32xf32, #tpu.memory_space<vmem>>, %arg10: memref<!tpu.dma_semaphore, #tpu.memory_space<semaphore_mem>>, %arg11: memref<!tpu.dma_semaphore, #tpu.memory_space<semaphore_mem>>) attributes {dimension_semantics = [#tpu.dimension_semantics<core_parallel>, #tpu.dimension_semantics<subcore_parallel>], iteration_bounds = array<i64: 2, 16>, scalar_prefetch = 0 : i64, scratch_operands = 7 : i64, tpu.core_type = #tpu.core_type<sc_vector_subcore>, window_params = [{transform_indices = #map}, {transform_indices = #map1}, {transform_indices = #map1}]} {
    %mul3A = arith.constant 2 : i32
    %mul3A_0 = arith.muli %arg1, %mul3A : i32
    %add3A = arith.addi %mul3A_0, %arg0 : i32
    %mul3A_1 = arith.constant 64 : i32
    %mul3A_2 = arith.muli %add3A, %mul3A_1 : i32
    %add3A_3 = arith.constant 0 : i32
    %add3A_4 = arith.addi %mul3A_2, %add3A_3 : i32
    %mul3A_5 = arith.constant 1040 : i32
    %mul3A_6 = arith.muli %add3A_4, %mul3A_5 : i32
    "tpu.region"() ({
      %run_scoped3A = tpu.sem_alloc : memref<!tpu.dma_semaphore, #tpu.memory_space<semaphore_mem>>
      %dma_start3A_171 = tpu.memref_slice %arg2[%mul3A_6] : memref<2129920xi32, #tpu.memory_space<hbm>> -> memref<1040xi32, #tpu.memory_space<hbm>>
      %dma_start3A_172 = tpu.memref_slice %arg2[%mul3A_6] : memref<2129920xi32, #tpu.memory_space<hbm>> -> memref<1040xi32, #tpu.memory_space<hbm>>
      tpu.enqueue_dma source(%dma_start3A_172 : memref<1040xi32, #tpu.memory_space<hbm>>) target(%arg5 : memref<1040xi32, #tpu.memory_space<vmem>>) target_semaphore(%run_scoped3A : memref<!tpu.dma_semaphore, #tpu.memory_space<semaphore_mem>>)
      %dma_wait3A_173 = tpu.memref_slice %arg2[%mul3A_6] : memref<2129920xi32, #tpu.memory_space<hbm>> -> memref<1040xi32, #tpu.memory_space<hbm>>
      %dma_wait3A_174 = tpu.memref_slice %arg2[%mul3A_6] : memref<2129920xi32, #tpu.memory_space<hbm>> -> memref<1040xi32, #tpu.memory_space<hbm>>
      tpu.wait_dma2 semaphore(%run_scoped3A : memref<!tpu.dma_semaphore, #tpu.memory_space<semaphore_mem>>) src(%dma_wait3A_174 : memref<1040xi32, #tpu.memory_space<hbm>>) dst(%arg5 : memref<1040xi32, #tpu.memory_space<vmem>>)
      tpu.yield
    }) : () -> ()
    %dma_start3A = arith.constant 0 : i32
    %dma_start3A_7 = arith.constant 0 : i32
    %dma_start3A_8 = tpu.memref_slice %arg7[%dma_start3A, %dma_start3A_7] : memref<1040x32xf32, #tpu.memory_space<vmem>> -> memref<104x32xf32, #tpu.memory_space<vmem>>
    %dma_start3A_9 = arith.constant 0 : i32
    %dma_start3A_10 = tpu.memref_slice %arg5[%dma_start3A_9] : memref<1040xi32, #tpu.memory_space<vmem>> -> memref<104xi32, #tpu.memory_space<vmem>>
    %dma_start3A_11 = arith.constant 0 : i32
    %dma_start3A_12 = arith.constant 0 : i32
    %dma_start3A_13 = tpu.memref_slice %arg3[%dma_start3A_11, %dma_start3A_12] : memref<1048576x32xf32, #tpu.memory_space<hbm>> -> memref<1048576x32xf32, #tpu.memory_space<hbm>>
    tpu.enqueue_indirect_dma source(%dma_start3A_13 : memref<1048576x32xf32, #tpu.memory_space<hbm>>) target(%dma_start3A_8 : memref<104x32xf32, #tpu.memory_space<vmem>>) offsets(%dma_start3A_10 : memref<104xi32, #tpu.memory_space<vmem>>) semaphore(%arg10 : memref<!tpu.dma_semaphore, #tpu.memory_space<semaphore_mem>>)
    %dma_start3A_14 = arith.constant 104 : i32
    %dma_start3A_15 = arith.constant 0 : i32
    %dma_start3A_16 = tpu.memref_slice %arg7[%dma_start3A_14, %dma_start3A_15] : memref<1040x32xf32, #tpu.memory_space<vmem>> -> memref<104x32xf32, #tpu.memory_space<vmem>>
    %dma_start3A_17 = arith.constant 104 : i32
    %dma_start3A_18 = tpu.memref_slice %arg5[%dma_start3A_17] : memref<1040xi32, #tpu.memory_space<vmem>> -> memref<104xi32, #tpu.memory_space<vmem>>
    %dma_start3A_19 = arith.constant 0 : i32
    %dma_start3A_20 = arith.constant 0 : i32
    %dma_start3A_21 = tpu.memref_slice %arg3[%dma_start3A_19, %dma_start3A_20] : memref<1048576x32xf32, #tpu.memory_space<hbm>> -> memref<1048576x32xf32, #tpu.memory_space<hbm>>
    tpu.enqueue_indirect_dma source(%dma_start3A_21 : memref<1048576x32xf32, #tpu.memory_space<hbm>>) target(%dma_start3A_16 : memref<104x32xf32, #tpu.memory_space<vmem>>) offsets(%dma_start3A_18 : memref<104xi32, #tpu.memory_space<vmem>>) semaphore(%arg10 : memref<!tpu.dma_semaphore, #tpu.memory_space<semaphore_mem>>)
    %dma_start3A_22 = arith.constant 208 : i32
    %dma_start3A_23 = arith.constant 0 : i32
    %dma_start3A_24 = tpu.memref_slice %arg7[%dma_start3A_22, %dma_start3A_23] : memref<1040x32xf32, #tpu.memory_space<vmem>> -> memref<104x32xf32, #tpu.memory_space<vmem>>
    %dma_start3A_25 = arith.constant 208 : i32
    %dma_start3A_26 = tpu.memref_slice %arg5[%dma_start3A_25] : memref<1040xi32, #tpu.memory_space<vmem>> -> memref<104xi32, #tpu.memory_space<vmem>>
    %dma_start3A_27 = arith.constant 0 : i32
    %dma_start3A_28 = arith.constant 0 : i32
    %dma_start3A_29 = tpu.memref_slice %arg3[%dma_start3A_27, %dma_start3A_28] : memref<1048576x32xf32, #tpu.memory_space<hbm>> -> memref<1048576x32xf32, #tpu.memory_space<hbm>>
    tpu.enqueue_indirect_dma source(%dma_start3A_29 : memref<1048576x32xf32, #tpu.memory_space<hbm>>) target(%dma_start3A_24 : memref<104x32xf32, #tpu.memory_space<vmem>>) offsets(%dma_start3A_26 : memref<104xi32, #tpu.memory_space<vmem>>) semaphore(%arg10 : memref<!tpu.dma_semaphore, #tpu.memory_space<semaphore_mem>>)
    %dma_start3A_30 = arith.constant 312 : i32
    %dma_start3A_31 = arith.constant 0 : i32
    %dma_start3A_32 = tpu.memref_slice %arg7[%dma_start3A_30, %dma_start3A_31] : memref<1040x32xf32, #tpu.memory_space<vmem>> -> memref<104x32xf32, #tpu.memory_space<vmem>>
    %dma_start3A_33 = arith.constant 312 : i32
    %dma_start3A_34 = tpu.memref_slice %arg5[%dma_start3A_33] : memref<1040xi32, #tpu.memory_space<vmem>> -> memref<104xi32, #tpu.memory_space<vmem>>
    %dma_start3A_35 = arith.constant 0 : i32
    %dma_start3A_36 = arith.constant 0 : i32
    %dma_start3A_37 = tpu.memref_slice %arg3[%dma_start3A_35, %dma_start3A_36] : memref<1048576x32xf32, #tpu.memory_space<hbm>> -> memref<1048576x32xf32, #tpu.memory_space<hbm>>
    tpu.enqueue_indirect_dma source(%dma_start3A_37 : memref<1048576x32xf32, #tpu.memory_space<hbm>>) target(%dma_start3A_32 : memref<104x32xf32, #tpu.memory_space<vmem>>) offsets(%dma_start3A_34 : memref<104xi32, #tpu.memory_space<vmem>>) semaphore(%arg10 : memref<!tpu.dma_semaphore, #tpu.memory_space<semaphore_mem>>)
    %dma_start3A_38 = arith.constant 416 : i32
    %dma_start3A_39 = arith.constant 0 : i32
    %dma_start3A_40 = tpu.memref_slice %arg7[%dma_start3A_38, %dma_start3A_39] : memref<1040x32xf32, #tpu.memory_space<vmem>> -> memref<104x32xf32, #tpu.memory_space<vmem>>
    %dma_start3A_41 = arith.constant 416 : i32
    %dma_start3A_42 = tpu.memref_slice %arg5[%dma_start3A_41] : memref<1040xi32, #tpu.memory_space<vmem>> -> memref<104xi32, #tpu.memory_space<vmem>>
    %dma_start3A_43 = arith.constant 0 : i32
    %dma_start3A_44 = arith.constant 0 : i32
    %dma_start3A_45 = tpu.memref_slice %arg3[%dma_start3A_43, %dma_start3A_44] : memref<1048576x32xf32, #tpu.memory_space<hbm>> -> memref<1048576x32xf32, #tpu.memory_space<hbm>>
    tpu.enqueue_indirect_dma source(%dma_start3A_45 : memref<1048576x32xf32, #tpu.memory_space<hbm>>) target(%dma_start3A_40 : memref<104x32xf32, #tpu.memory_space<vmem>>) offsets(%dma_start3A_42 : memref<104xi32, #tpu.memory_space<vmem>>) semaphore(%arg10 : memref<!tpu.dma_semaphore, #tpu.memory_space<semaphore_mem>>)
    %dma_start3A_46 = arith.constant 520 : i32
    %dma_start3A_47 = arith.constant 0 : i32
    %dma_start3A_48 = tpu.memref_slice %arg7[%dma_start3A_46, %dma_start3A_47] : memref<1040x32xf32, #tpu.memory_space<vmem>> -> memref<104x32xf32, #tpu.memory_space<vmem>>
    %dma_start3A_49 = arith.constant 520 : i32
    %dma_start3A_50 = tpu.memref_slice %arg5[%dma_start3A_49] : memref<1040xi32, #tpu.memory_space<vmem>> -> memref<104xi32, #tpu.memory_space<vmem>>
    %dma_start3A_51 = arith.constant 0 : i32
    %dma_start3A_52 = arith.constant 0 : i32
    %dma_start3A_53 = tpu.memref_slice %arg3[%dma_start3A_51, %dma_start3A_52] : memref<1048576x32xf32, #tpu.memory_space<hbm>> -> memref<1048576x32xf32, #tpu.memory_space<hbm>>
    tpu.enqueue_indirect_dma source(%dma_start3A_53 : memref<1048576x32xf32, #tpu.memory_space<hbm>>) target(%dma_start3A_48 : memref<104x32xf32, #tpu.memory_space<vmem>>) offsets(%dma_start3A_50 : memref<104xi32, #tpu.memory_space<vmem>>) semaphore(%arg10 : memref<!tpu.dma_semaphore, #tpu.memory_space<semaphore_mem>>)
    %dma_start3A_54 = arith.constant 624 : i32
    %dma_start3A_55 = arith.constant 0 : i32
    %dma_start3A_56 = tpu.memref_slice %arg7[%dma_start3A_54, %dma_start3A_55] : memref<1040x32xf32, #tpu.memory_space<vmem>> -> memref<104x32xf32, #tpu.memory_space<vmem>>
    %dma_start3A_57 = arith.constant 624 : i32
    %dma_start3A_58 = tpu.memref_slice %arg5[%dma_start3A_57] : memref<1040xi32, #tpu.memory_space<vmem>> -> memref<104xi32, #tpu.memory_space<vmem>>
    %dma_start3A_59 = arith.constant 0 : i32
    %dma_start3A_60 = arith.constant 0 : i32
    %dma_start3A_61 = tpu.memref_slice %arg3[%dma_start3A_59, %dma_start3A_60] : memref<1048576x32xf32, #tpu.memory_space<hbm>> -> memref<1048576x32xf32, #tpu.memory_space<hbm>>
    tpu.enqueue_indirect_dma source(%dma_start3A_61 : memref<1048576x32xf32, #tpu.memory_space<hbm>>) target(%dma_start3A_56 : memref<104x32xf32, #tpu.memory_space<vmem>>) offsets(%dma_start3A_58 : memref<104xi32, #tpu.memory_space<vmem>>) semaphore(%arg10 : memref<!tpu.dma_semaphore, #tpu.memory_space<semaphore_mem>>)
    %dma_start3A_62 = arith.constant 728 : i32
    %dma_start3A_63 = arith.constant 0 : i32
    %dma_start3A_64 = tpu.memref_slice %arg7[%dma_start3A_62, %dma_start3A_63] : memref<1040x32xf32, #tpu.memory_space<vmem>> -> memref<104x32xf32, #tpu.memory_space<vmem>>
    %dma_start3A_65 = arith.constant 728 : i32
    %dma_start3A_66 = tpu.memref_slice %arg5[%dma_start3A_65] : memref<1040xi32, #tpu.memory_space<vmem>> -> memref<104xi32, #tpu.memory_space<vmem>>
    %dma_start3A_67 = arith.constant 0 : i32
    %dma_start3A_68 = arith.constant 0 : i32
    %dma_start3A_69 = tpu.memref_slice %arg3[%dma_start3A_67, %dma_start3A_68] : memref<1048576x32xf32, #tpu.memory_space<hbm>> -> memref<1048576x32xf32, #tpu.memory_space<hbm>>
    tpu.enqueue_indirect_dma source(%dma_start3A_69 : memref<1048576x32xf32, #tpu.memory_space<hbm>>) target(%dma_start3A_64 : memref<104x32xf32, #tpu.memory_space<vmem>>) offsets(%dma_start3A_66 : memref<104xi32, #tpu.memory_space<vmem>>) semaphore(%arg10 : memref<!tpu.dma_semaphore, #tpu.memory_space<semaphore_mem>>)
    %dma_start3A_70 = arith.constant 832 : i32
    %dma_start3A_71 = arith.constant 0 : i32
    %dma_start3A_72 = tpu.memref_slice %arg7[%dma_start3A_70, %dma_start3A_71] : memref<1040x32xf32, #tpu.memory_space<vmem>> -> memref<104x32xf32, #tpu.memory_space<vmem>>
    %dma_start3A_73 = arith.constant 832 : i32
    %dma_start3A_74 = tpu.memref_slice %arg5[%dma_start3A_73] : memref<1040xi32, #tpu.memory_space<vmem>> -> memref<104xi32, #tpu.memory_space<vmem>>
    %dma_start3A_75 = arith.constant 0 : i32
    %dma_start3A_76 = arith.constant 0 : i32
    %dma_start3A_77 = tpu.memref_slice %arg3[%dma_start3A_75, %dma_start3A_76] : memref<1048576x32xf32, #tpu.memory_space<hbm>> -> memref<1048576x32xf32, #tpu.memory_space<hbm>>
    tpu.enqueue_indirect_dma source(%dma_start3A_77 : memref<1048576x32xf32, #tpu.memory_space<hbm>>) target(%dma_start3A_72 : memref<104x32xf32, #tpu.memory_space<vmem>>) offsets(%dma_start3A_74 : memref<104xi32, #tpu.memory_space<vmem>>) semaphore(%arg10 : memref<!tpu.dma_semaphore, #tpu.memory_space<semaphore_mem>>)
    %dma_start3A_78 = arith.constant 936 : i32
    %dma_start3A_79 = arith.constant 0 : i32
    %dma_start3A_80 = tpu.memref_slice %arg7[%dma_start3A_78, %dma_start3A_79] : memref<1040x32xf32, #tpu.memory_space<vmem>> -> memref<104x32xf32, #tpu.memory_space<vmem>>
    %dma_start3A_81 = arith.constant 936 : i32
    %dma_start3A_82 = tpu.memref_slice %arg5[%dma_start3A_81] : memref<1040xi32, #tpu.memory_space<vmem>> -> memref<104xi32, #tpu.memory_space<vmem>>
    %dma_start3A_83 = arith.constant 0 : i32
    %dma_start3A_84 = arith.constant 0 : i32
    %dma_start3A_85 = tpu.memref_slice %arg3[%dma_start3A_83, %dma_start3A_84] : memref<1048576x32xf32, #tpu.memory_space<hbm>> -> memref<1048576x32xf32, #tpu.memory_space<hbm>>
    tpu.enqueue_indirect_dma source(%dma_start3A_85 : memref<1048576x32xf32, #tpu.memory_space<hbm>>) target(%dma_start3A_80 : memref<104x32xf32, #tpu.memory_space<vmem>>) offsets(%dma_start3A_82 : memref<104xi32, #tpu.memory_space<vmem>>) semaphore(%arg10 : memref<!tpu.dma_semaphore, #tpu.memory_space<semaphore_mem>>)
    %scan3A = arith.constant 0 : i32
    %scan3A_86 = arith.constant 5.000000e-02 : f32
    %scan3A_87 = arith.constant 0 : i32
    %scan3A_88 = arith.constant 32 : i32
    %scan3A_89 = arith.addi %scan3A_87, %scan3A_88 : i32
    %scan3A_90 = arith.constant 1 : i32
    scf.for %scan3A_171 = %scan3A_87 to %scan3A_89 step %scan3A_90  : i32 {
      %mul3A_172 = arith.constant 2 : i32
      %mul3A_173 = arith.muli %mul3A_172, %scan3A_171 : i32
      %mul3A_174 = arith.constant 2 : i32
      %mul3A_175 = arith.muli %mul3A_174, %scan3A_171 : i32
      %add3A_176 = arith.constant 1 : i32
      %add3A_177 = arith.addi %mul3A_175, %add3A_176 : i32
      %mul3A_178 = arith.constant 64 : i32
      %mul3A_179 = arith.muli %add3A, %mul3A_178 : i32
      %add3A_180 = arith.addi %mul3A_179, %add3A_177 : i32
      %mul3A_181 = arith.constant 1040 : i32
      %mul3A_182 = arith.muli %add3A_180, %mul3A_181 : i32
      "tpu.region"() ({
        %run_scoped3A = tpu.sem_alloc : memref<!tpu.dma_semaphore, #tpu.memory_space<semaphore_mem>>
        %dma_start3A_557 = tpu.memref_slice %arg2[%mul3A_182] : memref<2129920xi32, #tpu.memory_space<hbm>> -> memref<1040xi32, #tpu.memory_space<hbm>>
        %dma_start3A_558 = tpu.memref_slice %arg2[%mul3A_182] : memref<2129920xi32, #tpu.memory_space<hbm>> -> memref<1040xi32, #tpu.memory_space<hbm>>
        tpu.enqueue_dma source(%dma_start3A_558 : memref<1040xi32, #tpu.memory_space<hbm>>) target(%arg6 : memref<1040xi32, #tpu.memory_space<vmem>>) target_semaphore(%run_scoped3A : memref<!tpu.dma_semaphore, #tpu.memory_space<semaphore_mem>>)
        %dma_wait3A_559 = tpu.memref_slice %arg2[%mul3A_182] : memref<2129920xi32, #tpu.memory_space<hbm>> -> memref<1040xi32, #tpu.memory_space<hbm>>
        %dma_wait3A_560 = tpu.memref_slice %arg2[%mul3A_182] : memref<2129920xi32, #tpu.memory_space<hbm>> -> memref<1040xi32, #tpu.memory_space<hbm>>
        tpu.wait_dma2 semaphore(%run_scoped3A : memref<!tpu.dma_semaphore, #tpu.memory_space<semaphore_mem>>) src(%dma_wait3A_560 : memref<1040xi32, #tpu.memory_space<hbm>>) dst(%arg6 : memref<1040xi32, #tpu.memory_space<vmem>>)
        tpu.yield
      }) : () -> ()
      %dma_start3A_183 = arith.constant 0 : i32
      %dma_start3A_184 = arith.constant 0 : i32
      %dma_start3A_185 = tpu.memref_slice %arg8[%dma_start3A_183, %dma_start3A_184] : memref<1040x32xf32, #tpu.memory_space<vmem>> -> memref<104x32xf32, #tpu.memory_space<vmem>>
      %dma_start3A_186 = arith.constant 0 : i32
      %dma_start3A_187 = tpu.memref_slice %arg6[%dma_start3A_186] : memref<1040xi32, #tpu.memory_space<vmem>> -> memref<104xi32, #tpu.memory_space<vmem>>
      %dma_start3A_188 = arith.constant 0 : i32
      %dma_start3A_189 = arith.constant 0 : i32
      %dma_start3A_190 = tpu.memref_slice %arg3[%dma_start3A_188, %dma_start3A_189] : memref<1048576x32xf32, #tpu.memory_space<hbm>> -> memref<1048576x32xf32, #tpu.memory_space<hbm>>
      tpu.enqueue_indirect_dma source(%dma_start3A_190 : memref<1048576x32xf32, #tpu.memory_space<hbm>>) target(%dma_start3A_185 : memref<104x32xf32, #tpu.memory_space<vmem>>) offsets(%dma_start3A_187 : memref<104xi32, #tpu.memory_space<vmem>>) semaphore(%arg11 : memref<!tpu.dma_semaphore, #tpu.memory_space<semaphore_mem>>)
      %dma_start3A_191 = arith.constant 104 : i32
      %dma_start3A_192 = arith.constant 0 : i32
      %dma_start3A_193 = tpu.memref_slice %arg8[%dma_start3A_191, %dma_start3A_192] : memref<1040x32xf32, #tpu.memory_space<vmem>> -> memref<104x32xf32, #tpu.memory_space<vmem>>
      %dma_start3A_194 = arith.constant 104 : i32
      %dma_start3A_195 = tpu.memref_slice %arg6[%dma_start3A_194] : memref<1040xi32, #tpu.memory_space<vmem>> -> memref<104xi32, #tpu.memory_space<vmem>>
      %dma_start3A_196 = arith.constant 0 : i32
      %dma_start3A_197 = arith.constant 0 : i32
      %dma_start3A_198 = tpu.memref_slice %arg3[%dma_start3A_196, %dma_start3A_197] : memref<1048576x32xf32, #tpu.memory_space<hbm>> -> memref<1048576x32xf32, #tpu.memory_space<hbm>>
      tpu.enqueue_indirect_dma source(%dma_start3A_198 : memref<1048576x32xf32, #tpu.memory_space<hbm>>) target(%dma_start3A_193 : memref<104x32xf32, #tpu.memory_space<vmem>>) offsets(%dma_start3A_195 : memref<104xi32, #tpu.memory_space<vmem>>) semaphore(%arg11 : memref<!tpu.dma_semaphore, #tpu.memory_space<semaphore_mem>>)
      %dma_start3A_199 = arith.constant 208 : i32
      %dma_start3A_200 = arith.constant 0 : i32
      %dma_start3A_201 = tpu.memref_slice %arg8[%dma_start3A_199, %dma_start3A_200] : memref<1040x32xf32, #tpu.memory_space<vmem>> -> memref<104x32xf32, #tpu.memory_space<vmem>>
      %dma_start3A_202 = arith.constant 208 : i32
      %dma_start3A_203 = tpu.memref_slice %arg6[%dma_start3A_202] : memref<1040xi32, #tpu.memory_space<vmem>> -> memref<104xi32, #tpu.memory_space<vmem>>
      %dma_start3A_204 = arith.constant 0 : i32
      %dma_start3A_205 = arith.constant 0 : i32
      %dma_start3A_206 = tpu.memref_slice %arg3[%dma_start3A_204, %dma_start3A_205] : memref<1048576x32xf32, #tpu.memory_space<hbm>> -> memref<1048576x32xf32, #tpu.memory_space<hbm>>
      tpu.enqueue_indirect_dma source(%dma_start3A_206 : memref<1048576x32xf32, #tpu.memory_space<hbm>>) target(%dma_start3A_201 : memref<104x32xf32, #tpu.memory_space<vmem>>) offsets(%dma_start3A_203 : memref<104xi32, #tpu.memory_space<vmem>>) semaphore(%arg11 : memref<!tpu.dma_semaphore, #tpu.memory_space<semaphore_mem>>)
      %dma_start3A_207 = arith.constant 312 : i32
      %dma_start3A_208 = arith.constant 0 : i32
      %dma_start3A_209 = tpu.memref_slice %arg8[%dma_start3A_207, %dma_start3A_208] : memref<1040x32xf32, #tpu.memory_space<vmem>> -> memref<104x32xf32, #tpu.memory_space<vmem>>
      %dma_start3A_210 = arith.constant 312 : i32
      %dma_start3A_211 = tpu.memref_slice %arg6[%dma_start3A_210] : memref<1040xi32, #tpu.memory_space<vmem>> -> memref<104xi32, #tpu.memory_space<vmem>>
      %dma_start3A_212 = arith.constant 0 : i32
      %dma_start3A_213 = arith.constant 0 : i32
      %dma_start3A_214 = tpu.memref_slice %arg3[%dma_start3A_212, %dma_start3A_213] : memref<1048576x32xf32, #tpu.memory_space<hbm>> -> memref<1048576x32xf32, #tpu.memory_space<hbm>>
      tpu.enqueue_indirect_dma source(%dma_start3A_214 : memref<1048576x32xf32, #tpu.memory_space<hbm>>) target(%dma_start3A_209 : memref<104x32xf32, #tpu.memory_space<vmem>>) offsets(%dma_start3A_211 : memref<104xi32, #tpu.memory_space<vmem>>) semaphore(%arg11 : memref<!tpu.dma_semaphore, #tpu.memory_space<semaphore_mem>>)
      %dma_start3A_215 = arith.constant 416 : i32
      %dma_start3A_216 = arith.constant 0 : i32
      %dma_start3A_217 = tpu.memref_slice %arg8[%dma_start3A_215, %dma_start3A_216] : memref<1040x32xf32, #tpu.memory_space<vmem>> -> memref<104x32xf32, #tpu.memory_space<vmem>>
      %dma_start3A_218 = arith.constant 416 : i32
      %dma_start3A_219 = tpu.memref_slice %arg6[%dma_start3A_218] : memref<1040xi32, #tpu.memory_space<vmem>> -> memref<104xi32, #tpu.memory_space<vmem>>
      %dma_start3A_220 = arith.constant 0 : i32
      %dma_start3A_221 = arith.constant 0 : i32
      %dma_start3A_222 = tpu.memref_slice %arg3[%dma_start3A_220, %dma_start3A_221] : memref<1048576x32xf32, #tpu.memory_space<hbm>> -> memref<1048576x32xf32, #tpu.memory_space<hbm>>
      tpu.enqueue_indirect_dma source(%dma_start3A_222 : memref<1048576x32xf32, #tpu.memory_space<hbm>>) target(%dma_start3A_217 : memref<104x32xf32, #tpu.memory_space<vmem>>) offsets(%dma_start3A_219 : memref<104xi32, #tpu.memory_space<vmem>>) semaphore(%arg11 : memref<!tpu.dma_semaphore, #tpu.memory_space<semaphore_mem>>)
      %dma_start3A_223 = arith.constant 520 : i32
      %dma_start3A_224 = arith.constant 0 : i32
      %dma_start3A_225 = tpu.memref_slice %arg8[%dma_start3A_223, %dma_start3A_224] : memref<1040x32xf32, #tpu.memory_space<vmem>> -> memref<104x32xf32, #tpu.memory_space<vmem>>
      %dma_start3A_226 = arith.constant 520 : i32
      %dma_start3A_227 = tpu.memref_slice %arg6[%dma_start3A_226] : memref<1040xi32, #tpu.memory_space<vmem>> -> memref<104xi32, #tpu.memory_space<vmem>>
      %dma_start3A_228 = arith.constant 0 : i32
      %dma_start3A_229 = arith.constant 0 : i32
      %dma_start3A_230 = tpu.memref_slice %arg3[%dma_start3A_228, %dma_start3A_229] : memref<1048576x32xf32, #tpu.memory_space<hbm>> -> memref<1048576x32xf32, #tpu.memory_space<hbm>>
      tpu.enqueue_indirect_dma source(%dma_start3A_230 : memref<1048576x32xf32, #tpu.memory_space<hbm>>) target(%dma_start3A_225 : memref<104x32xf32, #tpu.memory_space<vmem>>) offsets(%dma_start3A_227 : memref<104xi32, #tpu.memory_space<vmem>>) semaphore(%arg11 : memref<!tpu.dma_semaphore, #tpu.memory_space<semaphore_mem>>)
      %dma_start3A_231 = arith.constant 624 : i32
      %dma_start3A_232 = arith.constant 0 : i32
      %dma_start3A_233 = tpu.memref_slice %arg8[%dma_start3A_231, %dma_start3A_232] : memref<1040x32xf32, #tpu.memory_space<vmem>> -> memref<104x32xf32, #tpu.memory_space<vmem>>
      %dma_start3A_234 = arith.constant 624 : i32
      %dma_start3A_235 = tpu.memref_slice %arg6[%dma_start3A_234] : memref<1040xi32, #tpu.memory_space<vmem>> -> memref<104xi32, #tpu.memory_space<vmem>>
      %dma_start3A_236 = arith.constant 0 : i32
      %dma_start3A_237 = arith.constant 0 : i32
      %dma_start3A_238 = tpu.memref_slice %arg3[%dma_start3A_236, %dma_start3A_237] : memref<1048576x32xf32, #tpu.memory_space<hbm>> -> memref<1048576x32xf32, #tpu.memory_space<hbm>>
      tpu.enqueue_indirect_dma source(%dma_start3A_238 : memref<1048576x32xf32, #tpu.memory_space<hbm>>) target(%dma_start3A_233 : memref<104x32xf32, #tpu.memory_space<vmem>>) offsets(%dma_start3A_235 : memref<104xi32, #tpu.memory_space<vmem>>) semaphore(%arg11 : memref<!tpu.dma_semaphore, #tpu.memory_space<semaphore_mem>>)
      %dma_start3A_239 = arith.constant 728 : i32
      %dma_start3A_240 = arith.constant 0 : i32
      %dma_start3A_241 = tpu.memref_slice %arg8[%dma_start3A_239, %dma_start3A_240] : memref<1040x32xf32, #tpu.memory_space<vmem>> -> memref<104x32xf32, #tpu.memory_space<vmem>>
      %dma_start3A_242 = arith.constant 728 : i32
      %dma_start3A_243 = tpu.memref_slice %arg6[%dma_start3A_242] : memref<1040xi32, #tpu.memory_space<vmem>> -> memref<104xi32, #tpu.memory_space<vmem>>
      %dma_start3A_244 = arith.constant 0 : i32
      %dma_start3A_245 = arith.constant 0 : i32
      %dma_start3A_246 = tpu.memref_slice %arg3[%dma_start3A_244, %dma_start3A_245] : memref<1048576x32xf32, #tpu.memory_space<hbm>> -> memref<1048576x32xf32, #tpu.memory_space<hbm>>
      tpu.enqueue_indirect_dma source(%dma_start3A_246 : memref<1048576x32xf32, #tpu.memory_space<hbm>>) target(%dma_start3A_241 : memref<104x32xf32, #tpu.memory_space<vmem>>) offsets(%dma_start3A_243 : memref<104xi32, #tpu.memory_space<vmem>>) semaphore(%arg11 : memref<!tpu.dma_semaphore, #tpu.memory_space<semaphore_mem>>)
      %dma_start3A_247 = arith.constant 832 : i32
      %dma_start3A_248 = arith.constant 0 : i32
      %dma_start3A_249 = tpu.memref_slice %arg8[%dma_start3A_247, %dma_start3A_248] : memref<1040x32xf32, #tpu.memory_space<vmem>> -> memref<104x32xf32, #tpu.memory_space<vmem>>
      %dma_start3A_250 = arith.constant 832 : i32
      %dma_start3A_251 = tpu.memref_slice %arg6[%dma_start3A_250] : memref<1040xi32, #tpu.memory_space<vmem>> -> memref<104xi32, #tpu.memory_space<vmem>>
      %dma_start3A_252 = arith.constant 0 : i32
      %dma_start3A_253 = arith.constant 0 : i32
      %dma_start3A_254 = tpu.memref_slice %arg3[%dma_start3A_252, %dma_start3A_253] : memref<1048576x32xf32, #tpu.memory_space<hbm>> -> memref<1048576x32xf32, #tpu.memory_space<hbm>>
      tpu.enqueue_indirect_dma source(%dma_start3A_254 : memref<1048576x32xf32, #tpu.memory_space<hbm>>) target(%dma_start3A_249 : memref<104x32xf32, #tpu.memory_space<vmem>>) offsets(%dma_start3A_251 : memref<104xi32, #tpu.memory_space<vmem>>) semaphore(%arg11 : memref<!tpu.dma_semaphore, #tpu.memory_space<semaphore_mem>>)
      %dma_start3A_255 = arith.constant 936 : i32
      %dma_start3A_256 = arith.constant 0 : i32
      %dma_start3A_257 = tpu.memref_slice %arg8[%dma_start3A_255, %dma_start3A_256] : memref<1040x32xf32, #tpu.memory_space<vmem>> -> memref<104x32xf32, #tpu.memory_space<vmem>>
      %dma_start3A_258 = arith.constant 936 : i32
      %dma_start3A_259 = tpu.memref_slice %arg6[%dma_start3A_258] : memref<1040xi32, #tpu.memory_space<vmem>> -> memref<104xi32, #tpu.memory_space<vmem>>
      %dma_start3A_260 = arith.constant 0 : i32
      %dma_start3A_261 = arith.constant 0 : i32
      %dma_start3A_262 = tpu.memref_slice %arg3[%dma_start3A_260, %dma_start3A_261] : memref<1048576x32xf32, #tpu.memory_space<hbm>> -> memref<1048576x32xf32, #tpu.memory_space<hbm>>
      tpu.enqueue_indirect_dma source(%dma_start3A_262 : memref<1048576x32xf32, #tpu.memory_space<hbm>>) target(%dma_start3A_257 : memref<104x32xf32, #tpu.memory_space<vmem>>) offsets(%dma_start3A_259 : memref<104xi32, #tpu.memory_space<vmem>>) semaphore(%arg11 : memref<!tpu.dma_semaphore, #tpu.memory_space<semaphore_mem>>)
      %dma_wait3A_263 = arith.constant 0 : i32
      %dma_wait3A_264 = arith.constant 0 : i32
      %dma_wait3A_265 = tpu.memref_slice %arg7[%dma_wait3A_263, %dma_wait3A_264] : memref<1040x32xf32, #tpu.memory_space<vmem>> -> memref<104x32xf32, #tpu.memory_space<vmem>>
      %dma_wait3A_266 = arith.constant 0 : i32
      %dma_wait3A_267 = tpu.memref_slice %arg5[%dma_wait3A_266] : memref<1040xi32, #tpu.memory_space<vmem>> -> memref<104xi32, #tpu.memory_space<vmem>>
      %dma_wait3A_268 = arith.constant 0 : i32
      %dma_wait3A_269 = arith.constant 0 : i32
      %dma_wait3A_270 = tpu.memref_slice %arg3[%dma_wait3A_268, %dma_wait3A_269] : memref<1048576x32xf32, #tpu.memory_space<hbm>> -> memref<1048576x32xf32, #tpu.memory_space<hbm>>
      tpu.wait_indirect_dma semaphore(%arg10 : memref<!tpu.dma_semaphore, #tpu.memory_space<semaphore_mem>>) src(%dma_wait3A_270 : memref<1048576x32xf32, #tpu.memory_space<hbm>>) dst(%dma_wait3A_265 : memref<104x32xf32, #tpu.memory_space<vmem>>)
      %dma_wait3A_271 = arith.constant 104 : i32
      %dma_wait3A_272 = arith.constant 0 : i32
      %dma_wait3A_273 = tpu.memref_slice %arg7[%dma_wait3A_271, %dma_wait3A_272] : memref<1040x32xf32, #tpu.memory_space<vmem>> -> memref<104x32xf32, #tpu.memory_space<vmem>>
      %dma_wait3A_274 = arith.constant 104 : i32
      %dma_wait3A_275 = tpu.memref_slice %arg5[%dma_wait3A_274] : memref<1040xi32, #tpu.memory_space<vmem>> -> memref<104xi32, #tpu.memory_space<vmem>>
      %dma_wait3A_276 = arith.constant 0 : i32
      %dma_wait3A_277 = arith.constant 0 : i32
      %dma_wait3A_278 = tpu.memref_slice %arg3[%dma_wait3A_276, %dma_wait3A_277] : memref<1048576x32xf32, #tpu.memory_space<hbm>> -> memref<1048576x32xf32, #tpu.memory_space<hbm>>
      tpu.wait_indirect_dma semaphore(%arg10 : memref<!tpu.dma_semaphore, #tpu.memory_space<semaphore_mem>>) src(%dma_wait3A_278 : memref<1048576x32xf32, #tpu.memory_space<hbm>>) dst(%dma_wait3A_273 : memref<104x32xf32, #tpu.memory_space<vmem>>)
      %dma_wait3A_279 = arith.constant 208 : i32
      %dma_wait3A_280 = arith.constant 0 : i32
      %dma_wait3A_281 = tpu.memref_slice %arg7[%dma_wait3A_279, %dma_wait3A_280] : memref<1040x32xf32, #tpu.memory_space<vmem>> -> memref<104x32xf32, #tpu.memory_space<vmem>>
      %dma_wait3A_282 = arith.constant 208 : i32
      %dma_wait3A_283 = tpu.memref_slice %arg5[%dma_wait3A_282] : memref<1040xi32, #tpu.memory_space<vmem>> -> memref<104xi32, #tpu.memory_space<vmem>>
      %dma_wait3A_284 = arith.constant 0 : i32
      %dma_wait3A_285 = arith.constant 0 : i32
      %dma_wait3A_286 = tpu.memref_slice %arg3[%dma_wait3A_284, %dma_wait3A_285] : memref<1048576x32xf32, #tpu.memory_space<hbm>> -> memref<1048576x32xf32, #tpu.memory_space<hbm>>
      tpu.wait_indirect_dma semaphore(%arg10 : memref<!tpu.dma_semaphore, #tpu.memory_space<semaphore_mem>>) src(%dma_wait3A_286 : memref<1048576x32xf32, #tpu.memory_space<hbm>>) dst(%dma_wait3A_281 : memref<104x32xf32, #tpu.memory_space<vmem>>)
      %dma_wait3A_287 = arith.constant 312 : i32
      %dma_wait3A_288 = arith.constant 0 : i32
      %dma_wait3A_289 = tpu.memref_slice %arg7[%dma_wait3A_287, %dma_wait3A_288] : memref<1040x32xf32, #tpu.memory_space<vmem>> -> memref<104x32xf32, #tpu.memory_space<vmem>>
      %dma_wait3A_290 = arith.constant 312 : i32
      %dma_wait3A_291 = tpu.memref_slice %arg5[%dma_wait3A_290] : memref<1040xi32, #tpu.memory_space<vmem>> -> memref<104xi32, #tpu.memory_space<vmem>>
      %dma_wait3A_292 = arith.constant 0 : i32
      %dma_wait3A_293 = arith.constant 0 : i32
      %dma_wait3A_294 = tpu.memref_slice %arg3[%dma_wait3A_292, %dma_wait3A_293] : memref<1048576x32xf32, #tpu.memory_space<hbm>> -> memref<1048576x32xf32, #tpu.memory_space<hbm>>
      tpu.wait_indirect_dma semaphore(%arg10 : memref<!tpu.dma_semaphore, #tpu.memory_space<semaphore_mem>>) src(%dma_wait3A_294 : memref<1048576x32xf32, #tpu.memory_space<hbm>>) dst(%dma_wait3A_289 : memref<104x32xf32, #tpu.memory_space<vmem>>)
      %dma_wait3A_295 = arith.constant 416 : i32
      %dma_wait3A_296 = arith.constant 0 : i32
      %dma_wait3A_297 = tpu.memref_slice %arg7[%dma_wait3A_295, %dma_wait3A_296] : memref<1040x32xf32, #tpu.memory_space<vmem>> -> memref<104x32xf32, #tpu.memory_space<vmem>>
      %dma_wait3A_298 = arith.constant 416 : i32
      %dma_wait3A_299 = tpu.memref_slice %arg5[%dma_wait3A_298] : memref<1040xi32, #tpu.memory_space<vmem>> -> memref<104xi32, #tpu.memory_space<vmem>>
      %dma_wait3A_300 = arith.constant 0 : i32
      %dma_wait3A_301 = arith.constant 0 : i32
      %dma_wait3A_302 = tpu.memref_slice %arg3[%dma_wait3A_300, %dma_wait3A_301] : memref<1048576x32xf32, #tpu.memory_space<hbm>> -> memref<1048576x32xf32, #tpu.memory_space<hbm>>
      tpu.wait_indirect_dma semaphore(%arg10 : memref<!tpu.dma_semaphore, #tpu.memory_space<semaphore_mem>>) src(%dma_wait3A_302 : memref<1048576x32xf32, #tpu.memory_space<hbm>>) dst(%dma_wait3A_297 : memref<104x32xf32, #tpu.memory_space<vmem>>)
      %dma_wait3A_303 = arith.constant 520 : i32
      %dma_wait3A_304 = arith.constant 0 : i32
      %dma_wait3A_305 = tpu.memref_slice %arg7[%dma_wait3A_303, %dma_wait3A_304] : memref<1040x32xf32, #tpu.memory_space<vmem>> -> memref<104x32xf32, #tpu.memory_space<vmem>>
      %dma_wait3A_306 = arith.constant 520 : i32
      %dma_wait3A_307 = tpu.memref_slice %arg5[%dma_wait3A_306] : memref<1040xi32, #tpu.memory_space<vmem>> -> memref<104xi32, #tpu.memory_space<vmem>>
      %dma_wait3A_308 = arith.constant 0 : i32
      %dma_wait3A_309 = arith.constant 0 : i32
      %dma_wait3A_310 = tpu.memref_slice %arg3[%dma_wait3A_308, %dma_wait3A_309] : memref<1048576x32xf32, #tpu.memory_space<hbm>> -> memref<1048576x32xf32, #tpu.memory_space<hbm>>
      tpu.wait_indirect_dma semaphore(%arg10 : memref<!tpu.dma_semaphore, #tpu.memory_space<semaphore_mem>>) src(%dma_wait3A_310 : memref<1048576x32xf32, #tpu.memory_space<hbm>>) dst(%dma_wait3A_305 : memref<104x32xf32, #tpu.memory_space<vmem>>)
      %dma_wait3A_311 = arith.constant 624 : i32
      %dma_wait3A_312 = arith.constant 0 : i32
      %dma_wait3A_313 = tpu.memref_slice %arg7[%dma_wait3A_311, %dma_wait3A_312] : memref<1040x32xf32, #tpu.memory_space<vmem>> -> memref<104x32xf32, #tpu.memory_space<vmem>>
      %dma_wait3A_314 = arith.constant 624 : i32
      %dma_wait3A_315 = tpu.memref_slice %arg5[%dma_wait3A_314] : memref<1040xi32, #tpu.memory_space<vmem>> -> memref<104xi32, #tpu.memory_space<vmem>>
      %dma_wait3A_316 = arith.constant 0 : i32
      %dma_wait3A_317 = arith.constant 0 : i32
      %dma_wait3A_318 = tpu.memref_slice %arg3[%dma_wait3A_316, %dma_wait3A_317] : memref<1048576x32xf32, #tpu.memory_space<hbm>> -> memref<1048576x32xf32, #tpu.memory_space<hbm>>
      tpu.wait_indirect_dma semaphore(%arg10 : memref<!tpu.dma_semaphore, #tpu.memory_space<semaphore_mem>>) src(%dma_wait3A_318 : memref<1048576x32xf32, #tpu.memory_space<hbm>>) dst(%dma_wait3A_313 : memref<104x32xf32, #tpu.memory_space<vmem>>)
      %dma_wait3A_319 = arith.constant 728 : i32
      %dma_wait3A_320 = arith.constant 0 : i32
      %dma_wait3A_321 = tpu.memref_slice %arg7[%dma_wait3A_319, %dma_wait3A_320] : memref<1040x32xf32, #tpu.memory_space<vmem>> -> memref<104x32xf32, #tpu.memory_space<vmem>>
      %dma_wait3A_322 = arith.constant 728 : i32
      %dma_wait3A_323 = tpu.memref_slice %arg5[%dma_wait3A_322] : memref<1040xi32, #tpu.memory_space<vmem>> -> memref<104xi32, #tpu.memory_space<vmem>>
      %dma_wait3A_324 = arith.constant 0 : i32
      %dma_wait3A_325 = arith.constant 0 : i32
      %dma_wait3A_326 = tpu.memref_slice %arg3[%dma_wait3A_324, %dma_wait3A_325] : memref<1048576x32xf32, #tpu.memory_space<hbm>> -> memref<1048576x32xf32, #tpu.memory_space<hbm>>
      tpu.wait_indirect_dma semaphore(%arg10 : memref<!tpu.dma_semaphore, #tpu.memory_space<semaphore_mem>>) src(%dma_wait3A_326 : memref<1048576x32xf32, #tpu.memory_space<hbm>>) dst(%dma_wait3A_321 : memref<104x32xf32, #tpu.memory_space<vmem>>)
      %dma_wait3A_327 = arith.constant 832 : i32
      %dma_wait3A_328 = arith.constant 0 : i32
      %dma_wait3A_329 = tpu.memref_slice %arg7[%dma_wait3A_327, %dma_wait3A_328] : memref<1040x32xf32, #tpu.memory_space<vmem>> -> memref<104x32xf32, #tpu.memory_space<vmem>>
      %dma_wait3A_330 = arith.constant 832 : i32
      %dma_wait3A_331 = tpu.memref_slice %arg5[%dma_wait3A_330] : memref<1040xi32, #tpu.memory_space<vmem>> -> memref<104xi32, #tpu.memory_space<vmem>>
      %dma_wait3A_332 = arith.constant 0 : i32
      %dma_wait3A_333 = arith.constant 0 : i32
      %dma_wait3A_334 = tpu.memref_slice %arg3[%dma_wait3A_332, %dma_wait3A_333] : memref<1048576x32xf32, #tpu.memory_space<hbm>> -> memref<1048576x32xf32, #tpu.memory_space<hbm>>
      tpu.wait_indirect_dma semaphore(%arg10 : memref<!tpu.dma_semaphore, #tpu.memory_space<semaphore_mem>>) src(%dma_wait3A_334 : memref<1048576x32xf32, #tpu.memory_space<hbm>>) dst(%dma_wait3A_329 : memref<104x32xf32, #tpu.memory_space<vmem>>)
      %dma_wait3A_335 = arith.constant 936 : i32
      %dma_wait3A_336 = arith.constant 0 : i32
      %dma_wait3A_337 = tpu.memref_slice %arg7[%dma_wait3A_335, %dma_wait3A_336] : memref<1040x32xf32, #tpu.memory_space<vmem>> -> memref<104x32xf32, #tpu.memory_space<vmem>>
      %dma_wait3A_338 = arith.constant 936 : i32
      %dma_wait3A_339 = tpu.memref_slice %arg5[%dma_wait3A_338] : memref<1040xi32, #tpu.memory_space<vmem>> -> memref<104xi32, #tpu.memory_space<vmem>>
      %dma_wait3A_340 = arith.constant 0 : i32
      %dma_wait3A_341 = arith.constant 0 : i32
      %dma_wait3A_342 = tpu.memref_slice %arg3[%dma_wait3A_340, %dma_wait3A_341] : memref<1048576x32xf32, #tpu.memory_space<hbm>> -> memref<1048576x32xf32, #tpu.memory_space<hbm>>
      tpu.wait_indirect_dma semaphore(%arg10 : memref<!tpu.dma_semaphore, #tpu.memory_space<semaphore_mem>>) src(%dma_wait3A_342 : memref<1048576x32xf32, #tpu.memory_space<hbm>>) dst(%dma_wait3A_337 : memref<104x32xf32, #tpu.memory_space<vmem>>)
      %scan3A_343 = arith.constant 0 : i32
      %scan3A_344 = arith.constant 0 : i32
      %scan3A_345 = arith.constant 52 : i32
      %scan3A_346 = arith.addi %scan3A_344, %scan3A_345 : i32
      %scan3A_347 = arith.constant 2 : i32
      scf.for %scan3A_557 = %scan3A_344 to %scan3A_346 step %scan3A_347  : i32 {
        %mul3A_558 = arith.constant 20 : i32
        %mul3A_559 = arith.muli %scan3A_557, %mul3A_558 : i32
        %get3A = arith.index_cast %mul3A_559 : i32 to index
        %get3A_560 = arith.constant 0 : index
        %get3A_561 = tpu.vector_load %arg7[%get3A, %get3A_560] {strides = array<i32>} : memref<1040x32xf32, #tpu.memory_space<vmem>>, vector<1x16xf32>,
        %get3A_562 = vector.shape_cast %get3A_561 : vector<1x16xf32> to vector<16xf32>
        %get3A_563 = arith.index_cast %mul3A_559 : i32 to index
        %get3A_564 = arith.constant 16 : index
        %get3A_565 = tpu.vector_load %arg7[%get3A_563, %get3A_564] {strides = array<i32>} : memref<1040x32xf32, #tpu.memory_space<vmem>>, vector<1x16xf32>,
        %get3A_566 = vector.shape_cast %get3A_565 : vector<1x16xf32> to vector<16xf32>
        %add3A_567 = arith.constant 1 : i32
        %add3A_568 = arith.addi %mul3A_559, %add3A_567 : i32
        %get3A_569 = arith.index_cast %add3A_568 : i32 to index
        %get3A_570 = arith.constant 0 : index
        %get3A_571 = tpu.vector_load %arg7[%get3A_569, %get3A_570] {strides = array<i32>} : memref<1040x32xf32, #tpu.memory_space<vmem>>, vector<1x16xf32>,
        %get3A_572 = vector.shape_cast %get3A_571 : vector<1x16xf32> to vector<16xf32>
        %add3A_573 = arith.addf %get3A_562, %get3A_572 : vector<16xf32>
        %add3A_574 = arith.constant 1 : i32
        %add3A_575 = arith.addi %mul3A_559, %add3A_574 : i32
        %get3A_576 = arith.index_cast %add3A_575 : i32 to index
        %get3A_577 = arith.constant 16 : index
        %get3A_578 = tpu.vector_load %arg7[%get3A_576, %get3A_577] {strides = array<i32>} : memref<1040x32xf32, #tpu.memory_space<vmem>>, vector<1x16xf32>,
        %get3A_579 = vector.shape_cast %get3A_578 : vector<1x16xf32> to vector<16xf32>
        %add3A_580 = arith.addf %get3A_566, %get3A_579 : vector<16xf32>
        %add3A_581 = arith.constant 2 : i32
        %add3A_582 = arith.addi %mul3A_559, %add3A_581 : i32
        %get3A_583 = arith.index_cast %add3A_582 : i32 to index
        %get3A_584 = arith.constant 0 : index
        %get3A_585 = tpu.vector_load %arg7[%get3A_583, %get3A_584] {strides = array<i32>} : memref<1040x32xf32, #tpu.memory_space<vmem>>, vector<1x16xf32>,
        %get3A_586 = vector.shape_cast %get3A_585 : vector<1x16xf32> to vector<16xf32>
        %add3A_587 = arith.addf %add3A_573, %get3A_586 : vector<16xf32>
        %add3A_588 = arith.constant 2 : i32
        %add3A_589 = arith.addi %mul3A_559, %add3A_588 : i32
        %get3A_590 = arith.index_cast %add3A_589 : i32 to index
        %get3A_591 = arith.constant 16 : index
        %get3A_592 = tpu.vector_load %arg7[%get3A_590, %get3A_591] {strides = array<i32>} : memref<1040x32xf32, #tpu.memory_space<vmem>>, vector<1x16xf32>,
        %get3A_593 = vector.shape_cast %get3A_592 : vector<1x16xf32> to vector<16xf32>
        %add3A_594 = arith.addf %add3A_580, %get3A_593 : vector<16xf32>
        %add3A_595 = arith.constant 3 : i32
        %add3A_596 = arith.addi %mul3A_559, %add3A_595 : i32
        %get3A_597 = arith.index_cast %add3A_596 : i32 to index
        %get3A_598 = arith.constant 0 : index
        %get3A_599 = tpu.vector_load %arg7[%get3A_597, %get3A_598] {strides = array<i32>} : memref<1040x32xf32, #tpu.memory_space<vmem>>, vector<1x16xf32>,
        %get3A_600 = vector.shape_cast %get3A_599 : vector<1x16xf32> to vector<16xf32>
        %add3A_601 = arith.addf %add3A_587, %get3A_600 : vector<16xf32>
        %add3A_602 = arith.constant 3 : i32
        %add3A_603 = arith.addi %mul3A_559, %add3A_602 : i32
        %get3A_604 = arith.index_cast %add3A_603 : i32 to index
        %get3A_605 = arith.constant 16 : index
        %get3A_606 = tpu.vector_load %arg7[%get3A_604, %get3A_605] {strides = array<i32>} : memref<1040x32xf32, #tpu.memory_space<vmem>>, vector<1x16xf32>,
        %get3A_607 = vector.shape_cast %get3A_606 : vector<1x16xf32> to vector<16xf32>
        %add3A_608 = arith.addf %add3A_594, %get3A_607 : vector<16xf32>
        %add3A_609 = arith.constant 4 : i32
        %add3A_610 = arith.addi %mul3A_559, %add3A_609 : i32
        %get3A_611 = arith.index_cast %add3A_610 : i32 to index
        %get3A_612 = arith.constant 0 : index
        %get3A_613 = tpu.vector_load %arg7[%get3A_611, %get3A_612] {strides = array<i32>} : memref<1040x32xf32, #tpu.memory_space<vmem>>, vector<1x16xf32>,
        %get3A_614 = vector.shape_cast %get3A_613 : vector<1x16xf32> to vector<16xf32>
        %add3A_615 = arith.addf %add3A_601, %get3A_614 : vector<16xf32>
        %add3A_616 = arith.constant 4 : i32
        %add3A_617 = arith.addi %mul3A_559, %add3A_616 : i32
        %get3A_618 = arith.index_cast %add3A_617 : i32 to index
        %get3A_619 = arith.constant 16 : index
        %get3A_620 = tpu.vector_load %arg7[%get3A_618, %get3A_619] {strides = array<i32>} : memref<1040x32xf32, #tpu.memory_space<vmem>>, vector<1x16xf32>,
        %get3A_621 = vector.shape_cast %get3A_620 : vector<1x16xf32> to vector<16xf32>
        %add3A_622 = arith.addf %add3A_608, %get3A_621 : vector<16xf32>
        %add3A_623 = arith.constant 5 : i32
        %add3A_624 = arith.addi %mul3A_559, %add3A_623 : i32
        %get3A_625 = arith.index_cast %add3A_624 : i32 to index
        %get3A_626 = arith.constant 0 : index
        %get3A_627 = tpu.vector_load %arg7[%get3A_625, %get3A_626] {strides = array<i32>} : memref<1040x32xf32, #tpu.memory_space<vmem>>, vector<1x16xf32>,
        %get3A_628 = vector.shape_cast %get3A_627 : vector<1x16xf32> to vector<16xf32>
        %add3A_629 = arith.addf %add3A_615, %get3A_628 : vector<16xf32>
        %add3A_630 = arith.constant 5 : i32
        %add3A_631 = arith.addi %mul3A_559, %add3A_630 : i32
        %get3A_632 = arith.index_cast %add3A_631 : i32 to index
        %get3A_633 = arith.constant 16 : index
        %get3A_634 = tpu.vector_load %arg7[%get3A_632, %get3A_633] {strides = array<i32>} : memref<1040x32xf32, #tpu.memory_space<vmem>>, vector<1x16xf32>,
        %get3A_635 = vector.shape_cast %get3A_634 : vector<1x16xf32> to vector<16xf32>
        %add3A_636 = arith.addf %add3A_622, %get3A_635 : vector<16xf32>
        %add3A_637 = arith.constant 6 : i32
        %add3A_638 = arith.addi %mul3A_559, %add3A_637 : i32
        %get3A_639 = arith.index_cast %add3A_638 : i32 to index
        %get3A_640 = arith.constant 0 : index
        %get3A_641 = tpu.vector_load %arg7[%get3A_639, %get3A_640] {strides = array<i32>} : memref<1040x32xf32, #tpu.memory_space<vmem>>, vector<1x16xf32>,
        %get3A_642 = vector.shape_cast %get3A_641 : vector<1x16xf32> to vector<16xf32>
        %add3A_643 = arith.addf %add3A_629, %get3A_642 : vector<16xf32>
        %add3A_644 = arith.constant 6 : i32
        %add3A_645 = arith.addi %mul3A_559, %add3A_644 : i32
        %get3A_646 = arith.index_cast %add3A_645 : i32 to index
        %get3A_647 = arith.constant 16 : index
        %get3A_648 = tpu.vector_load %arg7[%get3A_646, %get3A_647] {strides = array<i32>} : memref<1040x32xf32, #tpu.memory_space<vmem>>, vector<1x16xf32>,
        %get3A_649 = vector.shape_cast %get3A_648 : vector<1x16xf32> to vector<16xf32>
        %add3A_650 = arith.addf %add3A_636, %get3A_649 : vector<16xf32>
        %add3A_651 = arith.constant 7 : i32
        %add3A_652 = arith.addi %mul3A_559, %add3A_651 : i32
        %get3A_653 = arith.index_cast %add3A_652 : i32 to index
        %get3A_654 = arith.constant 0 : index
        %get3A_655 = tpu.vector_load %arg7[%get3A_653, %get3A_654] {strides = array<i32>} : memref<1040x32xf32, #tpu.memory_space<vmem>>, vector<1x16xf32>,
        %get3A_656 = vector.shape_cast %get3A_655 : vector<1x16xf32> to vector<16xf32>
        %add3A_657 = arith.addf %add3A_643, %get3A_656 : vector<16xf32>
        %add3A_658 = arith.constant 7 : i32
        %add3A_659 = arith.addi %mul3A_559, %add3A_658 : i32
        %get3A_660 = arith.index_cast %add3A_659 : i32 to index
        %get3A_661 = arith.constant 16 : index
        %get3A_662 = tpu.vector_load %arg7[%get3A_660, %get3A_661] {strides = array<i32>} : memref<1040x32xf32, #tpu.memory_space<vmem>>, vector<1x16xf32>,
        %get3A_663 = vector.shape_cast %get3A_662 : vector<1x16xf32> to vector<16xf32>
        %add3A_664 = arith.addf %add3A_650, %get3A_663 : vector<16xf32>
        %add3A_665 = arith.constant 8 : i32
        %add3A_666 = arith.addi %mul3A_559, %add3A_665 : i32
        %get3A_667 = arith.index_cast %add3A_666 : i32 to index
        %get3A_668 = arith.constant 0 : index
        %get3A_669 = tpu.vector_load %arg7[%get3A_667, %get3A_668] {strides = array<i32>} : memref<1040x32xf32, #tpu.memory_space<vmem>>, vector<1x16xf32>,
        %get3A_670 = vector.shape_cast %get3A_669 : vector<1x16xf32> to vector<16xf32>
        %add3A_671 = arith.addf %add3A_657, %get3A_670 : vector<16xf32>
        %add3A_672 = arith.constant 8 : i32
        %add3A_673 = arith.addi %mul3A_559, %add3A_672 : i32
        %get3A_674 = arith.index_cast %add3A_673 : i32 to index
        %get3A_675 = arith.constant 16 : index
        %get3A_676 = tpu.vector_load %arg7[%get3A_674, %get3A_675] {strides = array<i32>} : memref<1040x32xf32, #tpu.memory_space<vmem>>, vector<1x16xf32>,
        %get3A_677 = vector.shape_cast %get3A_676 : vector<1x16xf32> to vector<16xf32>
        %add3A_678 = arith.addf %add3A_664, %get3A_677 : vector<16xf32>
        %add3A_679 = arith.constant 9 : i32
        %add3A_680 = arith.addi %mul3A_559, %add3A_679 : i32
        %get3A_681 = arith.index_cast %add3A_680 : i32 to index
        %get3A_682 = arith.constant 0 : index
        %get3A_683 = tpu.vector_load %arg7[%get3A_681, %get3A_682] {strides = array<i32>} : memref<1040x32xf32, #tpu.memory_space<vmem>>, vector<1x16xf32>,
        %get3A_684 = vector.shape_cast %get3A_683 : vector<1x16xf32> to vector<16xf32>
        %add3A_685 = arith.addf %add3A_671, %get3A_684 : vector<16xf32>
        %add3A_686 = arith.constant 9 : i32
        %add3A_687 = arith.addi %mul3A_559, %add3A_686 : i32
        %get3A_688 = arith.index_cast %add3A_687 : i32 to index
        %get3A_689 = arith.constant 16 : index
        %get3A_690 = tpu.vector_load %arg7[%get3A_688, %get3A_689] {strides = array<i32>} : memref<1040x32xf32, #tpu.memory_space<vmem>>, vector<1x16xf32>,
        %get3A_691 = vector.shape_cast %get3A_690 : vector<1x16xf32> to vector<16xf32>
        %add3A_692 = arith.addf %add3A_678, %get3A_691 : vector<16xf32>
        %add3A_693 = arith.constant 10 : i32
        %add3A_694 = arith.addi %mul3A_559, %add3A_693 : i32
        %get3A_695 = arith.index_cast %add3A_694 : i32 to index
        %get3A_696 = arith.constant 0 : index
        %get3A_697 = tpu.vector_load %arg7[%get3A_695, %get3A_696] {strides = array<i32>} : memref<1040x32xf32, #tpu.memory_space<vmem>>, vector<1x16xf32>,
        %get3A_698 = vector.shape_cast %get3A_697 : vector<1x16xf32> to vector<16xf32>
        %add3A_699 = arith.addf %add3A_685, %get3A_698 : vector<16xf32>
        %add3A_700 = arith.constant 10 : i32
        %add3A_701 = arith.addi %mul3A_559, %add3A_700 : i32
        %get3A_702 = arith.index_cast %add3A_701 : i32 to index
        %get3A_703 = arith.constant 16 : index
        %get3A_704 = tpu.vector_load %arg7[%get3A_702, %get3A_703] {strides = array<i32>} : memref<1040x32xf32, #tpu.memory_space<vmem>>, vector<1x16xf32>,
        %get3A_705 = vector.shape_cast %get3A_704 : vector<1x16xf32> to vector<16xf32>
        %add3A_706 = arith.addf %add3A_692, %get3A_705 : vector<16xf32>
        %add3A_707 = arith.constant 11 : i32
        %add3A_708 = arith.addi %mul3A_559, %add3A_707 : i32
        %get3A_709 = arith.index_cast %add3A_708 : i32 to index
        %get3A_710 = arith.constant 0 : index
        %get3A_711 = tpu.vector_load %arg7[%get3A_709, %get3A_710] {strides = array<i32>} : memref<1040x32xf32, #tpu.memory_space<vmem>>, vector<1x16xf32>,
        %get3A_712 = vector.shape_cast %get3A_711 : vector<1x16xf32> to vector<16xf32>
        %add3A_713 = arith.addf %add3A_699, %get3A_712 : vector<16xf32>
        %add3A_714 = arith.constant 11 : i32
        %add3A_715 = arith.addi %mul3A_559, %add3A_714 : i32
        %get3A_716 = arith.index_cast %add3A_715 : i32 to index
        %get3A_717 = arith.constant 16 : index
        %get3A_718 = tpu.vector_load %arg7[%get3A_716, %get3A_717] {strides = array<i32>} : memref<1040x32xf32, #tpu.memory_space<vmem>>, vector<1x16xf32>,
        %get3A_719 = vector.shape_cast %get3A_718 : vector<1x16xf32> to vector<16xf32>
        %add3A_720 = arith.addf %add3A_706, %get3A_719 : vector<16xf32>
        %add3A_721 = arith.constant 12 : i32
        %add3A_722 = arith.addi %mul3A_559, %add3A_721 : i32
        %get3A_723 = arith.index_cast %add3A_722 : i32 to index
        %get3A_724 = arith.constant 0 : index
        %get3A_725 = tpu.vector_load %arg7[%get3A_723, %get3A_724] {strides = array<i32>} : memref<1040x32xf32, #tpu.memory_space<vmem>>, vector<1x16xf32>,
        %get3A_726 = vector.shape_cast %get3A_725 : vector<1x16xf32> to vector<16xf32>
        %add3A_727 = arith.addf %add3A_713, %get3A_726 : vector<16xf32>
        %add3A_728 = arith.constant 12 : i32
        %add3A_729 = arith.addi %mul3A_559, %add3A_728 : i32
        %get3A_730 = arith.index_cast %add3A_729 : i32 to index
        %get3A_731 = arith.constant 16 : index
        %get3A_732 = tpu.vector_load %arg7[%get3A_730, %get3A_731] {strides = array<i32>} : memref<1040x32xf32, #tpu.memory_space<vmem>>, vector<1x16xf32>,
        %get3A_733 = vector.shape_cast %get3A_732 : vector<1x16xf32> to vector<16xf32>
        %add3A_734 = arith.addf %add3A_720, %get3A_733 : vector<16xf32>
        %add3A_735 = arith.constant 13 : i32
        %add3A_736 = arith.addi %mul3A_559, %add3A_735 : i32
        %get3A_737 = arith.index_cast %add3A_736 : i32 to index
        %get3A_738 = arith.constant 0 : index
        %get3A_739 = tpu.vector_load %arg7[%get3A_737, %get3A_738] {strides = array<i32>} : memref<1040x32xf32, #tpu.memory_space<vmem>>, vector<1x16xf32>,
        %get3A_740 = vector.shape_cast %get3A_739 : vector<1x16xf32> to vector<16xf32>
        %add3A_741 = arith.addf %add3A_727, %get3A_740 : vector<16xf32>
        %add3A_742 = arith.constant 13 : i32
        %add3A_743 = arith.addi %mul3A_559, %add3A_742 : i32
        %get3A_744 = arith.index_cast %add3A_743 : i32 to index
        %get3A_745 = arith.constant 16 : index
        %get3A_746 = tpu.vector_load %arg7[%get3A_744, %get3A_745] {strides = array<i32>} : memref<1040x32xf32, #tpu.memory_space<vmem>>, vector<1x16xf32>,
        %get3A_747 = vector.shape_cast %get3A_746 : vector<1x16xf32> to vector<16xf32>
        %add3A_748 = arith.addf %add3A_734, %get3A_747 : vector<16xf32>
        %add3A_749 = arith.constant 14 : i32
        %add3A_750 = arith.addi %mul3A_559, %add3A_749 : i32
        %get3A_751 = arith.index_cast %add3A_750 : i32 to index
        %get3A_752 = arith.constant 0 : index
        %get3A_753 = tpu.vector_load %arg7[%get3A_751, %get3A_752] {strides = array<i32>} : memref<1040x32xf32, #tpu.memory_space<vmem>>, vector<1x16xf32>,
        %get3A_754 = vector.shape_cast %get3A_753 : vector<1x16xf32> to vector<16xf32>
        %add3A_755 = arith.addf %add3A_741, %get3A_754 : vector<16xf32>
        %add3A_756 = arith.constant 14 : i32
        %add3A_757 = arith.addi %mul3A_559, %add3A_756 : i32
        %get3A_758 = arith.index_cast %add3A_757 : i32 to index
        %get3A_759 = arith.constant 16 : index
        %get3A_760 = tpu.vector_load %arg7[%get3A_758, %get3A_759] {strides = array<i32>} : memref<1040x32xf32, #tpu.memory_space<vmem>>, vector<1x16xf32>,
        %get3A_761 = vector.shape_cast %get3A_760 : vector<1x16xf32> to vector<16xf32>
        %add3A_762 = arith.addf %add3A_748, %get3A_761 : vector<16xf32>
        %add3A_763 = arith.constant 15 : i32
        %add3A_764 = arith.addi %mul3A_559, %add3A_763 : i32
        %get3A_765 = arith.index_cast %add3A_764 : i32 to index
        %get3A_766 = arith.constant 0 : index
        %get3A_767 = tpu.vector_load %arg7[%get3A_765, %get3A_766] {strides = array<i32>} : memref<1040x32xf32, #tpu.memory_space<vmem>>, vector<1x16xf32>,
        %get3A_768 = vector.shape_cast %get3A_767 : vector<1x16xf32> to vector<16xf32>
        %add3A_769 = arith.addf %add3A_755, %get3A_768 : vector<16xf32>
        %add3A_770 = arith.constant 15 : i32
        %add3A_771 = arith.addi %mul3A_559, %add3A_770 : i32
        %get3A_772 = arith.index_cast %add3A_771 : i32 to index
        %get3A_773 = arith.constant 16 : index
        %get3A_774 = tpu.vector_load %arg7[%get3A_772, %get3A_773] {strides = array<i32>} : memref<1040x32xf32, #tpu.memory_space<vmem>>, vector<1x16xf32>,
        %get3A_775 = vector.shape_cast %get3A_774 : vector<1x16xf32> to vector<16xf32>
        %add3A_776 = arith.addf %add3A_762, %get3A_775 : vector<16xf32>
        %add3A_777 = arith.constant 16 : i32
        %add3A_778 = arith.addi %mul3A_559, %add3A_777 : i32
        %get3A_779 = arith.index_cast %add3A_778 : i32 to index
        %get3A_780 = arith.constant 0 : index
        %get3A_781 = tpu.vector_load %arg7[%get3A_779, %get3A_780] {strides = array<i32>} : memref<1040x32xf32, #tpu.memory_space<vmem>>, vector<1x16xf32>,
        %get3A_782 = vector.shape_cast %get3A_781 : vector<1x16xf32> to vector<16xf32>
        %add3A_783 = arith.addf %add3A_769, %get3A_782 : vector<16xf32>
        %add3A_784 = arith.constant 16 : i32
        %add3A_785 = arith.addi %mul3A_559, %add3A_784 : i32
        %get3A_786 = arith.index_cast %add3A_785 : i32 to index
        %get3A_787 = arith.constant 16 : index
        %get3A_788 = tpu.vector_load %arg7[%get3A_786, %get3A_787] {strides = array<i32>} : memref<1040x32xf32, #tpu.memory_space<vmem>>, vector<1x16xf32>,
        %get3A_789 = vector.shape_cast %get3A_788 : vector<1x16xf32> to vector<16xf32>
        %add3A_790 = arith.addf %add3A_776, %get3A_789 : vector<16xf32>
        %add3A_791 = arith.constant 17 : i32
        %add3A_792 = arith.addi %mul3A_559, %add3A_791 : i32
        %get3A_793 = arith.index_cast %add3A_792 : i32 to index
        %get3A_794 = arith.constant 0 : index
        %get3A_795 = tpu.vector_load %arg7[%get3A_793, %get3A_794] {strides = array<i32>} : memref<1040x32xf32, #tpu.memory_space<vmem>>, vector<1x16xf32>,
        %get3A_796 = vector.shape_cast %get3A_795 : vector<1x16xf32> to vector<16xf32>
        %add3A_797 = arith.addf %add3A_783, %get3A_796 : vector<16xf32>
        %add3A_798 = arith.constant 17 : i32
        %add3A_799 = arith.addi %mul3A_559, %add3A_798 : i32
        %get3A_800 = arith.index_cast %add3A_799 : i32 to index
        %get3A_801 = arith.constant 16 : index
        %get3A_802 = tpu.vector_load %arg7[%get3A_800, %get3A_801] {strides = array<i32>} : memref<1040x32xf32, #tpu.memory_space<vmem>>, vector<1x16xf32>,
        %get3A_803 = vector.shape_cast %get3A_802 : vector<1x16xf32> to vector<16xf32>
        %add3A_804 = arith.addf %add3A_790, %get3A_803 : vector<16xf32>
        %add3A_805 = arith.constant 18 : i32
        %add3A_806 = arith.addi %mul3A_559, %add3A_805 : i32
        %get3A_807 = arith.index_cast %add3A_806 : i32 to index
        %get3A_808 = arith.constant 0 : index
        %get3A_809 = tpu.vector_load %arg7[%get3A_807, %get3A_808] {strides = array<i32>} : memref<1040x32xf32, #tpu.memory_space<vmem>>, vector<1x16xf32>,
        %get3A_810 = vector.shape_cast %get3A_809 : vector<1x16xf32> to vector<16xf32>
        %add3A_811 = arith.addf %add3A_797, %get3A_810 : vector<16xf32>
        %add3A_812 = arith.constant 18 : i32
        %add3A_813 = arith.addi %mul3A_559, %add3A_812 : i32
        %get3A_814 = arith.index_cast %add3A_813 : i32 to index
        %get3A_815 = arith.constant 16 : index
        %get3A_816 = tpu.vector_load %arg7[%get3A_814, %get3A_815] {strides = array<i32>} : memref<1040x32xf32, #tpu.memory_space<vmem>>, vector<1x16xf32>,
        %get3A_817 = vector.shape_cast %get3A_816 : vector<1x16xf32> to vector<16xf32>
        %add3A_818 = arith.addf %add3A_804, %get3A_817 : vector<16xf32>
        %add3A_819 = arith.constant 19 : i32
        %add3A_820 = arith.addi %mul3A_559, %add3A_819 : i32
        %get3A_821 = arith.index_cast %add3A_820 : i32 to index
        %get3A_822 = arith.constant 0 : index
        %get3A_823 = tpu.vector_load %arg7[%get3A_821, %get3A_822] {strides = array<i32>} : memref<1040x32xf32, #tpu.memory_space<vmem>>, vector<1x16xf32>,
        %get3A_824 = vector.shape_cast %get3A_823 : vector<1x16xf32> to vector<16xf32>
        %add3A_825 = arith.addf %add3A_811, %get3A_824 : vector<16xf32>
        %add3A_826 = arith.constant 19 : i32
        %add3A_827 = arith.addi %mul3A_559, %add3A_826 : i32
        %get3A_828 = arith.index_cast %add3A_827 : i32 to index
        %get3A_829 = arith.constant 16 : index
        %get3A_830 = tpu.vector_load %arg7[%get3A_828, %get3A_829] {strides = array<i32>} : memref<1040x32xf32, #tpu.memory_space<vmem>>, vector<1x16xf32>,
        %get3A_831 = vector.shape_cast %get3A_830 : vector<1x16xf32> to vector<16xf32>
        %add3A_832 = arith.addf %add3A_818, %get3A_831 : vector<16xf32>
        %mul3A_833 = vector.broadcast %scan3A_86 : f32 to vector<16xf32>
        %mul3A_834 = arith.mulf %add3A_825, %mul3A_833 : vector<16xf32>
        %swap3A = arith.index_cast %scan3A_557 : i32 to index
        %swap3A_835 = arith.constant 0 : index
        %swap3A_836 = tpu.vector_load %arg9[%swap3A, %swap3A_835] {strides = array<i32>} : memref<52x32xf32, #tpu.memory_space<vmem>>, vector<1x16xf32>,
        %swap3A_837 = vector.shape_cast %swap3A_836 : vector<1x16xf32> to vector<16xf32>
        %swap3A_838 = vector.shape_cast %mul3A_834 : vector<16xf32> to vector<1x16xf32>
        tpu.vector_store %arg9[%swap3A, %swap3A_835], %swap3A_838 {strides = array<i32>} : memref<52x32xf32, #tpu.memory_space<vmem>>, vector<1x16xf32>,
        %mul3A_839 = vector.broadcast %scan3A_86 : f32 to vector<16xf32>
        %mul3A_840 = arith.mulf %add3A_832, %mul3A_839 : vector<16xf32>
        %swap3A_841 = arith.index_cast %scan3A_557 : i32 to index
        %swap3A_842 = arith.constant 16 : index
        %swap3A_843 = tpu.vector_load %arg9[%swap3A_841, %swap3A_842] {strides = array<i32>} : memref<52x32xf32, #tpu.memory_space<vmem>>, vector<1x16xf32>,
        %swap3A_844 = vector.shape_cast %swap3A_843 : vector<1x16xf32> to vector<16xf32>
        %swap3A_845 = vector.shape_cast %mul3A_840 : vector<16xf32> to vector<1x16xf32>
        tpu.vector_store %arg9[%swap3A_841, %swap3A_842], %swap3A_845 {strides = array<i32>} : memref<52x32xf32, #tpu.memory_space<vmem>>, vector<1x16xf32>,
        %scan3A_846 = arith.constant 1 : i32
        %scan3A_847 = arith.addi %scan3A_557, %scan3A_846 : i32
        %mul3A_848 = arith.constant 20 : i32
        %mul3A_849 = arith.muli %scan3A_847, %mul3A_848 : i32
        %get3A_850 = arith.index_cast %mul3A_849 : i32 to index
        %get3A_851 = arith.constant 0 : index
        %get3A_852 = tpu.vector_load %arg7[%get3A_850, %get3A_851] {strides = array<i32>} : memref<1040x32xf32, #tpu.memory_space<vmem>>, vector<1x16xf32>,
        %get3A_853 = vector.shape_cast %get3A_852 : vector<1x16xf32> to vector<16xf32>
        %get3A_854 = arith.index_cast %mul3A_849 : i32 to index
        %get3A_855 = arith.constant 16 : index
        %get3A_856 = tpu.vector_load %arg7[%get3A_854, %get3A_855] {strides = array<i32>} : memref<1040x32xf32, #tpu.memory_space<vmem>>, vector<1x16xf32>,
        %get3A_857 = vector.shape_cast %get3A_856 : vector<1x16xf32> to vector<16xf32>
        %add3A_858 = arith.constant 1 : i32
        %add3A_859 = arith.addi %mul3A_849, %add3A_858 : i32
        %get3A_860 = arith.index_cast %add3A_859 : i32 to index
        %get3A_861 = arith.constant 0 : index
        %get3A_862 = tpu.vector_load %arg7[%get3A_860, %get3A_861] {strides = array<i32>} : memref<1040x32xf32, #tpu.memory_space<vmem>>, vector<1x16xf32>,
        %get3A_863 = vector.shape_cast %get3A_862 : vector<1x16xf32> to vector<16xf32>
        %add3A_864 = arith.addf %get3A_853, %get3A_863 : vector<16xf32>
        %add3A_865 = arith.constant 1 : i32
        %add3A_866 = arith.addi %mul3A_849, %add3A_865 : i32
        %get3A_867 = arith.index_cast %add3A_866 : i32 to index
        %get3A_868 = arith.constant 16 : index
        %get3A_869 = tpu.vector_load %arg7[%get3A_867, %get3A_868] {strides = array<i32>} : memref<1040x32xf32, #tpu.memory_space<vmem>>, vector<1x16xf32>,
        %get3A_870 = vector.shape_cast %get3A_869 : vector<1x16xf32> to vector<16xf32>
        %add3A_871 = arith.addf %get3A_857, %get3A_870 : vector<16xf32>
        %add3A_872 = arith.constant 2 : i32
        %add3A_873 = arith.addi %mul3A_849, %add3A_872 : i32
        %get3A_874 = arith.index_cast %add3A_873 : i32 to index
        %get3A_875 = arith.constant 0 : index
        %get3A_876 = tpu.vector_load %arg7[%get3A_874, %get3A_875] {strides = array<i32>} : memref<1040x32xf32, #tpu.memory_space<vmem>>, vector<1x16xf32>,
        %get3A_877 = vector.shape_cast %get3A_876 : vector<1x16xf32> to vector<16xf32>
        %add3A_878 = arith.addf %add3A_864, %get3A_877 : vector<16xf32>
        %add3A_879 = arith.constant 2 : i32
        %add3A_880 = arith.addi %mul3A_849, %add3A_879 : i32
        %get3A_881 = arith.index_cast %add3A_880 : i32 to index
        %get3A_882 = arith.constant 16 : index
        %get3A_883 = tpu.vector_load %arg7[%get3A_881, %get3A_882] {strides = array<i32>} : memref<1040x32xf32, #tpu.memory_space<vmem>>, vector<1x16xf32>,
        %get3A_884 = vector.shape_cast %get3A_883 : vector<1x16xf32> to vector<16xf32>
        %add3A_885 = arith.addf %add3A_871, %get3A_884 : vector<16xf32>
        %add3A_886 = arith.constant 3 : i32
        %add3A_887 = arith.addi %mul3A_849, %add3A_886 : i32
        %get3A_888 = arith.index_cast %add3A_887 : i32 to index
        %get3A_889 = arith.constant 0 : index
        %get3A_890 = tpu.vector_load %arg7[%get3A_888, %get3A_889] {strides = array<i32>} : memref<1040x32xf32, #tpu.memory_space<vmem>>, vector<1x16xf32>,
        %get3A_891 = vector.shape_cast %get3A_890 : vector<1x16xf32> to vector<16xf32>
        %add3A_892 = arith.addf %add3A_878, %get3A_891 : vector<16xf32>
        %add3A_893 = arith.constant 3 : i32
        %add3A_894 = arith.addi %mul3A_849, %add3A_893 : i32
        %get3A_895 = arith.index_cast %add3A_894 : i32 to index
        %get3A_896 = arith.constant 16 : index
        %get3A_897 = tpu.vector_load %arg7[%get3A_895, %get3A_896] {strides = array<i32>} : memref<1040x32xf32, #tpu.memory_space<vmem>>, vector<1x16xf32>,
        %get3A_898 = vector.shape_cast %get3A_897 : vector<1x16xf32> to vector<16xf32>
        %add3A_899 = arith.addf %add3A_885, %get3A_898 : vector<16xf32>
        %add3A_900 = arith.constant 4 : i32
        %add3A_901 = arith.addi %mul3A_849, %add3A_900 : i32
        %get3A_902 = arith.index_cast %add3A_901 : i32 to index
        %get3A_903 = arith.constant 0 : index
        %get3A_904 = tpu.vector_load %arg7[%get3A_902, %get3A_903] {strides = array<i32>} : memref<1040x32xf32, #tpu.memory_space<vmem>>, vector<1x16xf32>,
        %get3A_905 = vector.shape_cast %get3A_904 : vector<1x16xf32> to vector<16xf32>
        %add3A_906 = arith.addf %add3A_892, %get3A_905 : vector<16xf32>
        %add3A_907 = arith.constant 4 : i32
        %add3A_908 = arith.addi %mul3A_849, %add3A_907 : i32
        %get3A_909 = arith.index_cast %add3A_908 : i32 to index
        %get3A_910 = arith.constant 16 : index
        %get3A_911 = tpu.vector_load %arg7[%get3A_909, %get3A_910] {strides = array<i32>} : memref<1040x32xf32, #tpu.memory_space<vmem>>, vector<1x16xf32>,
        %get3A_912 = vector.shape_cast %get3A_911 : vector<1x16xf32> to vector<16xf32>
        %add3A_913 = arith.addf %add3A_899, %get3A_912 : vector<16xf32>
        %add3A_914 = arith.constant 5 : i32
        %add3A_915 = arith.addi %mul3A_849, %add3A_914 : i32
        %get3A_916 = arith.index_cast %add3A_915 : i32 to index
        %get3A_917 = arith.constant 0 : index
        %get3A_918 = tpu.vector_load %arg7[%get3A_916, %get3A_917] {strides = array<i32>} : memref<1040x32xf32, #tpu.memory_space<vmem>>, vector<1x16xf32>,
        %get3A_919 = vector.shape_cast %get3A_918 : vector<1x16xf32> to vector<16xf32>
        %add3A_920 = arith.addf %add3A_906, %get3A_919 : vector<16xf32>
        %add3A_921 = arith.constant 5 : i32
        %add3A_922 = arith.addi %mul3A_849, %add3A_921 : i32
        %get3A_923 = arith.index_cast %add3A_922 : i32 to index
        %get3A_924 = arith.constant 16 : index
        %get3A_925 = tpu.vector_load %arg7[%get3A_923, %get3A_924] {strides = array<i32>} : memref<1040x32xf32, #tpu.memory_space<vmem>>, vector<1x16xf32>,
        %get3A_926 = vector.shape_cast %get3A_925 : vector<1x16xf32> to vector<16xf32>
        %add3A_927 = arith.addf %add3A_913, %get3A_926 : vector<16xf32>
        %add3A_928 = arith.constant 6 : i32
        %add3A_929 = arith.addi %mul3A_849, %add3A_928 : i32
        %get3A_930 = arith.index_cast %add3A_929 : i32 to index
        %get3A_931 = arith.constant 0 : index
        %get3A_932 = tpu.vector_load %arg7[%get3A_930, %get3A_931] {strides = array<i32>} : memref<1040x32xf32, #tpu.memory_space<vmem>>, vector<1x16xf32>,
        %get3A_933 = vector.shape_cast %get3A_932 : vector<1x16xf32> to vector<16xf32>
        %add3A_934 = arith.addf %add3A_920, %get3A_933 : vector<16xf32>
        %add3A_935 = arith.constant 6 : i32
        %add3A_936 = arith.addi %mul3A_849, %add3A_935 : i32
        %get3A_937 = arith.index_cast %add3A_936 : i32 to index
        %get3A_938 = arith.constant 16 : index
        %get3A_939 = tpu.vector_load %arg7[%get3A_937, %get3A_938] {strides = array<i32>} : memref<1040x32xf32, #tpu.memory_space<vmem>>, vector<1x16xf32>,
        %get3A_940 = vector.shape_cast %get3A_939 : vector<1x16xf32> to vector<16xf32>
        %add3A_941 = arith.addf %add3A_927, %get3A_940 : vector<16xf32>
        %add3A_942 = arith.constant 7 : i32
        %add3A_943 = arith.addi %mul3A_849, %add3A_942 : i32
        %get3A_944 = arith.index_cast %add3A_943 : i32 to index
        %get3A_945 = arith.constant 0 : index
        %get3A_946 = tpu.vector_load %arg7[%get3A_944, %get3A_945] {strides = array<i32>} : memref<1040x32xf32, #tpu.memory_space<vmem>>, vector<1x16xf32>,
        %get3A_947 = vector.shape_cast %get3A_946 : vector<1x16xf32> to vector<16xf32>
        %add3A_948 = arith.addf %add3A_934, %get3A_947 : vector<16xf32>
        %add3A_949 = arith.constant 7 : i32
        %add3A_950 = arith.addi %mul3A_849, %add3A_949 : i32
        %get3A_951 = arith.index_cast %add3A_950 : i32 to index
        %get3A_952 = arith.constant 16 : index
        %get3A_953 = tpu.vector_load %arg7[%get3A_951, %get3A_952] {strides = array<i32>} : memref<1040x32xf32, #tpu.memory_space<vmem>>, vector<1x16xf32>,
        %get3A_954 = vector.shape_cast %get3A_953 : vector<1x16xf32> to vector<16xf32>
        %add3A_955 = arith.addf %add3A_941, %get3A_954 : vector<16xf32>
        %add3A_956 = arith.constant 8 : i32
        %add3A_957 = arith.addi %mul3A_849, %add3A_956 : i32
        %get3A_958 = arith.index_cast %add3A_957 : i32 to index
        %get3A_959 = arith.constant 0 : index
        %get3A_960 = tpu.vector_load %arg7[%get3A_958, %get3A_959] {strides = array<i32>} : memref<1040x32xf32, #tpu.memory_space<vmem>>, vector<1x16xf32>,
        %get3A_961 = vector.shape_cast %get3A_960 : vector<1x16xf32> to vector<16xf32>
        %add3A_962 = arith.addf %add3A_948, %get3A_961 : vector<16xf32>
        %add3A_963 = arith.constant 8 : i32
        %add3A_964 = arith.addi %mul3A_849, %add3A_963 : i32
        %get3A_965 = arith.index_cast %add3A_964 : i32 to index
        %get3A_966 = arith.constant 16 : index
        %get3A_967 = tpu.vector_load %arg7[%get3A_965, %get3A_966] {strides = array<i32>} : memref<1040x32xf32, #tpu.memory_space<vmem>>, vector<1x16xf32>,
        %get3A_968 = vector.shape_cast %get3A_967 : vector<1x16xf32> to vector<16xf32>
        %add3A_969 = arith.addf %add3A_955, %get3A_968 : vector<16xf32>
        %add3A_970 = arith.constant 9 : i32
        %add3A_971 = arith.addi %mul3A_849, %add3A_970 : i32
        %get3A_972 = arith.index_cast %add3A_971 : i32 to index
        %get3A_973 = arith.constant 0 : index
        %get3A_974 = tpu.vector_load %arg7[%get3A_972, %get3A_973] {strides = array<i32>} : memref<1040x32xf32, #tpu.memory_space<vmem>>, vector<1x16xf32>,
        %get3A_975 = vector.shape_cast %get3A_974 : vector<1x16xf32> to vector<16xf32>
        %add3A_976 = arith.addf %add3A_962, %get3A_975 : vector<16xf32>
        %add3A_977 = arith.constant 9 : i32
        %add3A_978 = arith.addi %mul3A_849, %add3A_977 : i32
        %get3A_979 = arith.index_cast %add3A_978 : i32 to index
        %get3A_980 = arith.constant 16 : index
        %get3A_981 = tpu.vector_load %arg7[%get3A_979, %get3A_980] {strides = array<i32>} : memref<1040x32xf32, #tpu.memory_space<vmem>>, vector<1x16xf32>,
        %get3A_982 = vector.shape_cast %get3A_981 : vector<1x16xf32> to vector<16xf32>
        %add3A_983 = arith.addf %add3A_969, %get3A_982 : vector<16xf32>
        %add3A_984 = arith.constant 10 : i32
        %add3A_985 = arith.addi %mul3A_849, %add3A_984 : i32
        %get3A_986 = arith.index_cast %add3A_985 : i32 to index
        %get3A_987 = arith.constant 0 : index
        %get3A_988 = tpu.vector_load %arg7[%get3A_986, %get3A_987] {strides = array<i32>} : memref<1040x32xf32, #tpu.memory_space<vmem>>, vector<1x16xf32>,
        %get3A_989 = vector.shape_cast %get3A_988 : vector<1x16xf32> to vector<16xf32>
        %add3A_990 = arith.addf %add3A_976, %get3A_989 : vector<16xf32>
        %add3A_991 = arith.constant 10 : i32
        %add3A_992 = arith.addi %mul3A_849, %add3A_991 : i32
        %get3A_993 = arith.index_cast %add3A_992 : i32 to index
        %get3A_994 = arith.constant 16 : index
        %get3A_995 = tpu.vector_load %arg7[%get3A_993, %get3A_994] {strides = array<i32>} : memref<1040x32xf32, #tpu.memory_space<vmem>>, vector<1x16xf32>,
        %get3A_996 = vector.shape_cast %get3A_995 : vector<1x16xf32> to vector<16xf32>
        %add3A_997 = arith.addf %add3A_983, %get3A_996 : vector<16xf32>
        %add3A_998 = arith.constant 11 : i32
        %add3A_999 = arith.addi %mul3A_849, %add3A_998 : i32
        %get3A_1000 = arith.index_cast %add3A_999 : i32 to index
        %get3A_1001 = arith.constant 0 : index
        %get3A_1002 = tpu.vector_load %arg7[%get3A_1000, %get3A_1001] {strides = array<i32>} : memref<1040x32xf32, #tpu.memory_space<vmem>>, vector<1x16xf32>,
        %get3A_1003 = vector.shape_cast %get3A_1002 : vector<1x16xf32> to vector<16xf32>
        %add3A_1004 = arith.addf %add3A_990, %get3A_1003 : vector<16xf32>
        %add3A_1005 = arith.constant 11 : i32
        %add3A_1006 = arith.addi %mul3A_849, %add3A_1005 : i32
        %get3A_1007 = arith.index_cast %add3A_1006 : i32 to index
        %get3A_1008 = arith.constant 16 : index
        %get3A_1009 = tpu.vector_load %arg7[%get3A_1007, %get3A_1008] {strides = array<i32>} : memref<1040x32xf32, #tpu.memory_space<vmem>>, vector<1x16xf32>,
        %get3A_1010 = vector.shape_cast %get3A_1009 : vector<1x16xf32> to vector<16xf32>
        %add3A_1011 = arith.addf %add3A_997, %get3A_1010 : vector<16xf32>
        %add3A_1012 = arith.constant 12 : i32
        %add3A_1013 = arith.addi %mul3A_849, %add3A_1012 : i32
        %get3A_1014 = arith.index_cast %add3A_1013 : i32 to index
        %get3A_1015 = arith.constant 0 : index
        %get3A_1016 = tpu.vector_load %arg7[%get3A_1014, %get3A_1015] {strides = array<i32>} : memref<1040x32xf32, #tpu.memory_space<vmem>>, vector<1x16xf32>,
        %get3A_1017 = vector.shape_cast %get3A_1016 : vector<1x16xf32> to vector<16xf32>
        %add3A_1018 = arith.addf %add3A_1004, %get3A_1017 : vector<16xf32>
        %add3A_1019 = arith.constant 12 : i32
        %add3A_1020 = arith.addi %mul3A_849, %add3A_1019 : i32
        %get3A_1021 = arith.index_cast %add3A_1020 : i32 to index
        %get3A_1022 = arith.constant 16 : index
        %get3A_1023 = tpu.vector_load %arg7[%get3A_1021, %get3A_1022] {strides = array<i32>} : memref<1040x32xf32, #tpu.memory_space<vmem>>, vector<1x16xf32>,
        %get3A_1024 = vector.shape_cast %get3A_1023 : vector<1x16xf32> to vector<16xf32>
        %add3A_1025 = arith.addf %add3A_1011, %get3A_1024 : vector<16xf32>
        %add3A_1026 = arith.constant 13 : i32
        %add3A_1027 = arith.addi %mul3A_849, %add3A_1026 : i32
        %get3A_1028 = arith.index_cast %add3A_1027 : i32 to index
        %get3A_1029 = arith.constant 0 : index
        %get3A_1030 = tpu.vector_load %arg7[%get3A_1028, %get3A_1029] {strides = array<i32>} : memref<1040x32xf32, #tpu.memory_space<vmem>>, vector<1x16xf32>,
        %get3A_1031 = vector.shape_cast %get3A_1030 : vector<1x16xf32> to vector<16xf32>
        %add3A_1032 = arith.addf %add3A_1018, %get3A_1031 : vector<16xf32>
        %add3A_1033 = arith.constant 13 : i32
        %add3A_1034 = arith.addi %mul3A_849, %add3A_1033 : i32
        %get3A_1035 = arith.index_cast %add3A_1034 : i32 to index
        %get3A_1036 = arith.constant 16 : index
        %get3A_1037 = tpu.vector_load %arg7[%get3A_1035, %get3A_1036] {strides = array<i32>} : memref<1040x32xf32, #tpu.memory_space<vmem>>, vector<1x16xf32>,
        %get3A_1038 = vector.shape_cast %get3A_1037 : vector<1x16xf32> to vector<16xf32>
        %add3A_1039 = arith.addf %add3A_1025, %get3A_1038 : vector<16xf32>
        %add3A_1040 = arith.constant 14 : i32
        %add3A_1041 = arith.addi %mul3A_849, %add3A_1040 : i32
        %get3A_1042 = arith.index_cast %add3A_1041 : i32 to index
        %get3A_1043 = arith.constant 0 : index
        %get3A_1044 = tpu.vector_load %arg7[%get3A_1042, %get3A_1043] {strides = array<i32>} : memref<1040x32xf32, #tpu.memory_space<vmem>>, vector<1x16xf32>,
        %get3A_1045 = vector.shape_cast %get3A_1044 : vector<1x16xf32> to vector<16xf32>
        %add3A_1046 = arith.addf %add3A_1032, %get3A_1045 : vector<16xf32>
        %add3A_1047 = arith.constant 14 : i32
        %add3A_1048 = arith.addi %mul3A_849, %add3A_1047 : i32
        %get3A_1049 = arith.index_cast %add3A_1048 : i32 to index
        %get3A_1050 = arith.constant 16 : index
        %get3A_1051 = tpu.vector_load %arg7[%get3A_1049, %get3A_1050] {strides = array<i32>} : memref<1040x32xf32, #tpu.memory_space<vmem>>, vector<1x16xf32>,
        %get3A_1052 = vector.shape_cast %get3A_1051 : vector<1x16xf32> to vector<16xf32>
        %add3A_1053 = arith.addf %add3A_1039, %get3A_1052 : vector<16xf32>
        %add3A_1054 = arith.constant 15 : i32
        %add3A_1055 = arith.addi %mul3A_849, %add3A_1054 : i32
        %get3A_1056 = arith.index_cast %add3A_1055 : i32 to index
        %get3A_1057 = arith.constant 0 : index
        %get3A_1058 = tpu.vector_load %arg7[%get3A_1056, %get3A_1057] {strides = array<i32>} : memref<1040x32xf32, #tpu.memory_space<vmem>>, vector<1x16xf32>,
        %get3A_1059 = vector.shape_cast %get3A_1058 : vector<1x16xf32> to vector<16xf32>
        %add3A_1060 = arith.addf %add3A_1046, %get3A_1059 : vector<16xf32>
        %add3A_1061 = arith.constant 15 : i32
        %add3A_1062 = arith.addi %mul3A_849, %add3A_1061 : i32
        %get3A_1063 = arith.index_cast %add3A_1062 : i32 to index
        %get3A_1064 = arith.constant 16 : index
        %get3A_1065 = tpu.vector_load %arg7[%get3A_1063, %get3A_1064] {strides = array<i32>} : memref<1040x32xf32, #tpu.memory_space<vmem>>, vector<1x16xf32>,
        %get3A_1066 = vector.shape_cast %get3A_1065 : vector<1x16xf32> to vector<16xf32>
        %add3A_1067 = arith.addf %add3A_1053, %get3A_1066 : vector<16xf32>
        %add3A_1068 = arith.constant 16 : i32
        %add3A_1069 = arith.addi %mul3A_849, %add3A_1068 : i32
        %get3A_1070 = arith.index_cast %add3A_1069 : i32 to index
        %get3A_1071 = arith.constant 0 : index
        %get3A_1072 = tpu.vector_load %arg7[%get3A_1070, %get3A_1071] {strides = array<i32>} : memref<1040x32xf32, #tpu.memory_space<vmem>>, vector<1x16xf32>,
        %get3A_1073 = vector.shape_cast %get3A_1072 : vector<1x16xf32> to vector<16xf32>
        %add3A_1074 = arith.addf %add3A_1060, %get3A_1073 : vector<16xf32>
        %add3A_1075 = arith.constant 16 : i32
        %add3A_1076 = arith.addi %mul3A_849, %add3A_1075 : i32
        %get3A_1077 = arith.index_cast %add3A_1076 : i32 to index
        %get3A_1078 = arith.constant 16 : index
        %get3A_1079 = tpu.vector_load %arg7[%get3A_1077, %get3A_1078] {strides = array<i32>} : memref<1040x32xf32, #tpu.memory_space<vmem>>, vector<1x16xf32>,
        %get3A_1080 = vector.shape_cast %get3A_1079 : vector<1x16xf32> to vector<16xf32>
        %add3A_1081 = arith.addf %add3A_1067, %get3A_1080 : vector<16xf32>
        %add3A_1082 = arith.constant 17 : i32
        %add3A_1083 = arith.addi %mul3A_849, %add3A_1082 : i32
        %get3A_1084 = arith.index_cast %add3A_1083 : i32 to index
        %get3A_1085 = arith.constant 0 : index
        %get3A_1086 = tpu.vector_load %arg7[%get3A_1084, %get3A_1085] {strides = array<i32>} : memref<1040x32xf32, #tpu.memory_space<vmem>>, vector<1x16xf32>,
        %get3A_1087 = vector.shape_cast %get3A_1086 : vector<1x16xf32> to vector<16xf32>
        %add3A_1088 = arith.addf %add3A_1074, %get3A_1087 : vector<16xf32>
        %add3A_1089 = arith.constant 17 : i32
        %add3A_1090 = arith.addi %mul3A_849, %add3A_1089 : i32
        %get3A_1091 = arith.index_cast %add3A_1090 : i32 to index
        %get3A_1092 = arith.constant 16 : index
        %get3A_1093 = tpu.vector_load %arg7[%get3A_1091, %get3A_1092] {strides = array<i32>} : memref<1040x32xf32, #tpu.memory_space<vmem>>, vector<1x16xf32>,
        %get3A_1094 = vector.shape_cast %get3A_1093 : vector<1x16xf32> to vector<16xf32>
        %add3A_1095 = arith.addf %add3A_1081, %get3A_1094 : vector<16xf32>
        %add3A_1096 = arith.constant 18 : i32
        %add3A_1097 = arith.addi %mul3A_849, %add3A_1096 : i32
        %get3A_1098 = arith.index_cast %add3A_1097 : i32 to index
        %get3A_1099 = arith.constant 0 : index
        %get3A_1100 = tpu.vector_load %arg7[%get3A_1098, %get3A_1099] {strides = array<i32>} : memref<1040x32xf32, #tpu.memory_space<vmem>>, vector<1x16xf32>,
        %get3A_1101 = vector.shape_cast %get3A_1100 : vector<1x16xf32> to vector<16xf32>
        %add3A_1102 = arith.addf %add3A_1088, %get3A_1101 : vector<16xf32>
        %add3A_1103 = arith.constant 18 : i32
        %add3A_1104 = arith.addi %mul3A_849, %add3A_1103 : i32
        %get3A_1105 = arith.index_cast %add3A_1104 : i32 to index
        %get3A_1106 = arith.constant 16 : index
        %get3A_1107 = tpu.vector_load %arg7[%get3A_1105, %get3A_1106] {strides = array<i32>} : memref<1040x32xf32, #tpu.memory_space<vmem>>, vector<1x16xf32>,
        %get3A_1108 = vector.shape_cast %get3A_1107 : vector<1x16xf32> to vector<16xf32>
        %add3A_1109 = arith.addf %add3A_1095, %get3A_1108 : vector<16xf32>
        %add3A_1110 = arith.constant 19 : i32
        %add3A_1111 = arith.addi %mul3A_849, %add3A_1110 : i32
        %get3A_1112 = arith.index_cast %add3A_1111 : i32 to index
        %get3A_1113 = arith.constant 0 : index
        %get3A_1114 = tpu.vector_load %arg7[%get3A_1112, %get3A_1113] {strides = array<i32>} : memref<1040x32xf32, #tpu.memory_space<vmem>>, vector<1x16xf32>,
        %get3A_1115 = vector.shape_cast %get3A_1114 : vector<1x16xf32> to vector<16xf32>
        %add3A_1116 = arith.addf %add3A_1102, %get3A_1115 : vector<16xf32>
        %add3A_1117 = arith.constant 19 : i32
        %add3A_1118 = arith.addi %mul3A_849, %add3A_1117 : i32
        %get3A_1119 = arith.index_cast %add3A_1118 : i32 to index
        %get3A_1120 = arith.constant 16 : index
        %get3A_1121 = tpu.vector_load %arg7[%get3A_1119, %get3A_1120] {strides = array<i32>} : memref<1040x32xf32, #tpu.memory_space<vmem>>, vector<1x16xf32>,
        %get3A_1122 = vector.shape_cast %get3A_1121 : vector<1x16xf32> to vector<16xf32>
        %add3A_1123 = arith.addf %add3A_1109, %get3A_1122 : vector<16xf32>
        %mul3A_1124 = vector.broadcast %scan3A_86 : f32 to vector<16xf32>
        %mul3A_1125 = arith.mulf %add3A_1116, %mul3A_1124 : vector<16xf32>
        %swap3A_1126 = arith.index_cast %scan3A_847 : i32 to index
        %swap3A_1127 = arith.constant 0 : index
        %swap3A_1128 = tpu.vector_load %arg9[%swap3A_1126, %swap3A_1127] {strides = array<i32>} : memref<52x32xf32, #tpu.memory_space<vmem>>, vector<1x16xf32>,
        %swap3A_1129 = vector.shape_cast %swap3A_1128 : vector<1x16xf32> to vector<16xf32>
        %swap3A_1130 = vector.shape_cast %mul3A_1125 : vector<16xf32> to vector<1x16xf32>
        tpu.vector_store %arg9[%swap3A_1126, %swap3A_1127], %swap3A_1130 {strides = array<i32>} : memref<52x32xf32, #tpu.memory_space<vmem>>, vector<1x16xf32>,
        %mul3A_1131 = vector.broadcast %scan3A_86 : f32 to vector<16xf32>
        %mul3A_1132 = arith.mulf %add3A_1123, %mul3A_1131 : vector<16xf32>
        %swap3A_1133 = arith.index_cast %scan3A_847 : i32 to index
        %swap3A_1134 = arith.constant 16 : index
        %swap3A_1135 = tpu.vector_load %arg9[%swap3A_1133, %swap3A_1134] {strides = array<i32>} : memref<52x32xf32, #tpu.memory_space<vmem>>, vector<1x16xf32>,
        %swap3A_1136 = vector.shape_cast %swap3A_1135 : vector<1x16xf32> to vector<16xf32>
        %swap3A_1137 = vector.shape_cast %mul3A_1132 : vector<16xf32> to vector<1x16xf32>
        tpu.vector_store %arg9[%swap3A_1133, %swap3A_1134], %swap3A_1137 {strides = array<i32>} : memref<52x32xf32, #tpu.memory_space<vmem>>, vector<1x16xf32>,
      }
      %scan3A_348 = arith.constant 52 : i32
      %mul3A_349 = arith.constant 128 : i32
      %mul3A_350 = arith.muli %add3A, %mul3A_349 : i32
      %mul3A_351 = arith.constant 2 : i32
      %mul3A_352 = arith.muli %mul3A_173, %mul3A_351 : i32
      %add3A_353 = arith.addi %mul3A_350, %mul3A_352 : i32
      %add3A_354 = arith.constant 0 : i32
      %add3A_355 = arith.addi %add3A_353, %add3A_354 : i32
      %mul3A_356 = arith.constant 32 : i32
      %mul3A_357 = arith.muli %add3A_355, %mul3A_356 : i32
      "tpu.region"() ({
        %run_scoped3A = tpu.sem_alloc : memref<!tpu.dma_semaphore, #tpu.memory_space<semaphore_mem>>
        %dma_start3A_557 = arith.constant 0 : i32
        %dma_start3A_558 = arith.constant 0 : i32
        %dma_start3A_559 = tpu.memref_slice %arg9[%dma_start3A_557, %dma_start3A_558] : memref<52x32xf32, #tpu.memory_space<vmem>> -> memref<26x32xf32, #tpu.memory_space<vmem>>
        %dma_start3A_560 = arith.constant 0 : i32
        %dma_start3A_561 = tpu.memref_slice %arg4[%mul3A_357, %dma_start3A_560] : memref<131072x128xf32, #tpu.memory_space<hbm>> -> memref<26x32xf32, #tpu.memory_space<hbm>>
        %dma_start3A_562 = arith.constant 0 : i32
        %dma_start3A_563 = tpu.memref_slice %arg4[%mul3A_357, %dma_start3A_562] : memref<131072x128xf32, #tpu.memory_space<hbm>> -> memref<26x32xf32, #tpu.memory_space<hbm>>
        %dma_start3A_564 = arith.constant 0 : i32
        %dma_start3A_565 = arith.constant 0 : i32
        %dma_start3A_566 = tpu.memref_slice %arg9[%dma_start3A_564, %dma_start3A_565] : memref<52x32xf32, #tpu.memory_space<vmem>> -> memref<26x32xf32, #tpu.memory_space<vmem>>
        tpu.enqueue_dma source(%dma_start3A_566 : memref<26x32xf32, #tpu.memory_space<vmem>>) target(%dma_start3A_563 : memref<26x32xf32, #tpu.memory_space<hbm>>) target_semaphore(%run_scoped3A : memref<!tpu.dma_semaphore, #tpu.memory_space<semaphore_mem>>)
        %dma_wait3A_567 = arith.constant 0 : i32
        %dma_wait3A_568 = arith.constant 0 : i32
        %dma_wait3A_569 = tpu.memref_slice %arg9[%dma_wait3A_567, %dma_wait3A_568] : memref<52x32xf32, #tpu.memory_space<vmem>> -> memref<26x32xf32, #tpu.memory_space<vmem>>
        %dma_wait3A_570 = arith.constant 0 : i32
        %dma_wait3A_571 = tpu.memref_slice %arg4[%mul3A_357, %dma_wait3A_570] : memref<131072x128xf32, #tpu.memory_space<hbm>> -> memref<26x32xf32, #tpu.memory_space<hbm>>
        %dma_wait3A_572 = arith.constant 0 : i32
        %dma_wait3A_573 = tpu.memref_slice %arg4[%mul3A_357, %dma_wait3A_572] : memref<131072x128xf32, #tpu.memory_space<hbm>> -> memref<26x32xf32, #tpu.memory_space<hbm>>
        %dma_wait3A_574 = arith.constant 0 : i32
        %dma_wait3A_575 = arith.constant 0 : i32
        %dma_wait3A_576 = tpu.memref_slice %arg9[%dma_wait3A_574, %dma_wait3A_575] : memref<52x32xf32, #tpu.memory_space<vmem>> -> memref<26x32xf32, #tpu.memory_space<vmem>>
        tpu.wait_dma2 semaphore(%run_scoped3A : memref<!tpu.dma_semaphore, #tpu.memory_space<semaphore_mem>>) src(%dma_wait3A_576 : memref<26x32xf32, #tpu.memory_space<vmem>>) dst(%dma_wait3A_573 : memref<26x32xf32, #tpu.memory_space<hbm>>)
        tpu.yield
      }) : () -> ()
      %add3A_358 = arith.constant 1 : i32
      %add3A_359 = arith.addi %add3A_353, %add3A_358 : i32
      %mul3A_360 = arith.constant 32 : i32
      %mul3A_361 = arith.muli %add3A_359, %mul3A_360 : i32
      "tpu.region"() ({
        %run_scoped3A = tpu.sem_alloc : memref<!tpu.dma_semaphore, #tpu.memory_space<semaphore_mem>>
        %dma_start3A_557 = arith.constant 26 : i32
        %dma_start3A_558 = arith.constant 0 : i32
        %dma_start3A_559 = tpu.memref_slice %arg9[%dma_start3A_557, %dma_start3A_558] : memref<52x32xf32, #tpu.memory_space<vmem>> -> memref<26x32xf32, #tpu.memory_space<vmem>>
        %dma_start3A_560 = arith.constant 0 : i32
        %dma_start3A_561 = tpu.memref_slice %arg4[%mul3A_361, %dma_start3A_560] : memref<131072x128xf32, #tpu.memory_space<hbm>> -> memref<26x32xf32, #tpu.memory_space<hbm>>
        %dma_start3A_562 = arith.constant 0 : i32
        %dma_start3A_563 = tpu.memref_slice %arg4[%mul3A_361, %dma_start3A_562] : memref<131072x128xf32, #tpu.memory_space<hbm>> -> memref<26x32xf32, #tpu.memory_space<hbm>>
        %dma_start3A_564 = arith.constant 26 : i32
        %dma_start3A_565 = arith.constant 0 : i32
        %dma_start3A_566 = tpu.memref_slice %arg9[%dma_start3A_564, %dma_start3A_565] : memref<52x32xf32, #tpu.memory_space<vmem>> -> memref<26x32xf32, #tpu.memory_space<vmem>>
        tpu.enqueue_dma source(%dma_start3A_566 : memref<26x32xf32, #tpu.memory_space<vmem>>) target(%dma_start3A_563 : memref<26x32xf32, #tpu.memory_space<hbm>>) target_semaphore(%run_scoped3A : memref<!tpu.dma_semaphore, #tpu.memory_space<semaphore_mem>>)
        %dma_wait3A_567 = arith.constant 26 : i32
        %dma_wait3A_568 = arith.constant 0 : i32
        %dma_wait3A_569 = tpu.memref_slice %arg9[%dma_wait3A_567, %dma_wait3A_568] : memref<52x32xf32, #tpu.memory_space<vmem>> -> memref<26x32xf32, #tpu.memory_space<vmem>>
        %dma_wait3A_570 = arith.constant 0 : i32
        %dma_wait3A_571 = tpu.memref_slice %arg4[%mul3A_361, %dma_wait3A_570] : memref<131072x128xf32, #tpu.memory_space<hbm>> -> memref<26x32xf32, #tpu.memory_space<hbm>>
        %dma_wait3A_572 = arith.constant 0 : i32
        %dma_wait3A_573 = tpu.memref_slice %arg4[%mul3A_361, %dma_wait3A_572] : memref<131072x128xf32, #tpu.memory_space<hbm>> -> memref<26x32xf32, #tpu.memory_space<hbm>>
        %dma_wait3A_574 = arith.constant 26 : i32
        %dma_wait3A_575 = arith.constant 0 : i32
        %dma_wait3A_576 = tpu.memref_slice %arg9[%dma_wait3A_574, %dma_wait3A_575] : memref<52x32xf32, #tpu.memory_space<vmem>> -> memref<26x32xf32, #tpu.memory_space<vmem>>
        tpu.wait_dma2 semaphore(%run_scoped3A : memref<!tpu.dma_semaphore, #tpu.memory_space<semaphore_mem>>) src(%dma_wait3A_576 : memref<26x32xf32, #tpu.memory_space<vmem>>) dst(%dma_wait3A_573 : memref<26x32xf32, #tpu.memory_space<hbm>>)
        tpu.yield
      }) : () -> ()
      %add3A_362 = arith.constant 2 : i32
      %add3A_363 = arith.addi %mul3A_173, %add3A_362 : i32
      %jit3A = arith.constant 64 : i32
      %eq3A = arith.constant 0 : i32
      %eq3A_364 = arith.cmpi eq, %jit3A, %eq3A : i32
      %jit3A_365 = arith.constant 1 : i32
      %select_n3A = arith.select %eq3A_364, %jit3A_365, %jit3A : i32
      %rem3A = arith.remsi %add3A_363, %select_n3A : i32
      %ne3A = arith.constant 0 : i32
      %ne3A_366 = arith.cmpi ne, %rem3A, %ne3A : i32
      %lt3A = arith.constant 0 : i32
      %lt3A_367 = arith.cmpi slt, %rem3A, %lt3A : i32
      %lt3A_368 = arith.constant 0 : i32
      %lt3A_369 = arith.cmpi slt, %select_n3A, %lt3A_368 : i32
      %ne3A_370 = arith.xori %lt3A_367, %lt3A_369 : i1
      %and3A = arith.andi %ne3A_370, %ne3A_366 : i1
      %add3A_371 = arith.addi %rem3A, %select_n3A : i32
      %select_n3A_372 = arith.select %and3A, %add3A_371, %rem3A : i32
      %mul3A_373 = arith.constant 64 : i32
      %mul3A_374 = arith.muli %add3A, %mul3A_373 : i32
      %add3A_375 = arith.addi %mul3A_374, %select_n3A_372 : i32
      %mul3A_376 = arith.constant 1040 : i32
      %mul3A_377 = arith.muli %add3A_375, %mul3A_376 : i32
      "tpu.region"() ({
        %run_scoped3A = tpu.sem_alloc : memref<!tpu.dma_semaphore, #tpu.memory_space<semaphore_mem>>
        %dma_start3A_557 = tpu.memref_slice %arg2[%mul3A_377] : memref<2129920xi32, #tpu.memory_space<hbm>> -> memref<1040xi32, #tpu.memory_space<hbm>>
        %dma_start3A_558 = tpu.memref_slice %arg2[%mul3A_377] : memref<2129920xi32, #tpu.memory_space<hbm>> -> memref<1040xi32, #tpu.memory_space<hbm>>
        tpu.enqueue_dma source(%dma_start3A_558 : memref<1040xi32, #tpu.memory_space<hbm>>) target(%arg5 : memref<1040xi32, #tpu.memory_space<vmem>>) target_semaphore(%run_scoped3A : memref<!tpu.dma_semaphore, #tpu.memory_space<semaphore_mem>>)
        %dma_wait3A_559 = tpu.memref_slice %arg2[%mul3A_377] : memref<2129920xi32, #tpu.memory_space<hbm>> -> memref<1040xi32, #tpu.memory_space<hbm>>
        %dma_wait3A_560 = tpu.memref_slice %arg2[%mul3A_377] : memref<2129920xi32, #tpu.memory_space<hbm>> -> memref<1040xi32, #tpu.memory_space<hbm>>
        tpu.wait_dma2 semaphore(%run_scoped3A : memref<!tpu.dma_semaphore, #tpu.memory_space<semaphore_mem>>) src(%dma_wait3A_560 : memref<1040xi32, #tpu.memory_space<hbm>>) dst(%arg5 : memref<1040xi32, #tpu.memory_space<vmem>>)
        tpu.yield
      }) : () -> ()
      %dma_start3A_378 = arith.constant 0 : i32
      %dma_start3A_379 = arith.constant 0 : i32
      %dma_start3A_380 = tpu.memref_slice %arg7[%dma_start3A_378, %dma_start3A_379] : memref<1040x32xf32, #tpu.memory_space<vmem>> -> memref<104x32xf32, #tpu.memory_space<vmem>>
      %dma_start3A_381 = arith.constant 0 : i32
      %dma_start3A_382 = tpu.memref_slice %arg5[%dma_start3A_381] : memref<1040xi32, #tpu.memory_space<vmem>> -> memref<104xi32, #tpu.memory_space<vmem>>
      %dma_start3A_383 = arith.constant 0 : i32
      %dma_start3A_384 = arith.constant 0 : i32
      %dma_start3A_385 = tpu.memref_slice %arg3[%dma_start3A_383, %dma_start3A_384] : memref<1048576x32xf32, #tpu.memory_space<hbm>> -> memref<1048576x32xf32, #tpu.memory_space<hbm>>
      tpu.enqueue_indirect_dma source(%dma_start3A_385 : memref<1048576x32xf32, #tpu.memory_space<hbm>>) target(%dma_start3A_380 : memref<104x32xf32, #tpu.memory_space<vmem>>) offsets(%dma_start3A_382 : memref<104xi32, #tpu.memory_space<vmem>>) semaphore(%arg10 : memref<!tpu.dma_semaphore, #tpu.memory_space<semaphore_mem>>)
      %dma_start3A_386 = arith.constant 104 : i32
      %dma_start3A_387 = arith.constant 0 : i32
      %dma_start3A_388 = tpu.memref_slice %arg7[%dma_start3A_386, %dma_start3A_387] : memref<1040x32xf32, #tpu.memory_space<vmem>> -> memref<104x32xf32, #tpu.memory_space<vmem>>
      %dma_start3A_389 = arith.constant 104 : i32
      %dma_start3A_390 = tpu.memref_slice %arg5[%dma_start3A_389] : memref<1040xi32, #tpu.memory_space<vmem>> -> memref<104xi32, #tpu.memory_space<vmem>>
      %dma_start3A_391 = arith.constant 0 : i32
      %dma_start3A_392 = arith.constant 0 : i32
      %dma_start3A_393 = tpu.memref_slice %arg3[%dma_start3A_391, %dma_start3A_392] : memref<1048576x32xf32, #tpu.memory_space<hbm>> -> memref<1048576x32xf32, #tpu.memory_space<hbm>>
      tpu.enqueue_indirect_dma source(%dma_start3A_393 : memref<1048576x32xf32, #tpu.memory_space<hbm>>) target(%dma_start3A_388 : memref<104x32xf32, #tpu.memory_space<vmem>>) offsets(%dma_start3A_390 : memref<104xi32, #tpu.memory_space<vmem>>) semaphore(%arg10 : memref<!tpu.dma_semaphore, #tpu.memory_space<semaphore_mem>>)
      %dma_start3A_394 = arith.constant 208 : i32
      %dma_start3A_395 = arith.constant 0 : i32
      %dma_start3A_396 = tpu.memref_slice %arg7[%dma_start3A_394, %dma_start3A_395] : memref<1040x32xf32, #tpu.memory_space<vmem>> -> memref<104x32xf32, #tpu.memory_space<vmem>>
      %dma_start3A_397 = arith.constant 208 : i32
      %dma_start3A_398 = tpu.memref_slice %arg5[%dma_start3A_397] : memref<1040xi32, #tpu.memory_space<vmem>> -> memref<104xi32, #tpu.memory_space<vmem>>
      %dma_start3A_399 = arith.constant 0 : i32
      %dma_start3A_400 = arith.constant 0 : i32
      %dma_start3A_401 = tpu.memref_slice %arg3[%dma_start3A_399, %dma_start3A_400] : memref<1048576x32xf32, #tpu.memory_space<hbm>> -> memref<1048576x32xf32, #tpu.memory_space<hbm>>
      tpu.enqueue_indirect_dma source(%dma_start3A_401 : memref<1048576x32xf32, #tpu.memory_space<hbm>>) target(%dma_start3A_396 : memref<104x32xf32, #tpu.memory_space<vmem>>) offsets(%dma_start3A_398 : memref<104xi32, #tpu.memory_space<vmem>>) semaphore(%arg10 : memref<!tpu.dma_semaphore, #tpu.memory_space<semaphore_mem>>)
      %dma_start3A_402 = arith.constant 312 : i32
      %dma_start3A_403 = arith.constant 0 : i32
      %dma_start3A_404 = tpu.memref_slice %arg7[%dma_start3A_402, %dma_start3A_403] : memref<1040x32xf32, #tpu.memory_space<vmem>> -> memref<104x32xf32, #tpu.memory_space<vmem>>
      %dma_start3A_405 = arith.constant 312 : i32
      %dma_start3A_406 = tpu.memref_slice %arg5[%dma_start3A_405] : memref<1040xi32, #tpu.memory_space<vmem>> -> memref<104xi32, #tpu.memory_space<vmem>>
      %dma_start3A_407 = arith.constant 0 : i32
      %dma_start3A_408 = arith.constant 0 : i32
      %dma_start3A_409 = tpu.memref_slice %arg3[%dma_start3A_407, %dma_start3A_408] : memref<1048576x32xf32, #tpu.memory_space<hbm>> -> memref<1048576x32xf32, #tpu.memory_space<hbm>>
      tpu.enqueue_indirect_dma source(%dma_start3A_409 : memref<1048576x32xf32, #tpu.memory_space<hbm>>) target(%dma_start3A_404 : memref<104x32xf32, #tpu.memory_space<vmem>>) offsets(%dma_start3A_406 : memref<104xi32, #tpu.memory_space<vmem>>) semaphore(%arg10 : memref<!tpu.dma_semaphore, #tpu.memory_space<semaphore_mem>>)
      %dma_start3A_410 = arith.constant 416 : i32
      %dma_start3A_411 = arith.constant 0 : i32
      %dma_start3A_412 = tpu.memref_slice %arg7[%dma_start3A_410, %dma_start3A_411] : memref<1040x32xf32, #tpu.memory_space<vmem>> -> memref<104x32xf32, #tpu.memory_space<vmem>>
      %dma_start3A_413 = arith.constant 416 : i32
      %dma_start3A_414 = tpu.memref_slice %arg5[%dma_start3A_413] : memref<1040xi32, #tpu.memory_space<vmem>> -> memref<104xi32, #tpu.memory_space<vmem>>
      %dma_start3A_415 = arith.constant 0 : i32
      %dma_start3A_416 = arith.constant 0 : i32
      %dma_start3A_417 = tpu.memref_slice %arg3[%dma_start3A_415, %dma_start3A_416] : memref<1048576x32xf32, #tpu.memory_space<hbm>> -> memref<1048576x32xf32, #tpu.memory_space<hbm>>
      tpu.enqueue_indirect_dma source(%dma_start3A_417 : memref<1048576x32xf32, #tpu.memory_space<hbm>>) target(%dma_start3A_412 : memref<104x32xf32, #tpu.memory_space<vmem>>) offsets(%dma_start3A_414 : memref<104xi32, #tpu.memory_space<vmem>>) semaphore(%arg10 : memref<!tpu.dma_semaphore, #tpu.memory_space<semaphore_mem>>)
      %dma_start3A_418 = arith.constant 520 : i32
      %dma_start3A_419 = arith.constant 0 : i32
      %dma_start3A_420 = tpu.memref_slice %arg7[%dma_start3A_418, %dma_start3A_419] : memref<1040x32xf32, #tpu.memory_space<vmem>> -> memref<104x32xf32, #tpu.memory_space<vmem>>
      %dma_start3A_421 = arith.constant 520 : i32
      %dma_start3A_422 = tpu.memref_slice %arg5[%dma_start3A_421] : memref<1040xi32, #tpu.memory_space<vmem>> -> memref<104xi32, #tpu.memory_space<vmem>>
      %dma_start3A_423 = arith.constant 0 : i32
      %dma_start3A_424 = arith.constant 0 : i32
      %dma_start3A_425 = tpu.memref_slice %arg3[%dma_start3A_423, %dma_start3A_424] : memref<1048576x32xf32, #tpu.memory_space<hbm>> -> memref<1048576x32xf32, #tpu.memory_space<hbm>>
      tpu.enqueue_indirect_dma source(%dma_start3A_425 : memref<1048576x32xf32, #tpu.memory_space<hbm>>) target(%dma_start3A_420 : memref<104x32xf32, #tpu.memory_space<vmem>>) offsets(%dma_start3A_422 : memref<104xi32, #tpu.memory_space<vmem>>) semaphore(%arg10 : memref<!tpu.dma_semaphore, #tpu.memory_space<semaphore_mem>>)
      %dma_start3A_426 = arith.constant 624 : i32
      %dma_start3A_427 = arith.constant 0 : i32
      %dma_start3A_428 = tpu.memref_slice %arg7[%dma_start3A_426, %dma_start3A_427] : memref<1040x32xf32, #tpu.memory_space<vmem>> -> memref<104x32xf32, #tpu.memory_space<vmem>>
      %dma_start3A_429 = arith.constant 624 : i32
      %dma_start3A_430 = tpu.memref_slice %arg5[%dma_start3A_429] : memref<1040xi32, #tpu.memory_space<vmem>> -> memref<104xi32, #tpu.memory_space<vmem>>
      %dma_start3A_431 = arith.constant 0 : i32
      %dma_start3A_432 = arith.constant 0 : i32
      %dma_start3A_433 = tpu.memref_slice %arg3[%dma_start3A_431, %dma_start3A_432] : memref<1048576x32xf32, #tpu.memory_space<hbm>> -> memref<1048576x32xf32, #tpu.memory_space<hbm>>
      tpu.enqueue_indirect_dma source(%dma_start3A_433 : memref<1048576x32xf32, #tpu.memory_space<hbm>>) target(%dma_start3A_428 : memref<104x32xf32, #tpu.memory_space<vmem>>) offsets(%dma_start3A_430 : memref<104xi32, #tpu.memory_space<vmem>>) semaphore(%arg10 : memref<!tpu.dma_semaphore, #tpu.memory_space<semaphore_mem>>)
      %dma_start3A_434 = arith.constant 728 : i32
      %dma_start3A_435 = arith.constant 0 : i32
      %dma_start3A_436 = tpu.memref_slice %arg7[%dma_start3A_434, %dma_start3A_435] : memref<1040x32xf32, #tpu.memory_space<vmem>> -> memref<104x32xf32, #tpu.memory_space<vmem>>
      %dma_start3A_437 = arith.constant 728 : i32
      %dma_start3A_438 = tpu.memref_slice %arg5[%dma_start3A_437] : memref<1040xi32, #tpu.memory_space<vmem>> -> memref<104xi32, #tpu.memory_space<vmem>>
      %dma_start3A_439 = arith.constant 0 : i32
      %dma_start3A_440 = arith.constant 0 : i32
      %dma_start3A_441 = tpu.memref_slice %arg3[%dma_start3A_439, %dma_start3A_440] : memref<1048576x32xf32, #tpu.memory_space<hbm>> -> memref<1048576x32xf32, #tpu.memory_space<hbm>>
      tpu.enqueue_indirect_dma source(%dma_start3A_441 : memref<1048576x32xf32, #tpu.memory_space<hbm>>) target(%dma_start3A_436 : memref<104x32xf32, #tpu.memory_space<vmem>>) offsets(%dma_start3A_438 : memref<104xi32, #tpu.memory_space<vmem>>) semaphore(%arg10 : memref<!tpu.dma_semaphore, #tpu.memory_space<semaphore_mem>>)
      %dma_start3A_442 = arith.constant 832 : i32
      %dma_start3A_443 = arith.constant 0 : i32
      %dma_start3A_444 = tpu.memref_slice %arg7[%dma_start3A_442, %dma_start3A_443] : memref<1040x32xf32, #tpu.memory_space<vmem>> -> memref<104x32xf32, #tpu.memory_space<vmem>>
      %dma_start3A_445 = arith.constant 832 : i32
      %dma_start3A_446 = tpu.memref_slice %arg5[%dma_start3A_445] : memref<1040xi32, #tpu.memory_space<vmem>> -> memref<104xi32, #tpu.memory_space<vmem>>
      %dma_start3A_447 = arith.constant 0 : i32
      %dma_start3A_448 = arith.constant 0 : i32
      %dma_start3A_449 = tpu.memref_slice %arg3[%dma_start3A_447, %dma_start3A_448] : memref<1048576x32xf32, #tpu.memory_space<hbm>> -> memref<1048576x32xf32, #tpu.memory_space<hbm>>
      tpu.enqueue_indirect_dma source(%dma_start3A_449 : memref<1048576x32xf32, #tpu.memory_space<hbm>>) target(%dma_start3A_444 : memref<104x32xf32, #tpu.memory_space<vmem>>) offsets(%dma_start3A_446 : memref<104xi32, #tpu.memory_space<vmem>>) semaphore(%arg10 : memref<!tpu.dma_semaphore, #tpu.memory_space<semaphore_mem>>)
      %dma_start3A_450 = arith.constant 936 : i32
      %dma_start3A_451 = arith.constant 0 : i32
      %dma_start3A_452 = tpu.memref_slice %arg7[%dma_start3A_450, %dma_start3A_451] : memref<1040x32xf32, #tpu.memory_space<vmem>> -> memref<104x32xf32, #tpu.memory_space<vmem>>
      %dma_start3A_453 = arith.constant 936 : i32
      %dma_start3A_454 = tpu.memref_slice %arg5[%dma_start3A_453] : memref<1040xi32, #tpu.memory_space<vmem>> -> memref<104xi32, #tpu.memory_space<vmem>>
      %dma_start3A_455 = arith.constant 0 : i32
      %dma_start3A_456 = arith.constant 0 : i32
      %dma_start3A_457 = tpu.memref_slice %arg3[%dma_start3A_455, %dma_start3A_456] : memref<1048576x32xf32, #tpu.memory_space<hbm>> -> memref<1048576x32xf32, #tpu.memory_space<hbm>>
      tpu.enqueue_indirect_dma source(%dma_start3A_457 : memref<1048576x32xf32, #tpu.memory_space<hbm>>) target(%dma_start3A_452 : memref<104x32xf32, #tpu.memory_space<vmem>>) offsets(%dma_start3A_454 : memref<104xi32, #tpu.memory_space<vmem>>) semaphore(%arg10 : memref<!tpu.dma_semaphore, #tpu.memory_space<semaphore_mem>>)
      %dma_wait3A_458 = arith.constant 0 : i32
      %dma_wait3A_459 = arith.constant 0 : i32
      %dma_wait3A_460 = tpu.memref_slice %arg8[%dma_wait3A_458, %dma_wait3A_459] : memref<1040x32xf32, #tpu.memory_space<vmem>> -> memref<104x32xf32, #tpu.memory_space<vmem>>
      %dma_wait3A_461 = arith.constant 0 : i32
      %dma_wait3A_462 = tpu.memref_slice %arg6[%dma_wait3A_461] : memref<1040xi32, #tpu.memory_space<vmem>> -> memref<104xi32, #tpu.memory_space<vmem>>
      %dma_wait3A_463 = arith.constant 0 : i32
      %dma_wait3A_464 = arith.constant 0 : i32
      %dma_wait3A_465 = tpu.memref_slice %arg3[%dma_wait3A_463, %dma_wait3A_464] : memref<1048576x32xf32, #tpu.memory_space<hbm>> -> memref<1048576x32xf32, #tpu.memory_space<hbm>>
      tpu.wait_indirect_dma semaphore(%arg11 : memref<!tpu.dma_semaphore, #tpu.memory_space<semaphore_mem>>) src(%dma_wait3A_465 : memref<1048576x32xf32, #tpu.memory_space<hbm>>) dst(%dma_wait3A_460 : memref<104x32xf32, #tpu.memory_space<vmem>>)
      %dma_wait3A_466 = arith.constant 104 : i32
      %dma_wait3A_467 = arith.constant 0 : i32
      %dma_wait3A_468 = tpu.memref_slice %arg8[%dma_wait3A_466, %dma_wait3A_467] : memref<1040x32xf32, #tpu.memory_space<vmem>> -> memref<104x32xf32, #tpu.memory_space<vmem>>
      %dma_wait3A_469 = arith.constant 104 : i32
      %dma_wait3A_470 = tpu.memref_slice %arg6[%dma_wait3A_469] : memref<1040xi32, #tpu.memory_space<vmem>> -> memref<104xi32, #tpu.memory_space<vmem>>
      %dma_wait3A_471 = arith.constant 0 : i32
      %dma_wait3A_472 = arith.constant 0 : i32
      %dma_wait3A_473 = tpu.memref_slice %arg3[%dma_wait3A_471, %dma_wait3A_472] : memref<1048576x32xf32, #tpu.memory_space<hbm>> -> memref<1048576x32xf32, #tpu.memory_space<hbm>>
      tpu.wait_indirect_dma semaphore(%arg11 : memref<!tpu.dma_semaphore, #tpu.memory_space<semaphore_mem>>) src(%dma_wait3A_473 : memref<1048576x32xf32, #tpu.memory_space<hbm>>) dst(%dma_wait3A_468 : memref<104x32xf32, #tpu.memory_space<vmem>>)
      %dma_wait3A_474 = arith.constant 208 : i32
      %dma_wait3A_475 = arith.constant 0 : i32
      %dma_wait3A_476 = tpu.memref_slice %arg8[%dma_wait3A_474, %dma_wait3A_475] : memref<1040x32xf32, #tpu.memory_space<vmem>> -> memref<104x32xf32, #tpu.memory_space<vmem>>
      %dma_wait3A_477 = arith.constant 208 : i32
      %dma_wait3A_478 = tpu.memref_slice %arg6[%dma_wait3A_477] : memref<1040xi32, #tpu.memory_space<vmem>> -> memref<104xi32, #tpu.memory_space<vmem>>
      %dma_wait3A_479 = arith.constant 0 : i32
      %dma_wait3A_480 = arith.constant 0 : i32
      %dma_wait3A_481 = tpu.memref_slice %arg3[%dma_wait3A_479, %dma_wait3A_480] : memref<1048576x32xf32, #tpu.memory_space<hbm>> -> memref<1048576x32xf32, #tpu.memory_space<hbm>>
      tpu.wait_indirect_dma semaphore(%arg11 : memref<!tpu.dma_semaphore, #tpu.memory_space<semaphore_mem>>) src(%dma_wait3A_481 : memref<1048576x32xf32, #tpu.memory_space<hbm>>) dst(%dma_wait3A_476 : memref<104x32xf32, #tpu.memory_space<vmem>>)
      %dma_wait3A_482 = arith.constant 312 : i32
      %dma_wait3A_483 = arith.constant 0 : i32
      %dma_wait3A_484 = tpu.memref_slice %arg8[%dma_wait3A_482, %dma_wait3A_483] : memref<1040x32xf32, #tpu.memory_space<vmem>> -> memref<104x32xf32, #tpu.memory_space<vmem>>
      %dma_wait3A_485 = arith.constant 312 : i32
      %dma_wait3A_486 = tpu.memref_slice %arg6[%dma_wait3A_485] : memref<1040xi32, #tpu.memory_space<vmem>> -> memref<104xi32, #tpu.memory_space<vmem>>
      %dma_wait3A_487 = arith.constant 0 : i32
      %dma_wait3A_488 = arith.constant 0 : i32
      %dma_wait3A_489 = tpu.memref_slice %arg3[%dma_wait3A_487, %dma_wait3A_488] : memref<1048576x32xf32, #tpu.memory_space<hbm>> -> memref<1048576x32xf32, #tpu.memory_space<hbm>>
      tpu.wait_indirect_dma semaphore(%arg11 : memref<!tpu.dma_semaphore, #tpu.memory_space<semaphore_mem>>) src(%dma_wait3A_489 : memref<1048576x32xf32, #tpu.memory_space<hbm>>) dst(%dma_wait3A_484 : memref<104x32xf32, #tpu.memory_space<vmem>>)
      %dma_wait3A_490 = arith.constant 416 : i32
      %dma_wait3A_491 = arith.constant 0 : i32
      %dma_wait3A_492 = tpu.memref_slice %arg8[%dma_wait3A_490, %dma_wait3A_491] : memref<1040x32xf32, #tpu.memory_space<vmem>> -> memref<104x32xf32, #tpu.memory_space<vmem>>
      %dma_wait3A_493 = arith.constant 416 : i32
      %dma_wait3A_494 = tpu.memref_slice %arg6[%dma_wait3A_493] : memref<1040xi32, #tpu.memory_space<vmem>> -> memref<104xi32, #tpu.memory_space<vmem>>
      %dma_wait3A_495 = arith.constant 0 : i32
      %dma_wait3A_496 = arith.constant 0 : i32
      %dma_wait3A_497 = tpu.memref_slice %arg3[%dma_wait3A_495, %dma_wait3A_496] : memref<1048576x32xf32, #tpu.memory_space<hbm>> -> memref<1048576x32xf32, #tpu.memory_space<hbm>>
      tpu.wait_indirect_dma semaphore(%arg11 : memref<!tpu.dma_semaphore, #tpu.memory_space<semaphore_mem>>) src(%dma_wait3A_497 : memref<1048576x32xf32, #tpu.memory_space<hbm>>) dst(%dma_wait3A_492 : memref<104x32xf32, #tpu.memory_space<vmem>>)
      %dma_wait3A_498 = arith.constant 520 : i32
      %dma_wait3A_499 = arith.constant 0 : i32
      %dma_wait3A_500 = tpu.memref_slice %arg8[%dma_wait3A_498, %dma_wait3A_499] : memref<1040x32xf32, #tpu.memory_space<vmem>> -> memref<104x32xf32, #tpu.memory_space<vmem>>
      %dma_wait3A_501 = arith.constant 520 : i32
      %dma_wait3A_502 = tpu.memref_slice %arg6[%dma_wait3A_501] : memref<1040xi32, #tpu.memory_space<vmem>> -> memref<104xi32, #tpu.memory_space<vmem>>
      %dma_wait3A_503 = arith.constant 0 : i32
      %dma_wait3A_504 = arith.constant 0 : i32
      %dma_wait3A_505 = tpu.memref_slice %arg3[%dma_wait3A_503, %dma_wait3A_504] : memref<1048576x32xf32, #tpu.memory_space<hbm>> -> memref<1048576x32xf32, #tpu.memory_space<hbm>>
      tpu.wait_indirect_dma semaphore(%arg11 : memref<!tpu.dma_semaphore, #tpu.memory_space<semaphore_mem>>) src(%dma_wait3A_505 : memref<1048576x32xf32, #tpu.memory_space<hbm>>) dst(%dma_wait3A_500 : memref<104x32xf32, #tpu.memory_space<vmem>>)
      %dma_wait3A_506 = arith.constant 624 : i32
      %dma_wait3A_507 = arith.constant 0 : i32
      %dma_wait3A_508 = tpu.memref_slice %arg8[%dma_wait3A_506, %dma_wait3A_507] : memref<1040x32xf32, #tpu.memory_space<vmem>> -> memref<104x32xf32, #tpu.memory_space<vmem>>
      %dma_wait3A_509 = arith.constant 624 : i32
      %dma_wait3A_510 = tpu.memref_slice %arg6[%dma_wait3A_509] : memref<1040xi32, #tpu.memory_space<vmem>> -> memref<104xi32, #tpu.memory_space<vmem>>
      %dma_wait3A_511 = arith.constant 0 : i32
      %dma_wait3A_512 = arith.constant 0 : i32
      %dma_wait3A_513 = tpu.memref_slice %arg3[%dma_wait3A_511, %dma_wait3A_512] : memref<1048576x32xf32, #tpu.memory_space<hbm>> -> memref<1048576x32xf32, #tpu.memory_space<hbm>>
      tpu.wait_indirect_dma semaphore(%arg11 : memref<!tpu.dma_semaphore, #tpu.memory_space<semaphore_mem>>) src(%dma_wait3A_513 : memref<1048576x32xf32, #tpu.memory_space<hbm>>) dst(%dma_wait3A_508 : memref<104x32xf32, #tpu.memory_space<vmem>>)
      %dma_wait3A_514 = arith.constant 728 : i32
      %dma_wait3A_515 = arith.constant 0 : i32
      %dma_wait3A_516 = tpu.memref_slice %arg8[%dma_wait3A_514, %dma_wait3A_515] : memref<1040x32xf32, #tpu.memory_space<vmem>> -> memref<104x32xf32, #tpu.memory_space<vmem>>
      %dma_wait3A_517 = arith.constant 728 : i32
      %dma_wait3A_518 = tpu.memref_slice %arg6[%dma_wait3A_517] : memref<1040xi32, #tpu.memory_space<vmem>> -> memref<104xi32, #tpu.memory_space<vmem>>
      %dma_wait3A_519 = arith.constant 0 : i32
      %dma_wait3A_520 = arith.constant 0 : i32
      %dma_wait3A_521 = tpu.memref_slice %arg3[%dma_wait3A_519, %dma_wait3A_520] : memref<1048576x32xf32, #tpu.memory_space<hbm>> -> memref<1048576x32xf32, #tpu.memory_space<hbm>>
      tpu.wait_indirect_dma semaphore(%arg11 : memref<!tpu.dma_semaphore, #tpu.memory_space<semaphore_mem>>) src(%dma_wait3A_521 : memref<1048576x32xf32, #tpu.memory_space<hbm>>) dst(%dma_wait3A_516 : memref<104x32xf32, #tpu.memory_space<vmem>>)
      %dma_wait3A_522 = arith.constant 832 : i32
      %dma_wait3A_523 = arith.constant 0 : i32
      %dma_wait3A_524 = tpu.memref_slice %arg8[%dma_wait3A_522, %dma_wait3A_523] : memref<1040x32xf32, #tpu.memory_space<vmem>> -> memref<104x32xf32, #tpu.memory_space<vmem>>
      %dma_wait3A_525 = arith.constant 832 : i32
      %dma_wait3A_526 = tpu.memref_slice %arg6[%dma_wait3A_525] : memref<1040xi32, #tpu.memory_space<vmem>> -> memref<104xi32, #tpu.memory_space<vmem>>
      %dma_wait3A_527 = arith.constant 0 : i32
      %dma_wait3A_528 = arith.constant 0 : i32
      %dma_wait3A_529 = tpu.memref_slice %arg3[%dma_wait3A_527, %dma_wait3A_528] : memref<1048576x32xf32, #tpu.memory_space<hbm>> -> memref<1048576x32xf32, #tpu.memory_space<hbm>>
      tpu.wait_indirect_dma semaphore(%arg11 : memref<!tpu.dma_semaphore, #tpu.memory_space<semaphore_mem>>) src(%dma_wait3A_529 : memref<1048576x32xf32, #tpu.memory_space<hbm>>) dst(%dma_wait3A_524 : memref<104x32xf32, #tpu.memory_space<vmem>>)
      %dma_wait3A_530 = arith.constant 936 : i32
      %dma_wait3A_531 = arith.constant 0 : i32
      %dma_wait3A_532 = tpu.memref_slice %arg8[%dma_wait3A_530, %dma_wait3A_531] : memref<1040x32xf32, #tpu.memory_space<vmem>> -> memref<104x32xf32, #tpu.memory_space<vmem>>
      %dma_wait3A_533 = arith.constant 936 : i32
      %dma_wait3A_534 = tpu.memref_slice %arg6[%dma_wait3A_533] : memref<1040xi32, #tpu.memory_space<vmem>> -> memref<104xi32, #tpu.memory_space<vmem>>
      %dma_wait3A_535 = arith.constant 0 : i32
      %dma_wait3A_536 = arith.constant 0 : i32
      %dma_wait3A_537 = tpu.memref_slice %arg3[%dma_wait3A_535, %dma_wait3A_536] : memref<1048576x32xf32, #tpu.memory_space<hbm>> -> memref<1048576x32xf32, #tpu.memory_space<hbm>>
      tpu.wait_indirect_dma semaphore(%arg11 : memref<!tpu.dma_semaphore, #tpu.memory_space<semaphore_mem>>) src(%dma_wait3A_537 : memref<1048576x32xf32, #tpu.memory_space<hbm>>) dst(%dma_wait3A_532 : memref<104x32xf32, #tpu.memory_space<vmem>>)
      %scan3A_538 = arith.constant 0 : i32
      %scan3A_539 = arith.constant 0 : i32
      %scan3A_540 = arith.constant 52 : i32
      %scan3A_541 = arith.addi %scan3A_539, %scan3A_540 : i32
      %scan3A_542 = arith.constant 2 : i32
      scf.for %scan3A_557 = %scan3A_539 to %scan3A_541 step %scan3A_542  : i32 {
        %mul3A_558 = arith.constant 20 : i32
        %mul3A_559 = arith.muli %scan3A_557, %mul3A_558 : i32
        %get3A = arith.index_cast %mul3A_559 : i32 to index
        %get3A_560 = arith.constant 0 : index
        %get3A_561 = tpu.vector_load %arg8[%get3A, %get3A_560] {strides = array<i32>} : memref<1040x32xf32, #tpu.memory_space<vmem>>, vector<1x16xf32>,
        %get3A_562 = vector.shape_cast %get3A_561 : vector<1x16xf32> to vector<16xf32>
        %get3A_563 = arith.index_cast %mul3A_559 : i32 to index
        %get3A_564 = arith.constant 16 : index
        %get3A_565 = tpu.vector_load %arg8[%get3A_563, %get3A_564] {strides = array<i32>} : memref<1040x32xf32, #tpu.memory_space<vmem>>, vector<1x16xf32>,
        %get3A_566 = vector.shape_cast %get3A_565 : vector<1x16xf32> to vector<16xf32>
        %add3A_567 = arith.constant 1 : i32
        %add3A_568 = arith.addi %mul3A_559, %add3A_567 : i32
        %get3A_569 = arith.index_cast %add3A_568 : i32 to index
        %get3A_570 = arith.constant 0 : index
        %get3A_571 = tpu.vector_load %arg8[%get3A_569, %get3A_570] {strides = array<i32>} : memref<1040x32xf32, #tpu.memory_space<vmem>>, vector<1x16xf32>,
        %get3A_572 = vector.shape_cast %get3A_571 : vector<1x16xf32> to vector<16xf32>
        %add3A_573 = arith.addf %get3A_562, %get3A_572 : vector<16xf32>
        %add3A_574 = arith.constant 1 : i32
        %add3A_575 = arith.addi %mul3A_559, %add3A_574 : i32
        %get3A_576 = arith.index_cast %add3A_575 : i32 to index
        %get3A_577 = arith.constant 16 : index
        %get3A_578 = tpu.vector_load %arg8[%get3A_576, %get3A_577] {strides = array<i32>} : memref<1040x32xf32, #tpu.memory_space<vmem>>, vector<1x16xf32>,
        %get3A_579 = vector.shape_cast %get3A_578 : vector<1x16xf32> to vector<16xf32>
        %add3A_580 = arith.addf %get3A_566, %get3A_579 : vector<16xf32>
        %add3A_581 = arith.constant 2 : i32
        %add3A_582 = arith.addi %mul3A_559, %add3A_581 : i32
        %get3A_583 = arith.index_cast %add3A_582 : i32 to index
        %get3A_584 = arith.constant 0 : index
        %get3A_585 = tpu.vector_load %arg8[%get3A_583, %get3A_584] {strides = array<i32>} : memref<1040x32xf32, #tpu.memory_space<vmem>>, vector<1x16xf32>,
        %get3A_586 = vector.shape_cast %get3A_585 : vector<1x16xf32> to vector<16xf32>
        %add3A_587 = arith.addf %add3A_573, %get3A_586 : vector<16xf32>
        %add3A_588 = arith.constant 2 : i32
        %add3A_589 = arith.addi %mul3A_559, %add3A_588 : i32
        %get3A_590 = arith.index_cast %add3A_589 : i32 to index
        %get3A_591 = arith.constant 16 : index
        %get3A_592 = tpu.vector_load %arg8[%get3A_590, %get3A_591] {strides = array<i32>} : memref<1040x32xf32, #tpu.memory_space<vmem>>, vector<1x16xf32>,
        %get3A_593 = vector.shape_cast %get3A_592 : vector<1x16xf32> to vector<16xf32>
        %add3A_594 = arith.addf %add3A_580, %get3A_593 : vector<16xf32>
        %add3A_595 = arith.constant 3 : i32
        %add3A_596 = arith.addi %mul3A_559, %add3A_595 : i32
        %get3A_597 = arith.index_cast %add3A_596 : i32 to index
        %get3A_598 = arith.constant 0 : index
        %get3A_599 = tpu.vector_load %arg8[%get3A_597, %get3A_598] {strides = array<i32>} : memref<1040x32xf32, #tpu.memory_space<vmem>>, vector<1x16xf32>,
        %get3A_600 = vector.shape_cast %get3A_599 : vector<1x16xf32> to vector<16xf32>
        %add3A_601 = arith.addf %add3A_587, %get3A_600 : vector<16xf32>
        %add3A_602 = arith.constant 3 : i32
        %add3A_603 = arith.addi %mul3A_559, %add3A_602 : i32
        %get3A_604 = arith.index_cast %add3A_603 : i32 to index
        %get3A_605 = arith.constant 16 : index
        %get3A_606 = tpu.vector_load %arg8[%get3A_604, %get3A_605] {strides = array<i32>} : memref<1040x32xf32, #tpu.memory_space<vmem>>, vector<1x16xf32>,
        %get3A_607 = vector.shape_cast %get3A_606 : vector<1x16xf32> to vector<16xf32>
        %add3A_608 = arith.addf %add3A_594, %get3A_607 : vector<16xf32>
        %add3A_609 = arith.constant 4 : i32
        %add3A_610 = arith.addi %mul3A_559, %add3A_609 : i32
        %get3A_611 = arith.index_cast %add3A_610 : i32 to index
        %get3A_612 = arith.constant 0 : index
        %get3A_613 = tpu.vector_load %arg8[%get3A_611, %get3A_612] {strides = array<i32>} : memref<1040x32xf32, #tpu.memory_space<vmem>>, vector<1x16xf32>,
        %get3A_614 = vector.shape_cast %get3A_613 : vector<1x16xf32> to vector<16xf32>
        %add3A_615 = arith.addf %add3A_601, %get3A_614 : vector<16xf32>
        %add3A_616 = arith.constant 4 : i32
        %add3A_617 = arith.addi %mul3A_559, %add3A_616 : i32
        %get3A_618 = arith.index_cast %add3A_617 : i32 to index
        %get3A_619 = arith.constant 16 : index
        %get3A_620 = tpu.vector_load %arg8[%get3A_618, %get3A_619] {strides = array<i32>} : memref<1040x32xf32, #tpu.memory_space<vmem>>, vector<1x16xf32>,
        %get3A_621 = vector.shape_cast %get3A_620 : vector<1x16xf32> to vector<16xf32>
        %add3A_622 = arith.addf %add3A_608, %get3A_621 : vector<16xf32>
        %add3A_623 = arith.constant 5 : i32
        %add3A_624 = arith.addi %mul3A_559, %add3A_623 : i32
        %get3A_625 = arith.index_cast %add3A_624 : i32 to index
        %get3A_626 = arith.constant 0 : index
        %get3A_627 = tpu.vector_load %arg8[%get3A_625, %get3A_626] {strides = array<i32>} : memref<1040x32xf32, #tpu.memory_space<vmem>>, vector<1x16xf32>,
        %get3A_628 = vector.shape_cast %get3A_627 : vector<1x16xf32> to vector<16xf32>
        %add3A_629 = arith.addf %add3A_615, %get3A_628 : vector<16xf32>
        %add3A_630 = arith.constant 5 : i32
        %add3A_631 = arith.addi %mul3A_559, %add3A_630 : i32
        %get3A_632 = arith.index_cast %add3A_631 : i32 to index
        %get3A_633 = arith.constant 16 : index
        %get3A_634 = tpu.vector_load %arg8[%get3A_632, %get3A_633] {strides = array<i32>} : memref<1040x32xf32, #tpu.memory_space<vmem>>, vector<1x16xf32>,
        %get3A_635 = vector.shape_cast %get3A_634 : vector<1x16xf32> to vector<16xf32>
        %add3A_636 = arith.addf %add3A_622, %get3A_635 : vector<16xf32>
        %add3A_637 = arith.constant 6 : i32
        %add3A_638 = arith.addi %mul3A_559, %add3A_637 : i32
        %get3A_639 = arith.index_cast %add3A_638 : i32 to index
        %get3A_640 = arith.constant 0 : index
        %get3A_641 = tpu.vector_load %arg8[%get3A_639, %get3A_640] {strides = array<i32>} : memref<1040x32xf32, #tpu.memory_space<vmem>>, vector<1x16xf32>,
        %get3A_642 = vector.shape_cast %get3A_641 : vector<1x16xf32> to vector<16xf32>
        %add3A_643 = arith.addf %add3A_629, %get3A_642 : vector<16xf32>
        %add3A_644 = arith.constant 6 : i32
        %add3A_645 = arith.addi %mul3A_559, %add3A_644 : i32
        %get3A_646 = arith.index_cast %add3A_645 : i32 to index
        %get3A_647 = arith.constant 16 : index
        %get3A_648 = tpu.vector_load %arg8[%get3A_646, %get3A_647] {strides = array<i32>} : memref<1040x32xf32, #tpu.memory_space<vmem>>, vector<1x16xf32>,
        %get3A_649 = vector.shape_cast %get3A_648 : vector<1x16xf32> to vector<16xf32>
        %add3A_650 = arith.addf %add3A_636, %get3A_649 : vector<16xf32>
        %add3A_651 = arith.constant 7 : i32
        %add3A_652 = arith.addi %mul3A_559, %add3A_651 : i32
        %get3A_653 = arith.index_cast %add3A_652 : i32 to index
        %get3A_654 = arith.constant 0 : index
        %get3A_655 = tpu.vector_load %arg8[%get3A_653, %get3A_654] {strides = array<i32>} : memref<1040x32xf32, #tpu.memory_space<vmem>>, vector<1x16xf32>,
        %get3A_656 = vector.shape_cast %get3A_655 : vector<1x16xf32> to vector<16xf32>
        %add3A_657 = arith.addf %add3A_643, %get3A_656 : vector<16xf32>
        %add3A_658 = arith.constant 7 : i32
        %add3A_659 = arith.addi %mul3A_559, %add3A_658 : i32
        %get3A_660 = arith.index_cast %add3A_659 : i32 to index
        %get3A_661 = arith.constant 16 : index
        %get3A_662 = tpu.vector_load %arg8[%get3A_660, %get3A_661] {strides = array<i32>} : memref<1040x32xf32, #tpu.memory_space<vmem>>, vector<1x16xf32>,
        %get3A_663 = vector.shape_cast %get3A_662 : vector<1x16xf32> to vector<16xf32>
        %add3A_664 = arith.addf %add3A_650, %get3A_663 : vector<16xf32>
        %add3A_665 = arith.constant 8 : i32
        %add3A_666 = arith.addi %mul3A_559, %add3A_665 : i32
        %get3A_667 = arith.index_cast %add3A_666 : i32 to index
        %get3A_668 = arith.constant 0 : index
        %get3A_669 = tpu.vector_load %arg8[%get3A_667, %get3A_668] {strides = array<i32>} : memref<1040x32xf32, #tpu.memory_space<vmem>>, vector<1x16xf32>,
        %get3A_670 = vector.shape_cast %get3A_669 : vector<1x16xf32> to vector<16xf32>
        %add3A_671 = arith.addf %add3A_657, %get3A_670 : vector<16xf32>
        %add3A_672 = arith.constant 8 : i32
        %add3A_673 = arith.addi %mul3A_559, %add3A_672 : i32
        %get3A_674 = arith.index_cast %add3A_673 : i32 to index
        %get3A_675 = arith.constant 16 : index
        %get3A_676 = tpu.vector_load %arg8[%get3A_674, %get3A_675] {strides = array<i32>} : memref<1040x32xf32, #tpu.memory_space<vmem>>, vector<1x16xf32>,
        %get3A_677 = vector.shape_cast %get3A_676 : vector<1x16xf32> to vector<16xf32>
        %add3A_678 = arith.addf %add3A_664, %get3A_677 : vector<16xf32>
        %add3A_679 = arith.constant 9 : i32
        %add3A_680 = arith.addi %mul3A_559, %add3A_679 : i32
        %get3A_681 = arith.index_cast %add3A_680 : i32 to index
        %get3A_682 = arith.constant 0 : index
        %get3A_683 = tpu.vector_load %arg8[%get3A_681, %get3A_682] {strides = array<i32>} : memref<1040x32xf32, #tpu.memory_space<vmem>>, vector<1x16xf32>,
        %get3A_684 = vector.shape_cast %get3A_683 : vector<1x16xf32> to vector<16xf32>
        %add3A_685 = arith.addf %add3A_671, %get3A_684 : vector<16xf32>
        %add3A_686 = arith.constant 9 : i32
        %add3A_687 = arith.addi %mul3A_559, %add3A_686 : i32
        %get3A_688 = arith.index_cast %add3A_687 : i32 to index
        %get3A_689 = arith.constant 16 : index
        %get3A_690 = tpu.vector_load %arg8[%get3A_688, %get3A_689] {strides = array<i32>} : memref<1040x32xf32, #tpu.memory_space<vmem>>, vector<1x16xf32>,
        %get3A_691 = vector.shape_cast %get3A_690 : vector<1x16xf32> to vector<16xf32>
        %add3A_692 = arith.addf %add3A_678, %get3A_691 : vector<16xf32>
        %add3A_693 = arith.constant 10 : i32
        %add3A_694 = arith.addi %mul3A_559, %add3A_693 : i32
        %get3A_695 = arith.index_cast %add3A_694 : i32 to index
        %get3A_696 = arith.constant 0 : index
        %get3A_697 = tpu.vector_load %arg8[%get3A_695, %get3A_696] {strides = array<i32>} : memref<1040x32xf32, #tpu.memory_space<vmem>>, vector<1x16xf32>,
        %get3A_698 = vector.shape_cast %get3A_697 : vector<1x16xf32> to vector<16xf32>
        %add3A_699 = arith.addf %add3A_685, %get3A_698 : vector<16xf32>
        %add3A_700 = arith.constant 10 : i32
        %add3A_701 = arith.addi %mul3A_559, %add3A_700 : i32
        %get3A_702 = arith.index_cast %add3A_701 : i32 to index
        %get3A_703 = arith.constant 16 : index
        %get3A_704 = tpu.vector_load %arg8[%get3A_702, %get3A_703] {strides = array<i32>} : memref<1040x32xf32, #tpu.memory_space<vmem>>, vector<1x16xf32>,
        %get3A_705 = vector.shape_cast %get3A_704 : vector<1x16xf32> to vector<16xf32>
        %add3A_706 = arith.addf %add3A_692, %get3A_705 : vector<16xf32>
        %add3A_707 = arith.constant 11 : i32
        %add3A_708 = arith.addi %mul3A_559, %add3A_707 : i32
        %get3A_709 = arith.index_cast %add3A_708 : i32 to index
        %get3A_710 = arith.constant 0 : index
        %get3A_711 = tpu.vector_load %arg8[%get3A_709, %get3A_710] {strides = array<i32>} : memref<1040x32xf32, #tpu.memory_space<vmem>>, vector<1x16xf32>,
        %get3A_712 = vector.shape_cast %get3A_711 : vector<1x16xf32> to vector<16xf32>
        %add3A_713 = arith.addf %add3A_699, %get3A_712 : vector<16xf32>
        %add3A_714 = arith.constant 11 : i32
        %add3A_715 = arith.addi %mul3A_559, %add3A_714 : i32
        %get3A_716 = arith.index_cast %add3A_715 : i32 to index
        %get3A_717 = arith.constant 16 : index
        %get3A_718 = tpu.vector_load %arg8[%get3A_716, %get3A_717] {strides = array<i32>} : memref<1040x32xf32, #tpu.memory_space<vmem>>, vector<1x16xf32>,
        %get3A_719 = vector.shape_cast %get3A_718 : vector<1x16xf32> to vector<16xf32>
        %add3A_720 = arith.addf %add3A_706, %get3A_719 : vector<16xf32>
        %add3A_721 = arith.constant 12 : i32
        %add3A_722 = arith.addi %mul3A_559, %add3A_721 : i32
        %get3A_723 = arith.index_cast %add3A_722 : i32 to index
        %get3A_724 = arith.constant 0 : index
        %get3A_725 = tpu.vector_load %arg8[%get3A_723, %get3A_724] {strides = array<i32>} : memref<1040x32xf32, #tpu.memory_space<vmem>>, vector<1x16xf32>,
        %get3A_726 = vector.shape_cast %get3A_725 : vector<1x16xf32> to vector<16xf32>
        %add3A_727 = arith.addf %add3A_713, %get3A_726 : vector<16xf32>
        %add3A_728 = arith.constant 12 : i32
        %add3A_729 = arith.addi %mul3A_559, %add3A_728 : i32
        %get3A_730 = arith.index_cast %add3A_729 : i32 to index
        %get3A_731 = arith.constant 16 : index
        %get3A_732 = tpu.vector_load %arg8[%get3A_730, %get3A_731] {strides = array<i32>} : memref<1040x32xf32, #tpu.memory_space<vmem>>, vector<1x16xf32>,
        %get3A_733 = vector.shape_cast %get3A_732 : vector<1x16xf32> to vector<16xf32>
        %add3A_734 = arith.addf %add3A_720, %get3A_733 : vector<16xf32>
        %add3A_735 = arith.constant 13 : i32
        %add3A_736 = arith.addi %mul3A_559, %add3A_735 : i32
        %get3A_737 = arith.index_cast %add3A_736 : i32 to index
        %get3A_738 = arith.constant 0 : index
        %get3A_739 = tpu.vector_load %arg8[%get3A_737, %get3A_738] {strides = array<i32>} : memref<1040x32xf32, #tpu.memory_space<vmem>>, vector<1x16xf32>,
        %get3A_740 = vector.shape_cast %get3A_739 : vector<1x16xf32> to vector<16xf32>
        %add3A_741 = arith.addf %add3A_727, %get3A_740 : vector<16xf32>
        %add3A_742 = arith.constant 13 : i32
        %add3A_743 = arith.addi %mul3A_559, %add3A_742 : i32
        %get3A_744 = arith.index_cast %add3A_743 : i32 to index
        %get3A_745 = arith.constant 16 : index
        %get3A_746 = tpu.vector_load %arg8[%get3A_744, %get3A_745] {strides = array<i32>} : memref<1040x32xf32, #tpu.memory_space<vmem>>, vector<1x16xf32>,
        %get3A_747 = vector.shape_cast %get3A_746 : vector<1x16xf32> to vector<16xf32>
        %add3A_748 = arith.addf %add3A_734, %get3A_747 : vector<16xf32>
        %add3A_749 = arith.constant 14 : i32
        %add3A_750 = arith.addi %mul3A_559, %add3A_749 : i32
        %get3A_751 = arith.index_cast %add3A_750 : i32 to index
        %get3A_752 = arith.constant 0 : index
        %get3A_753 = tpu.vector_load %arg8[%get3A_751, %get3A_752] {strides = array<i32>} : memref<1040x32xf32, #tpu.memory_space<vmem>>, vector<1x16xf32>,
        %get3A_754 = vector.shape_cast %get3A_753 : vector<1x16xf32> to vector<16xf32>
        %add3A_755 = arith.addf %add3A_741, %get3A_754 : vector<16xf32>
        %add3A_756 = arith.constant 14 : i32
        %add3A_757 = arith.addi %mul3A_559, %add3A_756 : i32
        %get3A_758 = arith.index_cast %add3A_757 : i32 to index
        %get3A_759 = arith.constant 16 : index
        %get3A_760 = tpu.vector_load %arg8[%get3A_758, %get3A_759] {strides = array<i32>} : memref<1040x32xf32, #tpu.memory_space<vmem>>, vector<1x16xf32>,
        %get3A_761 = vector.shape_cast %get3A_760 : vector<1x16xf32> to vector<16xf32>
        %add3A_762 = arith.addf %add3A_748, %get3A_761 : vector<16xf32>
        %add3A_763 = arith.constant 15 : i32
        %add3A_764 = arith.addi %mul3A_559, %add3A_763 : i32
        %get3A_765 = arith.index_cast %add3A_764 : i32 to index
        %get3A_766 = arith.constant 0 : index
        %get3A_767 = tpu.vector_load %arg8[%get3A_765, %get3A_766] {strides = array<i32>} : memref<1040x32xf32, #tpu.memory_space<vmem>>, vector<1x16xf32>,
        %get3A_768 = vector.shape_cast %get3A_767 : vector<1x16xf32> to vector<16xf32>
        %add3A_769 = arith.addf %add3A_755, %get3A_768 : vector<16xf32>
        %add3A_770 = arith.constant 15 : i32
        %add3A_771 = arith.addi %mul3A_559, %add3A_770 : i32
        %get3A_772 = arith.index_cast %add3A_771 : i32 to index
        %get3A_773 = arith.constant 16 : index
        %get3A_774 = tpu.vector_load %arg8[%get3A_772, %get3A_773] {strides = array<i32>} : memref<1040x32xf32, #tpu.memory_space<vmem>>, vector<1x16xf32>,
        %get3A_775 = vector.shape_cast %get3A_774 : vector<1x16xf32> to vector<16xf32>
        %add3A_776 = arith.addf %add3A_762, %get3A_775 : vector<16xf32>
        %add3A_777 = arith.constant 16 : i32
        %add3A_778 = arith.addi %mul3A_559, %add3A_777 : i32
        %get3A_779 = arith.index_cast %add3A_778 : i32 to index
        %get3A_780 = arith.constant 0 : index
        %get3A_781 = tpu.vector_load %arg8[%get3A_779, %get3A_780] {strides = array<i32>} : memref<1040x32xf32, #tpu.memory_space<vmem>>, vector<1x16xf32>,
        %get3A_782 = vector.shape_cast %get3A_781 : vector<1x16xf32> to vector<16xf32>
        %add3A_783 = arith.addf %add3A_769, %get3A_782 : vector<16xf32>
        %add3A_784 = arith.constant 16 : i32
        %add3A_785 = arith.addi %mul3A_559, %add3A_784 : i32
        %get3A_786 = arith.index_cast %add3A_785 : i32 to index
        %get3A_787 = arith.constant 16 : index
        %get3A_788 = tpu.vector_load %arg8[%get3A_786, %get3A_787] {strides = array<i32>} : memref<1040x32xf32, #tpu.memory_space<vmem>>, vector<1x16xf32>,
        %get3A_789 = vector.shape_cast %get3A_788 : vector<1x16xf32> to vector<16xf32>
        %add3A_790 = arith.addf %add3A_776, %get3A_789 : vector<16xf32>
        %add3A_791 = arith.constant 17 : i32
        %add3A_792 = arith.addi %mul3A_559, %add3A_791 : i32
        %get3A_793 = arith.index_cast %add3A_792 : i32 to index
        %get3A_794 = arith.constant 0 : index
        %get3A_795 = tpu.vector_load %arg8[%get3A_793, %get3A_794] {strides = array<i32>} : memref<1040x32xf32, #tpu.memory_space<vmem>>, vector<1x16xf32>,
        %get3A_796 = vector.shape_cast %get3A_795 : vector<1x16xf32> to vector<16xf32>
        %add3A_797 = arith.addf %add3A_783, %get3A_796 : vector<16xf32>
        %add3A_798 = arith.constant 17 : i32
        %add3A_799 = arith.addi %mul3A_559, %add3A_798 : i32
        %get3A_800 = arith.index_cast %add3A_799 : i32 to index
        %get3A_801 = arith.constant 16 : index
        %get3A_802 = tpu.vector_load %arg8[%get3A_800, %get3A_801] {strides = array<i32>} : memref<1040x32xf32, #tpu.memory_space<vmem>>, vector<1x16xf32>,
        %get3A_803 = vector.shape_cast %get3A_802 : vector<1x16xf32> to vector<16xf32>
        %add3A_804 = arith.addf %add3A_790, %get3A_803 : vector<16xf32>
        %add3A_805 = arith.constant 18 : i32
        %add3A_806 = arith.addi %mul3A_559, %add3A_805 : i32
        %get3A_807 = arith.index_cast %add3A_806 : i32 to index
        %get3A_808 = arith.constant 0 : index
        %get3A_809 = tpu.vector_load %arg8[%get3A_807, %get3A_808] {strides = array<i32>} : memref<1040x32xf32, #tpu.memory_space<vmem>>, vector<1x16xf32>,
        %get3A_810 = vector.shape_cast %get3A_809 : vector<1x16xf32> to vector<16xf32>
        %add3A_811 = arith.addf %add3A_797, %get3A_810 : vector<16xf32>
        %add3A_812 = arith.constant 18 : i32
        %add3A_813 = arith.addi %mul3A_559, %add3A_812 : i32
        %get3A_814 = arith.index_cast %add3A_813 : i32 to index
        %get3A_815 = arith.constant 16 : index
        %get3A_816 = tpu.vector_load %arg8[%get3A_814, %get3A_815] {strides = array<i32>} : memref<1040x32xf32, #tpu.memory_space<vmem>>, vector<1x16xf32>,
        %get3A_817 = vector.shape_cast %get3A_816 : vector<1x16xf32> to vector<16xf32>
        %add3A_818 = arith.addf %add3A_804, %get3A_817 : vector<16xf32>
        %add3A_819 = arith.constant 19 : i32
        %add3A_820 = arith.addi %mul3A_559, %add3A_819 : i32
        %get3A_821 = arith.index_cast %add3A_820 : i32 to index
        %get3A_822 = arith.constant 0 : index
        %get3A_823 = tpu.vector_load %arg8[%get3A_821, %get3A_822] {strides = array<i32>} : memref<1040x32xf32, #tpu.memory_space<vmem>>, vector<1x16xf32>,
        %get3A_824 = vector.shape_cast %get3A_823 : vector<1x16xf32> to vector<16xf32>
        %add3A_825 = arith.addf %add3A_811, %get3A_824 : vector<16xf32>
        %add3A_826 = arith.constant 19 : i32
        %add3A_827 = arith.addi %mul3A_559, %add3A_826 : i32
        %get3A_828 = arith.index_cast %add3A_827 : i32 to index
        %get3A_829 = arith.constant 16 : index
        %get3A_830 = tpu.vector_load %arg8[%get3A_828, %get3A_829] {strides = array<i32>} : memref<1040x32xf32, #tpu.memory_space<vmem>>, vector<1x16xf32>,
        %get3A_831 = vector.shape_cast %get3A_830 : vector<1x16xf32> to vector<16xf32>
        %add3A_832 = arith.addf %add3A_818, %get3A_831 : vector<16xf32>
        %mul3A_833 = vector.broadcast %scan3A_86 : f32 to vector<16xf32>
        %mul3A_834 = arith.mulf %add3A_825, %mul3A_833 : vector<16xf32>
        %swap3A = arith.index_cast %scan3A_557 : i32 to index
        %swap3A_835 = arith.constant 0 : index
        %swap3A_836 = tpu.vector_load %arg9[%swap3A, %swap3A_835] {strides = array<i32>} : memref<52x32xf32, #tpu.memory_space<vmem>>, vector<1x16xf32>,
        %swap3A_837 = vector.shape_cast %swap3A_836 : vector<1x16xf32> to vector<16xf32>
        %swap3A_838 = vector.shape_cast %mul3A_834 : vector<16xf32> to vector<1x16xf32>
        tpu.vector_store %arg9[%swap3A, %swap3A_835], %swap3A_838 {strides = array<i32>} : memref<52x32xf32, #tpu.memory_space<vmem>>, vector<1x16xf32>,
        %mul3A_839 = vector.broadcast %scan3A_86 : f32 to vector<16xf32>
        %mul3A_840 = arith.mulf %add3A_832, %mul3A_839 : vector<16xf32>
        %swap3A_841 = arith.index_cast %scan3A_557 : i32 to index
        %swap3A_842 = arith.constant 16 : index
        %swap3A_843 = tpu.vector_load %arg9[%swap3A_841, %swap3A_842] {strides = array<i32>} : memref<52x32xf32, #tpu.memory_space<vmem>>, vector<1x16xf32>,
        %swap3A_844 = vector.shape_cast %swap3A_843 : vector<1x16xf32> to vector<16xf32>
        %swap3A_845 = vector.shape_cast %mul3A_840 : vector<16xf32> to vector<1x16xf32>
        tpu.vector_store %arg9[%swap3A_841, %swap3A_842], %swap3A_845 {strides = array<i32>} : memref<52x32xf32, #tpu.memory_space<vmem>>, vector<1x16xf32>,
        %scan3A_846 = arith.constant 1 : i32
        %scan3A_847 = arith.addi %scan3A_557, %scan3A_846 : i32
        %mul3A_848 = arith.constant 20 : i32
        %mul3A_849 = arith.muli %scan3A_847, %mul3A_848 : i32
        %get3A_850 = arith.index_cast %mul3A_849 : i32 to index
        %get3A_851 = arith.constant 0 : index
        %get3A_852 = tpu.vector_load %arg8[%get3A_850, %get3A_851] {strides = array<i32>} : memref<1040x32xf32, #tpu.memory_space<vmem>>, vector<1x16xf32>,
        %get3A_853 = vector.shape_cast %get3A_852 : vector<1x16xf32> to vector<16xf32>
        %get3A_854 = arith.index_cast %mul3A_849 : i32 to index
        %get3A_855 = arith.constant 16 : index
        %get3A_856 = tpu.vector_load %arg8[%get3A_854, %get3A_855] {strides = array<i32>} : memref<1040x32xf32, #tpu.memory_space<vmem>>, vector<1x16xf32>,
        %get3A_857 = vector.shape_cast %get3A_856 : vector<1x16xf32> to vector<16xf32>
        %add3A_858 = arith.constant 1 : i32
        %add3A_859 = arith.addi %mul3A_849, %add3A_858 : i32
        %get3A_860 = arith.index_cast %add3A_859 : i32 to index
        %get3A_861 = arith.constant 0 : index
        %get3A_862 = tpu.vector_load %arg8[%get3A_860, %get3A_861] {strides = array<i32>} : memref<1040x32xf32, #tpu.memory_space<vmem>>, vector<1x16xf32>,
        %get3A_863 = vector.shape_cast %get3A_862 : vector<1x16xf32> to vector<16xf32>
        %add3A_864 = arith.addf %get3A_853, %get3A_863 : vector<16xf32>
        %add3A_865 = arith.constant 1 : i32
        %add3A_866 = arith.addi %mul3A_849, %add3A_865 : i32
        %get3A_867 = arith.index_cast %add3A_866 : i32 to index
        %get3A_868 = arith.constant 16 : index
        %get3A_869 = tpu.vector_load %arg8[%get3A_867, %get3A_868] {strides = array<i32>} : memref<1040x32xf32, #tpu.memory_space<vmem>>, vector<1x16xf32>,
        %get3A_870 = vector.shape_cast %get3A_869 : vector<1x16xf32> to vector<16xf32>
        %add3A_871 = arith.addf %get3A_857, %get3A_870 : vector<16xf32>
        %add3A_872 = arith.constant 2 : i32
        %add3A_873 = arith.addi %mul3A_849, %add3A_872 : i32
        %get3A_874 = arith.index_cast %add3A_873 : i32 to index
        %get3A_875 = arith.constant 0 : index
        %get3A_876 = tpu.vector_load %arg8[%get3A_874, %get3A_875] {strides = array<i32>} : memref<1040x32xf32, #tpu.memory_space<vmem>>, vector<1x16xf32>,
        %get3A_877 = vector.shape_cast %get3A_876 : vector<1x16xf32> to vector<16xf32>
        %add3A_878 = arith.addf %add3A_864, %get3A_877 : vector<16xf32>
        %add3A_879 = arith.constant 2 : i32
        %add3A_880 = arith.addi %mul3A_849, %add3A_879 : i32
        %get3A_881 = arith.index_cast %add3A_880 : i32 to index
        %get3A_882 = arith.constant 16 : index
        %get3A_883 = tpu.vector_load %arg8[%get3A_881, %get3A_882] {strides = array<i32>} : memref<1040x32xf32, #tpu.memory_space<vmem>>, vector<1x16xf32>,
        %get3A_884 = vector.shape_cast %get3A_883 : vector<1x16xf32> to vector<16xf32>
        %add3A_885 = arith.addf %add3A_871, %get3A_884 : vector<16xf32>
        %add3A_886 = arith.constant 3 : i32
        %add3A_887 = arith.addi %mul3A_849, %add3A_886 : i32
        %get3A_888 = arith.index_cast %add3A_887 : i32 to index
        %get3A_889 = arith.constant 0 : index
        %get3A_890 = tpu.vector_load %arg8[%get3A_888, %get3A_889] {strides = array<i32>} : memref<1040x32xf32, #tpu.memory_space<vmem>>, vector<1x16xf32>,
        %get3A_891 = vector.shape_cast %get3A_890 : vector<1x16xf32> to vector<16xf32>
        %add3A_892 = arith.addf %add3A_878, %get3A_891 : vector<16xf32>
        %add3A_893 = arith.constant 3 : i32
        %add3A_894 = arith.addi %mul3A_849, %add3A_893 : i32
        %get3A_895 = arith.index_cast %add3A_894 : i32 to index
        %get3A_896 = arith.constant 16 : index
        %get3A_897 = tpu.vector_load %arg8[%get3A_895, %get3A_896] {strides = array<i32>} : memref<1040x32xf32, #tpu.memory_space<vmem>>, vector<1x16xf32>,
        %get3A_898 = vector.shape_cast %get3A_897 : vector<1x16xf32> to vector<16xf32>
        %add3A_899 = arith.addf %add3A_885, %get3A_898 : vector<16xf32>
        %add3A_900 = arith.constant 4 : i32
        %add3A_901 = arith.addi %mul3A_849, %add3A_900 : i32
        %get3A_902 = arith.index_cast %add3A_901 : i32 to index
        %get3A_903 = arith.constant 0 : index
        %get3A_904 = tpu.vector_load %arg8[%get3A_902, %get3A_903] {strides = array<i32>} : memref<1040x32xf32, #tpu.memory_space<vmem>>, vector<1x16xf32>,
        %get3A_905 = vector.shape_cast %get3A_904 : vector<1x16xf32> to vector<16xf32>
        %add3A_906 = arith.addf %add3A_892, %get3A_905 : vector<16xf32>
        %add3A_907 = arith.constant 4 : i32
        %add3A_908 = arith.addi %mul3A_849, %add3A_907 : i32
        %get3A_909 = arith.index_cast %add3A_908 : i32 to index
        %get3A_910 = arith.constant 16 : index
        %get3A_911 = tpu.vector_load %arg8[%get3A_909, %get3A_910] {strides = array<i32>} : memref<1040x32xf32, #tpu.memory_space<vmem>>, vector<1x16xf32>,
        %get3A_912 = vector.shape_cast %get3A_911 : vector<1x16xf32> to vector<16xf32>
        %add3A_913 = arith.addf %add3A_899, %get3A_912 : vector<16xf32>
        %add3A_914 = arith.constant 5 : i32
        %add3A_915 = arith.addi %mul3A_849, %add3A_914 : i32
        %get3A_916 = arith.index_cast %add3A_915 : i32 to index
        %get3A_917 = arith.constant 0 : index
        %get3A_918 = tpu.vector_load %arg8[%get3A_916, %get3A_917] {strides = array<i32>} : memref<1040x32xf32, #tpu.memory_space<vmem>>, vector<1x16xf32>,
        %get3A_919 = vector.shape_cast %get3A_918 : vector<1x16xf32> to vector<16xf32>
        %add3A_920 = arith.addf %add3A_906, %get3A_919 : vector<16xf32>
        %add3A_921 = arith.constant 5 : i32
        %add3A_922 = arith.addi %mul3A_849, %add3A_921 : i32
        %get3A_923 = arith.index_cast %add3A_922 : i32 to index
        %get3A_924 = arith.constant 16 : index
        %get3A_925 = tpu.vector_load %arg8[%get3A_923, %get3A_924] {strides = array<i32>} : memref<1040x32xf32, #tpu.memory_space<vmem>>, vector<1x16xf32>,
        %get3A_926 = vector.shape_cast %get3A_925 : vector<1x16xf32> to vector<16xf32>
        %add3A_927 = arith.addf %add3A_913, %get3A_926 : vector<16xf32>
        %add3A_928 = arith.constant 6 : i32
        %add3A_929 = arith.addi %mul3A_849, %add3A_928 : i32
        %get3A_930 = arith.index_cast %add3A_929 : i32 to index
        %get3A_931 = arith.constant 0 : index
        %get3A_932 = tpu.vector_load %arg8[%get3A_930, %get3A_931] {strides = array<i32>} : memref<1040x32xf32, #tpu.memory_space<vmem>>, vector<1x16xf32>,
        %get3A_933 = vector.shape_cast %get3A_932 : vector<1x16xf32> to vector<16xf32>
        %add3A_934 = arith.addf %add3A_920, %get3A_933 : vector<16xf32>
        %add3A_935 = arith.constant 6 : i32
        %add3A_936 = arith.addi %mul3A_849, %add3A_935 : i32
        %get3A_937 = arith.index_cast %add3A_936 : i32 to index
        %get3A_938 = arith.constant 16 : index
        %get3A_939 = tpu.vector_load %arg8[%get3A_937, %get3A_938] {strides = array<i32>} : memref<1040x32xf32, #tpu.memory_space<vmem>>, vector<1x16xf32>,
        %get3A_940 = vector.shape_cast %get3A_939 : vector<1x16xf32> to vector<16xf32>
        %add3A_941 = arith.addf %add3A_927, %get3A_940 : vector<16xf32>
        %add3A_942 = arith.constant 7 : i32
        %add3A_943 = arith.addi %mul3A_849, %add3A_942 : i32
        %get3A_944 = arith.index_cast %add3A_943 : i32 to index
        %get3A_945 = arith.constant 0 : index
        %get3A_946 = tpu.vector_load %arg8[%get3A_944, %get3A_945] {strides = array<i32>} : memref<1040x32xf32, #tpu.memory_space<vmem>>, vector<1x16xf32>,
        %get3A_947 = vector.shape_cast %get3A_946 : vector<1x16xf32> to vector<16xf32>
        %add3A_948 = arith.addf %add3A_934, %get3A_947 : vector<16xf32>
        %add3A_949 = arith.constant 7 : i32
        %add3A_950 = arith.addi %mul3A_849, %add3A_949 : i32
        %get3A_951 = arith.index_cast %add3A_950 : i32 to index
        %get3A_952 = arith.constant 16 : index
        %get3A_953 = tpu.vector_load %arg8[%get3A_951, %get3A_952] {strides = array<i32>} : memref<1040x32xf32, #tpu.memory_space<vmem>>, vector<1x16xf32>,
        %get3A_954 = vector.shape_cast %get3A_953 : vector<1x16xf32> to vector<16xf32>
        %add3A_955 = arith.addf %add3A_941, %get3A_954 : vector<16xf32>
        %add3A_956 = arith.constant 8 : i32
        %add3A_957 = arith.addi %mul3A_849, %add3A_956 : i32
        %get3A_958 = arith.index_cast %add3A_957 : i32 to index
        %get3A_959 = arith.constant 0 : index
        %get3A_960 = tpu.vector_load %arg8[%get3A_958, %get3A_959] {strides = array<i32>} : memref<1040x32xf32, #tpu.memory_space<vmem>>, vector<1x16xf32>,
        %get3A_961 = vector.shape_cast %get3A_960 : vector<1x16xf32> to vector<16xf32>
        %add3A_962 = arith.addf %add3A_948, %get3A_961 : vector<16xf32>
        %add3A_963 = arith.constant 8 : i32
        %add3A_964 = arith.addi %mul3A_849, %add3A_963 : i32
        %get3A_965 = arith.index_cast %add3A_964 : i32 to index
        %get3A_966 = arith.constant 16 : index
        %get3A_967 = tpu.vector_load %arg8[%get3A_965, %get3A_966] {strides = array<i32>} : memref<1040x32xf32, #tpu.memory_space<vmem>>, vector<1x16xf32>,
        %get3A_968 = vector.shape_cast %get3A_967 : vector<1x16xf32> to vector<16xf32>
        %add3A_969 = arith.addf %add3A_955, %get3A_968 : vector<16xf32>
        %add3A_970 = arith.constant 9 : i32
        %add3A_971 = arith.addi %mul3A_849, %add3A_970 : i32
        %get3A_972 = arith.index_cast %add3A_971 : i32 to index
        %get3A_973 = arith.constant 0 : index
        %get3A_974 = tpu.vector_load %arg8[%get3A_972, %get3A_973] {strides = array<i32>} : memref<1040x32xf32, #tpu.memory_space<vmem>>, vector<1x16xf32>,
        %get3A_975 = vector.shape_cast %get3A_974 : vector<1x16xf32> to vector<16xf32>
        %add3A_976 = arith.addf %add3A_962, %get3A_975 : vector<16xf32>
        %add3A_977 = arith.constant 9 : i32
        %add3A_978 = arith.addi %mul3A_849, %add3A_977 : i32
        %get3A_979 = arith.index_cast %add3A_978 : i32 to index
        %get3A_980 = arith.constant 16 : index
        %get3A_981 = tpu.vector_load %arg8[%get3A_979, %get3A_980] {strides = array<i32>} : memref<1040x32xf32, #tpu.memory_space<vmem>>, vector<1x16xf32>,
        %get3A_982 = vector.shape_cast %get3A_981 : vector<1x16xf32> to vector<16xf32>
        %add3A_983 = arith.addf %add3A_969, %get3A_982 : vector<16xf32>
        %add3A_984 = arith.constant 10 : i32
        %add3A_985 = arith.addi %mul3A_849, %add3A_984 : i32
        %get3A_986 = arith.index_cast %add3A_985 : i32 to index
        %get3A_987 = arith.constant 0 : index
        %get3A_988 = tpu.vector_load %arg8[%get3A_986, %get3A_987] {strides = array<i32>} : memref<1040x32xf32, #tpu.memory_space<vmem>>, vector<1x16xf32>,
        %get3A_989 = vector.shape_cast %get3A_988 : vector<1x16xf32> to vector<16xf32>
        %add3A_990 = arith.addf %add3A_976, %get3A_989 : vector<16xf32>
        %add3A_991 = arith.constant 10 : i32
        %add3A_992 = arith.addi %mul3A_849, %add3A_991 : i32
        %get3A_993 = arith.index_cast %add3A_992 : i32 to index
        %get3A_994 = arith.constant 16 : index
        %get3A_995 = tpu.vector_load %arg8[%get3A_993, %get3A_994] {strides = array<i32>} : memref<1040x32xf32, #tpu.memory_space<vmem>>, vector<1x16xf32>,
        %get3A_996 = vector.shape_cast %get3A_995 : vector<1x16xf32> to vector<16xf32>
        %add3A_997 = arith.addf %add3A_983, %get3A_996 : vector<16xf32>
        %add3A_998 = arith.constant 11 : i32
        %add3A_999 = arith.addi %mul3A_849, %add3A_998 : i32
        %get3A_1000 = arith.index_cast %add3A_999 : i32 to index
        %get3A_1001 = arith.constant 0 : index
        %get3A_1002 = tpu.vector_load %arg8[%get3A_1000, %get3A_1001] {strides = array<i32>} : memref<1040x32xf32, #tpu.memory_space<vmem>>, vector<1x16xf32>,
        %get3A_1003 = vector.shape_cast %get3A_1002 : vector<1x16xf32> to vector<16xf32>
        %add3A_1004 = arith.addf %add3A_990, %get3A_1003 : vector<16xf32>
        %add3A_1005 = arith.constant 11 : i32
        %add3A_1006 = arith.addi %mul3A_849, %add3A_1005 : i32
        %get3A_1007 = arith.index_cast %add3A_1006 : i32 to index
        %get3A_1008 = arith.constant 16 : index
        %get3A_1009 = tpu.vector_load %arg8[%get3A_1007, %get3A_1008] {strides = array<i32>} : memref<1040x32xf32, #tpu.memory_space<vmem>>, vector<1x16xf32>,
        %get3A_1010 = vector.shape_cast %get3A_1009 : vector<1x16xf32> to vector<16xf32>
        %add3A_1011 = arith.addf %add3A_997, %get3A_1010 : vector<16xf32>
        %add3A_1012 = arith.constant 12 : i32
        %add3A_1013 = arith.addi %mul3A_849, %add3A_1012 : i32
        %get3A_1014 = arith.index_cast %add3A_1013 : i32 to index
        %get3A_1015 = arith.constant 0 : index
        %get3A_1016 = tpu.vector_load %arg8[%get3A_1014, %get3A_1015] {strides = array<i32>} : memref<1040x32xf32, #tpu.memory_space<vmem>>, vector<1x16xf32>,
        %get3A_1017 = vector.shape_cast %get3A_1016 : vector<1x16xf32> to vector<16xf32>
        %add3A_1018 = arith.addf %add3A_1004, %get3A_1017 : vector<16xf32>
        %add3A_1019 = arith.constant 12 : i32
        %add3A_1020 = arith.addi %mul3A_849, %add3A_1019 : i32
        %get3A_1021 = arith.index_cast %add3A_1020 : i32 to index
        %get3A_1022 = arith.constant 16 : index
        %get3A_1023 = tpu.vector_load %arg8[%get3A_1021, %get3A_1022] {strides = array<i32>} : memref<1040x32xf32, #tpu.memory_space<vmem>>, vector<1x16xf32>,
        %get3A_1024 = vector.shape_cast %get3A_1023 : vector<1x16xf32> to vector<16xf32>
        %add3A_1025 = arith.addf %add3A_1011, %get3A_1024 : vector<16xf32>
        %add3A_1026 = arith.constant 13 : i32
        %add3A_1027 = arith.addi %mul3A_849, %add3A_1026 : i32
        %get3A_1028 = arith.index_cast %add3A_1027 : i32 to index
        %get3A_1029 = arith.constant 0 : index
        %get3A_1030 = tpu.vector_load %arg8[%get3A_1028, %get3A_1029] {strides = array<i32>} : memref<1040x32xf32, #tpu.memory_space<vmem>>, vector<1x16xf32>,
        %get3A_1031 = vector.shape_cast %get3A_1030 : vector<1x16xf32> to vector<16xf32>
        %add3A_1032 = arith.addf %add3A_1018, %get3A_1031 : vector<16xf32>
        %add3A_1033 = arith.constant 13 : i32
        %add3A_1034 = arith.addi %mul3A_849, %add3A_1033 : i32
        %get3A_1035 = arith.index_cast %add3A_1034 : i32 to index
        %get3A_1036 = arith.constant 16 : index
        %get3A_1037 = tpu.vector_load %arg8[%get3A_1035, %get3A_1036] {strides = array<i32>} : memref<1040x32xf32, #tpu.memory_space<vmem>>, vector<1x16xf32>,
        %get3A_1038 = vector.shape_cast %get3A_1037 : vector<1x16xf32> to vector<16xf32>
        %add3A_1039 = arith.addf %add3A_1025, %get3A_1038 : vector<16xf32>
        %add3A_1040 = arith.constant 14 : i32
        %add3A_1041 = arith.addi %mul3A_849, %add3A_1040 : i32
        %get3A_1042 = arith.index_cast %add3A_1041 : i32 to index
        %get3A_1043 = arith.constant 0 : index
        %get3A_1044 = tpu.vector_load %arg8[%get3A_1042, %get3A_1043] {strides = array<i32>} : memref<1040x32xf32, #tpu.memory_space<vmem>>, vector<1x16xf32>,
        %get3A_1045 = vector.shape_cast %get3A_1044 : vector<1x16xf32> to vector<16xf32>
        %add3A_1046 = arith.addf %add3A_1032, %get3A_1045 : vector<16xf32>
        %add3A_1047 = arith.constant 14 : i32
        %add3A_1048 = arith.addi %mul3A_849, %add3A_1047 : i32
        %get3A_1049 = arith.index_cast %add3A_1048 : i32 to index
        %get3A_1050 = arith.constant 16 : index
        %get3A_1051 = tpu.vector_load %arg8[%get3A_1049, %get3A_1050] {strides = array<i32>} : memref<1040x32xf32, #tpu.memory_space<vmem>>, vector<1x16xf32>,
        %get3A_1052 = vector.shape_cast %get3A_1051 : vector<1x16xf32> to vector<16xf32>
        %add3A_1053 = arith.addf %add3A_1039, %get3A_1052 : vector<16xf32>
        %add3A_1054 = arith.constant 15 : i32
        %add3A_1055 = arith.addi %mul3A_849, %add3A_1054 : i32
        %get3A_1056 = arith.index_cast %add3A_1055 : i32 to index
        %get3A_1057 = arith.constant 0 : index
        %get3A_1058 = tpu.vector_load %arg8[%get3A_1056, %get3A_1057] {strides = array<i32>} : memref<1040x32xf32, #tpu.memory_space<vmem>>, vector<1x16xf32>,
        %get3A_1059 = vector.shape_cast %get3A_1058 : vector<1x16xf32> to vector<16xf32>
        %add3A_1060 = arith.addf %add3A_1046, %get3A_1059 : vector<16xf32>
        %add3A_1061 = arith.constant 15 : i32
        %add3A_1062 = arith.addi %mul3A_849, %add3A_1061 : i32
        %get3A_1063 = arith.index_cast %add3A_1062 : i32 to index
        %get3A_1064 = arith.constant 16 : index
        %get3A_1065 = tpu.vector_load %arg8[%get3A_1063, %get3A_1064] {strides = array<i32>} : memref<1040x32xf32, #tpu.memory_space<vmem>>, vector<1x16xf32>,
        %get3A_1066 = vector.shape_cast %get3A_1065 : vector<1x16xf32> to vector<16xf32>
        %add3A_1067 = arith.addf %add3A_1053, %get3A_1066 : vector<16xf32>
        %add3A_1068 = arith.constant 16 : i32
        %add3A_1069 = arith.addi %mul3A_849, %add3A_1068 : i32
        %get3A_1070 = arith.index_cast %add3A_1069 : i32 to index
        %get3A_1071 = arith.constant 0 : index
        %get3A_1072 = tpu.vector_load %arg8[%get3A_1070, %get3A_1071] {strides = array<i32>} : memref<1040x32xf32, #tpu.memory_space<vmem>>, vector<1x16xf32>,
        %get3A_1073 = vector.shape_cast %get3A_1072 : vector<1x16xf32> to vector<16xf32>
        %add3A_1074 = arith.addf %add3A_1060, %get3A_1073 : vector<16xf32>
        %add3A_1075 = arith.constant 16 : i32
        %add3A_1076 = arith.addi %mul3A_849, %add3A_1075 : i32
        %get3A_1077 = arith.index_cast %add3A_1076 : i32 to index
        %get3A_1078 = arith.constant 16 : index
        %get3A_1079 = tpu.vector_load %arg8[%get3A_1077, %get3A_1078] {strides = array<i32>} : memref<1040x32xf32, #tpu.memory_space<vmem>>, vector<1x16xf32>,
        %get3A_1080 = vector.shape_cast %get3A_1079 : vector<1x16xf32> to vector<16xf32>
        %add3A_1081 = arith.addf %add3A_1067, %get3A_1080 : vector<16xf32>
        %add3A_1082 = arith.constant 17 : i32
        %add3A_1083 = arith.addi %mul3A_849, %add3A_1082 : i32
        %get3A_1084 = arith.index_cast %add3A_1083 : i32 to index
        %get3A_1085 = arith.constant 0 : index
        %get3A_1086 = tpu.vector_load %arg8[%get3A_1084, %get3A_1085] {strides = array<i32>} : memref<1040x32xf32, #tpu.memory_space<vmem>>, vector<1x16xf32>,
        %get3A_1087 = vector.shape_cast %get3A_1086 : vector<1x16xf32> to vector<16xf32>
        %add3A_1088 = arith.addf %add3A_1074, %get3A_1087 : vector<16xf32>
        %add3A_1089 = arith.constant 17 : i32
        %add3A_1090 = arith.addi %mul3A_849, %add3A_1089 : i32
        %get3A_1091 = arith.index_cast %add3A_1090 : i32 to index
        %get3A_1092 = arith.constant 16 : index
        %get3A_1093 = tpu.vector_load %arg8[%get3A_1091, %get3A_1092] {strides = array<i32>} : memref<1040x32xf32, #tpu.memory_space<vmem>>, vector<1x16xf32>,
        %get3A_1094 = vector.shape_cast %get3A_1093 : vector<1x16xf32> to vector<16xf32>
        %add3A_1095 = arith.addf %add3A_1081, %get3A_1094 : vector<16xf32>
        %add3A_1096 = arith.constant 18 : i32
        %add3A_1097 = arith.addi %mul3A_849, %add3A_1096 : i32
        %get3A_1098 = arith.index_cast %add3A_1097 : i32 to index
        %get3A_1099 = arith.constant 0 : index
        %get3A_1100 = tpu.vector_load %arg8[%get3A_1098, %get3A_1099] {strides = array<i32>} : memref<1040x32xf32, #tpu.memory_space<vmem>>, vector<1x16xf32>,
        %get3A_1101 = vector.shape_cast %get3A_1100 : vector<1x16xf32> to vector<16xf32>
        %add3A_1102 = arith.addf %add3A_1088, %get3A_1101 : vector<16xf32>
        %add3A_1103 = arith.constant 18 : i32
        %add3A_1104 = arith.addi %mul3A_849, %add3A_1103 : i32
        %get3A_1105 = arith.index_cast %add3A_1104 : i32 to index
        %get3A_1106 = arith.constant 16 : index
        %get3A_1107 = tpu.vector_load %arg8[%get3A_1105, %get3A_1106] {strides = array<i32>} : memref<1040x32xf32, #tpu.memory_space<vmem>>, vector<1x16xf32>,
        %get3A_1108 = vector.shape_cast %get3A_1107 : vector<1x16xf32> to vector<16xf32>
        %add3A_1109 = arith.addf %add3A_1095, %get3A_1108 : vector<16xf32>
        %add3A_1110 = arith.constant 19 : i32
        %add3A_1111 = arith.addi %mul3A_849, %add3A_1110 : i32
        %get3A_1112 = arith.index_cast %add3A_1111 : i32 to index
        %get3A_1113 = arith.constant 0 : index
        %get3A_1114 = tpu.vector_load %arg8[%get3A_1112, %get3A_1113] {strides = array<i32>} : memref<1040x32xf32, #tpu.memory_space<vmem>>, vector<1x16xf32>,
        %get3A_1115 = vector.shape_cast %get3A_1114 : vector<1x16xf32> to vector<16xf32>
        %add3A_1116 = arith.addf %add3A_1102, %get3A_1115 : vector<16xf32>
        %add3A_1117 = arith.constant 19 : i32
        %add3A_1118 = arith.addi %mul3A_849, %add3A_1117 : i32
        %get3A_1119 = arith.index_cast %add3A_1118 : i32 to index
        %get3A_1120 = arith.constant 16 : index
        %get3A_1121 = tpu.vector_load %arg8[%get3A_1119, %get3A_1120] {strides = array<i32>} : memref<1040x32xf32, #tpu.memory_space<vmem>>, vector<1x16xf32>,
        %get3A_1122 = vector.shape_cast %get3A_1121 : vector<1x16xf32> to vector<16xf32>
        %add3A_1123 = arith.addf %add3A_1109, %get3A_1122 : vector<16xf32>
        %mul3A_1124 = vector.broadcast %scan3A_86 : f32 to vector<16xf32>
        %mul3A_1125 = arith.mulf %add3A_1116, %mul3A_1124 : vector<16xf32>
        %swap3A_1126 = arith.index_cast %scan3A_847 : i32 to index
        %swap3A_1127 = arith.constant 0 : index
        %swap3A_1128 = tpu.vector_load %arg9[%swap3A_1126, %swap3A_1127] {strides = array<i32>} : memref<52x32xf32, #tpu.memory_space<vmem>>, vector<1x16xf32>,
        %swap3A_1129 = vector.shape_cast %swap3A_1128 : vector<1x16xf32> to vector<16xf32>
        %swap3A_1130 = vector.shape_cast %mul3A_1125 : vector<16xf32> to vector<1x16xf32>
        tpu.vector_store %arg9[%swap3A_1126, %swap3A_1127], %swap3A_1130 {strides = array<i32>} : memref<52x32xf32, #tpu.memory_space<vmem>>, vector<1x16xf32>,
        %mul3A_1131 = vector.broadcast %scan3A_86 : f32 to vector<16xf32>
        %mul3A_1132 = arith.mulf %add3A_1123, %mul3A_1131 : vector<16xf32>
        %swap3A_1133 = arith.index_cast %scan3A_847 : i32 to index
        %swap3A_1134 = arith.constant 16 : index
        %swap3A_1135 = tpu.vector_load %arg9[%swap3A_1133, %swap3A_1134] {strides = array<i32>} : memref<52x32xf32, #tpu.memory_space<vmem>>, vector<1x16xf32>,
        %swap3A_1136 = vector.shape_cast %swap3A_1135 : vector<1x16xf32> to vector<16xf32>
        %swap3A_1137 = vector.shape_cast %mul3A_1132 : vector<16xf32> to vector<1x16xf32>
        tpu.vector_store %arg9[%swap3A_1133, %swap3A_1134], %swap3A_1137 {strides = array<i32>} : memref<52x32xf32, #tpu.memory_space<vmem>>, vector<1x16xf32>,
      }
      %scan3A_543 = arith.constant 52 : i32
      %mul3A_544 = arith.constant 128 : i32
      %mul3A_545 = arith.muli %add3A, %mul3A_544 : i32
      %mul3A_546 = arith.constant 2 : i32
      %mul3A_547 = arith.muli %add3A_177, %mul3A_546 : i32
      %add3A_548 = arith.addi %mul3A_545, %mul3A_547 : i32
      %add3A_549 = arith.constant 0 : i32
      %add3A_550 = arith.addi %add3A_548, %add3A_549 : i32
      %mul3A_551 = arith.constant 32 : i32
      %mul3A_552 = arith.muli %add3A_550, %mul3A_551 : i32
      "tpu.region"() ({
        %run_scoped3A = tpu.sem_alloc : memref<!tpu.dma_semaphore, #tpu.memory_space<semaphore_mem>>
        %dma_start3A_557 = arith.constant 0 : i32
        %dma_start3A_558 = arith.constant 0 : i32
        %dma_start3A_559 = tpu.memref_slice %arg9[%dma_start3A_557, %dma_start3A_558] : memref<52x32xf32, #tpu.memory_space<vmem>> -> memref<26x32xf32, #tpu.memory_space<vmem>>
        %dma_start3A_560 = arith.constant 0 : i32
        %dma_start3A_561 = tpu.memref_slice %arg4[%mul3A_552, %dma_start3A_560] : memref<131072x128xf32, #tpu.memory_space<hbm>> -> memref<26x32xf32, #tpu.memory_space<hbm>>
        %dma_start3A_562 = arith.constant 0 : i32
        %dma_start3A_563 = tpu.memref_slice %arg4[%mul3A_552, %dma_start3A_562] : memref<131072x128xf32, #tpu.memory_space<hbm>> -> memref<26x32xf32, #tpu.memory_space<hbm>>
        %dma_start3A_564 = arith.constant 0 : i32
        %dma_start3A_565 = arith.constant 0 : i32
        %dma_start3A_566 = tpu.memref_slice %arg9[%dma_start3A_564, %dma_start3A_565] : memref<52x32xf32, #tpu.memory_space<vmem>> -> memref<26x32xf32, #tpu.memory_space<vmem>>
        tpu.enqueue_dma source(%dma_start3A_566 : memref<26x32xf32, #tpu.memory_space<vmem>>) target(%dma_start3A_563 : memref<26x32xf32, #tpu.memory_space<hbm>>) target_semaphore(%run_scoped3A : memref<!tpu.dma_semaphore, #tpu.memory_space<semaphore_mem>>)
        %dma_wait3A_567 = arith.constant 0 : i32
        %dma_wait3A_568 = arith.constant 0 : i32
        %dma_wait3A_569 = tpu.memref_slice %arg9[%dma_wait3A_567, %dma_wait3A_568] : memref<52x32xf32, #tpu.memory_space<vmem>> -> memref<26x32xf32, #tpu.memory_space<vmem>>
        %dma_wait3A_570 = arith.constant 0 : i32
        %dma_wait3A_571 = tpu.memref_slice %arg4[%mul3A_552, %dma_wait3A_570] : memref<131072x128xf32, #tpu.memory_space<hbm>> -> memref<26x32xf32, #tpu.memory_space<hbm>>
        %dma_wait3A_572 = arith.constant 0 : i32
        %dma_wait3A_573 = tpu.memref_slice %arg4[%mul3A_552, %dma_wait3A_572] : memref<131072x128xf32, #tpu.memory_space<hbm>> -> memref<26x32xf32, #tpu.memory_space<hbm>>
        %dma_wait3A_574 = arith.constant 0 : i32
        %dma_wait3A_575 = arith.constant 0 : i32
        %dma_wait3A_576 = tpu.memref_slice %arg9[%dma_wait3A_574, %dma_wait3A_575] : memref<52x32xf32, #tpu.memory_space<vmem>> -> memref<26x32xf32, #tpu.memory_space<vmem>>
        tpu.wait_dma2 semaphore(%run_scoped3A : memref<!tpu.dma_semaphore, #tpu.memory_space<semaphore_mem>>) src(%dma_wait3A_576 : memref<26x32xf32, #tpu.memory_space<vmem>>) dst(%dma_wait3A_573 : memref<26x32xf32, #tpu.memory_space<hbm>>)
        tpu.yield
      }) : () -> ()
      %add3A_553 = arith.constant 1 : i32
      %add3A_554 = arith.addi %add3A_548, %add3A_553 : i32
      %mul3A_555 = arith.constant 32 : i32
      %mul3A_556 = arith.muli %add3A_554, %mul3A_555 : i32
      "tpu.region"() ({
        %run_scoped3A = tpu.sem_alloc : memref<!tpu.dma_semaphore, #tpu.memory_space<semaphore_mem>>
        %dma_start3A_557 = arith.constant 26 : i32
        %dma_start3A_558 = arith.constant 0 : i32
        %dma_start3A_559 = tpu.memref_slice %arg9[%dma_start3A_557, %dma_start3A_558] : memref<52x32xf32, #tpu.memory_space<vmem>> -> memref<26x32xf32, #tpu.memory_space<vmem>>
        %dma_start3A_560 = arith.constant 0 : i32
        %dma_start3A_561 = tpu.memref_slice %arg4[%mul3A_556, %dma_start3A_560] : memref<131072x128xf32, #tpu.memory_space<hbm>> -> memref<26x32xf32, #tpu.memory_space<hbm>>
        %dma_start3A_562 = arith.constant 0 : i32
        %dma_start3A_563 = tpu.memref_slice %arg4[%mul3A_556, %dma_start3A_562] : memref<131072x128xf32, #tpu.memory_space<hbm>> -> memref<26x32xf32, #tpu.memory_space<hbm>>
        %dma_start3A_564 = arith.constant 26 : i32
        %dma_start3A_565 = arith.constant 0 : i32
        %dma_start3A_566 = tpu.memref_slice %arg9[%dma_start3A_564, %dma_start3A_565] : memref<52x32xf32, #tpu.memory_space<vmem>> -> memref<26x32xf32, #tpu.memory_space<vmem>>
        tpu.enqueue_dma source(%dma_start3A_566 : memref<26x32xf32, #tpu.memory_space<vmem>>) target(%dma_start3A_563 : memref<26x32xf32, #tpu.memory_space<hbm>>) target_semaphore(%run_scoped3A : memref<!tpu.dma_semaphore, #tpu.memory_space<semaphore_mem>>)
        %dma_wait3A_567 = arith.constant 26 : i32
        %dma_wait3A_568 = arith.constant 0 : i32
        %dma_wait3A_569 = tpu.memref_slice %arg9[%dma_wait3A_567, %dma_wait3A_568] : memref<52x32xf32, #tpu.memory_space<vmem>> -> memref<26x32xf32, #tpu.memory_space<vmem>>
        %dma_wait3A_570 = arith.constant 0 : i32
        %dma_wait3A_571 = tpu.memref_slice %arg4[%mul3A_556, %dma_wait3A_570] : memref<131072x128xf32, #tpu.memory_space<hbm>> -> memref<26x32xf32, #tpu.memory_space<hbm>>
        %dma_wait3A_572 = arith.constant 0 : i32
        %dma_wait3A_573 = tpu.memref_slice %arg4[%mul3A_556, %dma_wait3A_572] : memref<131072x128xf32, #tpu.memory_space<hbm>> -> memref<26x32xf32, #tpu.memory_space<hbm>>
        %dma_wait3A_574 = arith.constant 26 : i32
        %dma_wait3A_575 = arith.constant 0 : i32
        %dma_wait3A_576 = tpu.memref_slice %arg9[%dma_wait3A_574, %dma_wait3A_575] : memref<52x32xf32, #tpu.memory_space<vmem>> -> memref<26x32xf32, #tpu.memory_space<vmem>>
        tpu.wait_dma2 semaphore(%run_scoped3A : memref<!tpu.dma_semaphore, #tpu.memory_space<semaphore_mem>>) src(%dma_wait3A_576 : memref<26x32xf32, #tpu.memory_space<vmem>>) dst(%dma_wait3A_573 : memref<26x32xf32, #tpu.memory_space<hbm>>)
        tpu.yield
      }) : () -> ()
    }
    %scan3A_91 = arith.constant 32 : i32
    %dma_wait3A = arith.constant 0 : i32
    %dma_wait3A_92 = arith.constant 0 : i32
    %dma_wait3A_93 = tpu.memref_slice %arg7[%dma_wait3A, %dma_wait3A_92] : memref<1040x32xf32, #tpu.memory_space<vmem>> -> memref<104x32xf32, #tpu.memory_space<vmem>>
    %dma_wait3A_94 = arith.constant 0 : i32
    %dma_wait3A_95 = tpu.memref_slice %arg5[%dma_wait3A_94] : memref<1040xi32, #tpu.memory_space<vmem>> -> memref<104xi32, #tpu.memory_space<vmem>>
    %dma_wait3A_96 = arith.constant 0 : i32
    %dma_wait3A_97 = arith.constant 0 : i32
    %dma_wait3A_98 = tpu.memref_slice %arg3[%dma_wait3A_96, %dma_wait3A_97] : memref<1048576x32xf32, #tpu.memory_space<hbm>> -> memref<1048576x32xf32, #tpu.memory_space<hbm>>
    tpu.wait_indirect_dma semaphore(%arg10 : memref<!tpu.dma_semaphore, #tpu.memory_space<semaphore_mem>>) src(%dma_wait3A_98 : memref<1048576x32xf32, #tpu.memory_space<hbm>>) dst(%dma_wait3A_93 : memref<104x32xf32, #tpu.memory_space<vmem>>)
    %dma_wait3A_99 = arith.constant 104 : i32
    %dma_wait3A_100 = arith.constant 0 : i32
    %dma_wait3A_101 = tpu.memref_slice %arg7[%dma_wait3A_99, %dma_wait3A_100] : memref<1040x32xf32, #tpu.memory_space<vmem>> -> memref<104x32xf32, #tpu.memory_space<vmem>>
    %dma_wait3A_102 = arith.constant 104 : i32
    %dma_wait3A_103 = tpu.memref_slice %arg5[%dma_wait3A_102] : memref<1040xi32, #tpu.memory_space<vmem>> -> memref<104xi32, #tpu.memory_space<vmem>>
    %dma_wait3A_104 = arith.constant 0 : i32
    %dma_wait3A_105 = arith.constant 0 : i32
    %dma_wait3A_106 = tpu.memref_slice %arg3[%dma_wait3A_104, %dma_wait3A_105] : memref<1048576x32xf32, #tpu.memory_space<hbm>> -> memref<1048576x32xf32, #tpu.memory_space<hbm>>
    tpu.wait_indirect_dma semaphore(%arg10 : memref<!tpu.dma_semaphore, #tpu.memory_space<semaphore_mem>>) src(%dma_wait3A_106 : memref<1048576x32xf32, #tpu.memory_space<hbm>>) dst(%dma_wait3A_101 : memref<104x32xf32, #tpu.memory_space<vmem>>)
    %dma_wait3A_107 = arith.constant 208 : i32
    %dma_wait3A_108 = arith.constant 0 : i32
    %dma_wait3A_109 = tpu.memref_slice %arg7[%dma_wait3A_107, %dma_wait3A_108] : memref<1040x32xf32, #tpu.memory_space<vmem>> -> memref<104x32xf32, #tpu.memory_space<vmem>>
    %dma_wait3A_110 = arith.constant 208 : i32
    %dma_wait3A_111 = tpu.memref_slice %arg5[%dma_wait3A_110] : memref<1040xi32, #tpu.memory_space<vmem>> -> memref<104xi32, #tpu.memory_space<vmem>>
    %dma_wait3A_112 = arith.constant 0 : i32
    %dma_wait3A_113 = arith.constant 0 : i32
    %dma_wait3A_114 = tpu.memref_slice %arg3[%dma_wait3A_112, %dma_wait3A_113] : memref<1048576x32xf32, #tpu.memory_space<hbm>> -> memref<1048576x32xf32, #tpu.memory_space<hbm>>
    tpu.wait_indirect_dma semaphore(%arg10 : memref<!tpu.dma_semaphore, #tpu.memory_space<semaphore_mem>>) src(%dma_wait3A_114 : memref<1048576x32xf32, #tpu.memory_space<hbm>>) dst(%dma_wait3A_109 : memref<104x32xf32, #tpu.memory_space<vmem>>)
    %dma_wait3A_115 = arith.constant 312 : i32
    %dma_wait3A_116 = arith.constant 0 : i32
    %dma_wait3A_117 = tpu.memref_slice %arg7[%dma_wait3A_115, %dma_wait3A_116] : memref<1040x32xf32, #tpu.memory_space<vmem>> -> memref<104x32xf32, #tpu.memory_space<vmem>>
    %dma_wait3A_118 = arith.constant 312 : i32
    %dma_wait3A_119 = tpu.memref_slice %arg5[%dma_wait3A_118] : memref<1040xi32, #tpu.memory_space<vmem>> -> memref<104xi32, #tpu.memory_space<vmem>>
    %dma_wait3A_120 = arith.constant 0 : i32
    %dma_wait3A_121 = arith.constant 0 : i32
    %dma_wait3A_122 = tpu.memref_slice %arg3[%dma_wait3A_120, %dma_wait3A_121] : memref<1048576x32xf32, #tpu.memory_space<hbm>> -> memref<1048576x32xf32, #tpu.memory_space<hbm>>
    tpu.wait_indirect_dma semaphore(%arg10 : memref<!tpu.dma_semaphore, #tpu.memory_space<semaphore_mem>>) src(%dma_wait3A_122 : memref<1048576x32xf32, #tpu.memory_space<hbm>>) dst(%dma_wait3A_117 : memref<104x32xf32, #tpu.memory_space<vmem>>)
    %dma_wait3A_123 = arith.constant 416 : i32
    %dma_wait3A_124 = arith.constant 0 : i32
    %dma_wait3A_125 = tpu.memref_slice %arg7[%dma_wait3A_123, %dma_wait3A_124] : memref<1040x32xf32, #tpu.memory_space<vmem>> -> memref<104x32xf32, #tpu.memory_space<vmem>>
    %dma_wait3A_126 = arith.constant 416 : i32
    %dma_wait3A_127 = tpu.memref_slice %arg5[%dma_wait3A_126] : memref<1040xi32, #tpu.memory_space<vmem>> -> memref<104xi32, #tpu.memory_space<vmem>>
    %dma_wait3A_128 = arith.constant 0 : i32
    %dma_wait3A_129 = arith.constant 0 : i32
    %dma_wait3A_130 = tpu.memref_slice %arg3[%dma_wait3A_128, %dma_wait3A_129] : memref<1048576x32xf32, #tpu.memory_space<hbm>> -> memref<1048576x32xf32, #tpu.memory_space<hbm>>
    tpu.wait_indirect_dma semaphore(%arg10 : memref<!tpu.dma_semaphore, #tpu.memory_space<semaphore_mem>>) src(%dma_wait3A_130 : memref<1048576x32xf32, #tpu.memory_space<hbm>>) dst(%dma_wait3A_125 : memref<104x32xf32, #tpu.memory_space<vmem>>)
    %dma_wait3A_131 = arith.constant 520 : i32
    %dma_wait3A_132 = arith.constant 0 : i32
    %dma_wait3A_133 = tpu.memref_slice %arg7[%dma_wait3A_131, %dma_wait3A_132] : memref<1040x32xf32, #tpu.memory_space<vmem>> -> memref<104x32xf32, #tpu.memory_space<vmem>>
    %dma_wait3A_134 = arith.constant 520 : i32
    %dma_wait3A_135 = tpu.memref_slice %arg5[%dma_wait3A_134] : memref<1040xi32, #tpu.memory_space<vmem>> -> memref<104xi32, #tpu.memory_space<vmem>>
    %dma_wait3A_136 = arith.constant 0 : i32
    %dma_wait3A_137 = arith.constant 0 : i32
    %dma_wait3A_138 = tpu.memref_slice %arg3[%dma_wait3A_136, %dma_wait3A_137] : memref<1048576x32xf32, #tpu.memory_space<hbm>> -> memref<1048576x32xf32, #tpu.memory_space<hbm>>
    tpu.wait_indirect_dma semaphore(%arg10 : memref<!tpu.dma_semaphore, #tpu.memory_space<semaphore_mem>>) src(%dma_wait3A_138 : memref<1048576x32xf32, #tpu.memory_space<hbm>>) dst(%dma_wait3A_133 : memref<104x32xf32, #tpu.memory_space<vmem>>)
    %dma_wait3A_139 = arith.constant 624 : i32
    %dma_wait3A_140 = arith.constant 0 : i32
    %dma_wait3A_141 = tpu.memref_slice %arg7[%dma_wait3A_139, %dma_wait3A_140] : memref<1040x32xf32, #tpu.memory_space<vmem>> -> memref<104x32xf32, #tpu.memory_space<vmem>>
    %dma_wait3A_142 = arith.constant 624 : i32
    %dma_wait3A_143 = tpu.memref_slice %arg5[%dma_wait3A_142] : memref<1040xi32, #tpu.memory_space<vmem>> -> memref<104xi32, #tpu.memory_space<vmem>>
    %dma_wait3A_144 = arith.constant 0 : i32
    %dma_wait3A_145 = arith.constant 0 : i32
    %dma_wait3A_146 = tpu.memref_slice %arg3[%dma_wait3A_144, %dma_wait3A_145] : memref<1048576x32xf32, #tpu.memory_space<hbm>> -> memref<1048576x32xf32, #tpu.memory_space<hbm>>
    tpu.wait_indirect_dma semaphore(%arg10 : memref<!tpu.dma_semaphore, #tpu.memory_space<semaphore_mem>>) src(%dma_wait3A_146 : memref<1048576x32xf32, #tpu.memory_space<hbm>>) dst(%dma_wait3A_141 : memref<104x32xf32, #tpu.memory_space<vmem>>)
    %dma_wait3A_147 = arith.constant 728 : i32
    %dma_wait3A_148 = arith.constant 0 : i32
    %dma_wait3A_149 = tpu.memref_slice %arg7[%dma_wait3A_147, %dma_wait3A_148] : memref<1040x32xf32, #tpu.memory_space<vmem>> -> memref<104x32xf32, #tpu.memory_space<vmem>>
    %dma_wait3A_150 = arith.constant 728 : i32
    %dma_wait3A_151 = tpu.memref_slice %arg5[%dma_wait3A_150] : memref<1040xi32, #tpu.memory_space<vmem>> -> memref<104xi32, #tpu.memory_space<vmem>>
    %dma_wait3A_152 = arith.constant 0 : i32
    %dma_wait3A_153 = arith.constant 0 : i32
    %dma_wait3A_154 = tpu.memref_slice %arg3[%dma_wait3A_152, %dma_wait3A_153] : memref<1048576x32xf32, #tpu.memory_space<hbm>> -> memref<1048576x32xf32, #tpu.memory_space<hbm>>
    tpu.wait_indirect_dma semaphore(%arg10 : memref<!tpu.dma_semaphore, #tpu.memory_space<semaphore_mem>>) src(%dma_wait3A_154 : memref<1048576x32xf32, #tpu.memory_space<hbm>>) dst(%dma_wait3A_149 : memref<104x32xf32, #tpu.memory_space<vmem>>)
    %dma_wait3A_155 = arith.constant 832 : i32
    %dma_wait3A_156 = arith.constant 0 : i32
    %dma_wait3A_157 = tpu.memref_slice %arg7[%dma_wait3A_155, %dma_wait3A_156] : memref<1040x32xf32, #tpu.memory_space<vmem>> -> memref<104x32xf32, #tpu.memory_space<vmem>>
    %dma_wait3A_158 = arith.constant 832 : i32
    %dma_wait3A_159 = tpu.memref_slice %arg5[%dma_wait3A_158] : memref<1040xi32, #tpu.memory_space<vmem>> -> memref<104xi32, #tpu.memory_space<vmem>>
    %dma_wait3A_160 = arith.constant 0 : i32
    %dma_wait3A_161 = arith.constant 0 : i32
    %dma_wait3A_162 = tpu.memref_slice %arg3[%dma_wait3A_160, %dma_wait3A_161] : memref<1048576x32xf32, #tpu.memory_space<hbm>> -> memref<1048576x32xf32, #tpu.memory_space<hbm>>
    tpu.wait_indirect_dma semaphore(%arg10 : memref<!tpu.dma_semaphore, #tpu.memory_space<semaphore_mem>>) src(%dma_wait3A_162 : memref<1048576x32xf32, #tpu.memory_space<hbm>>) dst(%dma_wait3A_157 : memref<104x32xf32, #tpu.memory_space<vmem>>)
    %dma_wait3A_163 = arith.constant 936 : i32
    %dma_wait3A_164 = arith.constant 0 : i32
    %dma_wait3A_165 = tpu.memref_slice %arg7[%dma_wait3A_163, %dma_wait3A_164] : memref<1040x32xf32, #tpu.memory_space<vmem>> -> memref<104x32xf32, #tpu.memory_space<vmem>>
    %dma_wait3A_166 = arith.constant 936 : i32
    %dma_wait3A_167 = tpu.memref_slice %arg5[%dma_wait3A_166] : memref<1040xi32, #tpu.memory_space<vmem>> -> memref<104xi32, #tpu.memory_space<vmem>>
    %dma_wait3A_168 = arith.constant 0 : i32
    %dma_wait3A_169 = arith.constant 0 : i32
    %dma_wait3A_170 = tpu.memref_slice %arg3[%dma_wait3A_168, %dma_wait3A_169] : memref<1048576x32xf32, #tpu.memory_space<hbm>> -> memref<1048576x32xf32, #tpu.memory_space<hbm>>
    tpu.wait_indirect_dma semaphore(%arg10 : memref<!tpu.dma_semaphore, #tpu.memory_space<semaphore_mem>>) src(%dma_wait3A_170 : memref<1048576x32xf32, #tpu.memory_space<hbm>>) dst(%dma_wait3A_165 : memref<104x32xf32, #tpu.memory_space<vmem>>)
    return
  }
}

module attributes {stable_mosaic.version = 14 : i64} {
  func.func @_transpose_kernel(%arg0: i32, %arg1: memref<32x8192xf32, #tpu.memory_space<vmem>>, %arg2: memref<32x8192xf32, #tpu.memory_space<vmem>>, %arg3: memref<32x8192xf32, #tpu.memory_space<vmem>>, %arg4: memref<32x8192xf32, #tpu.memory_space<vmem>>, %arg5: memref<576x32xf32, #tpu.memory_space<vmem>>, %arg6: memref<8192x128xf32, #tpu.memory_space<vmem>>) attributes {dimension_semantics = [#tpu.dimension_semantics<parallel>], iteration_bounds = array<i64: 32>, scalar_prefetch = 0 : i64, scratch_operands = 0 : i64, tpu.core_type = #tpu.core_type<tc>, window_params = [{transform_indices = @transform_0, window_bounds = array<i64: 32, 8192>}, {transform_indices = @transform_1, window_bounds = array<i64: 32, 8192>}, {transform_indices = @transform_2, window_bounds = array<i64: 32, 8192>}, {transform_indices = @transform_3, window_bounds = array<i64: 32, 8192>}, {pipeline_mode = #tpu.pipeline_mode<synchronous>, transform_indices = @transform_4, window_bounds = array<i64: 576, 32>}, {transform_indices = @transform_5, window_bounds = array<i64: 8192, 128>}]} {
    %lt3A = arith.constant 31 : i32
    %lt3A_0 = arith.cmpi slt, %arg0, %lt3A : i32
    %convert_element_type3A = arith.extui %lt3A_0 : i1 to i32
    %cond3A = arith.constant 0 : i32
    %cond3A_1 = arith.cmpi ne, %convert_element_type3A, %cond3A : i32
    scf.if %cond3A_1 {
      %get3A = arith.constant 0 : index
      %get3A_6 = arith.constant 0 : index
      %get3A_7 = vector.load %arg1[%get3A, %get3A_6] : memref<32x8192xf32, #tpu.memory_space<vmem>>, vector<32x8192xf32>
      %get3A_8 = arith.constant 0 : index
      %get3A_9 = arith.constant 0 : index
      %get3A_10 = vector.load %arg2[%get3A_8, %get3A_9] : memref<32x8192xf32, #tpu.memory_space<vmem>>, vector<32x8192xf32>
      %get3A_11 = arith.constant 0 : index
      %get3A_12 = arith.constant 0 : index
      %get3A_13 = vector.load %arg3[%get3A_11, %get3A_12] : memref<32x8192xf32, #tpu.memory_space<vmem>>, vector<32x8192xf32>
      %get3A_14 = arith.constant 0 : index
      %get3A_15 = arith.constant 0 : index
      %get3A_16 = vector.load %arg4[%get3A_14, %get3A_15] : memref<32x8192xf32, #tpu.memory_space<vmem>>, vector<32x8192xf32>
      %concatenate3A = tpu.concatenate %get3A_7, %get3A_10, %get3A_13, %get3A_16 in 0 : vector<32x8192xf32>, vector<32x8192xf32>, vector<32x8192xf32>, vector<32x8192xf32> -> vector<128x8192xf32>
      %transpose3A = tpu.transpose %concatenate3A, [1, 0] : vector<128x8192xf32> -> vector<8192x128xf32>
      %swap3A = arith.constant 0 : index
      %swap3A_17 = arith.constant 0 : index
      %swap3A_18 = vector.load %arg6[%swap3A, %swap3A_17] : memref<8192x128xf32, #tpu.memory_space<vmem>>, vector<8192x128xf32>
      tpu.vector_store %arg6[%swap3A, %swap3A_17], %transpose3A {strides = array<i32>} : memref<8192x128xf32, #tpu.memory_space<vmem>>, vector<8192x128xf32>,
    } else {
    }
    %eq3A = arith.constant 31 : i32
    %eq3A_2 = arith.cmpi eq, %arg0, %eq3A : i32
    %convert_element_type3A_3 = arith.extui %eq3A_2 : i1 to i32
    %cond3A_4 = arith.constant 0 : i32
    %cond3A_5 = arith.cmpi ne, %convert_element_type3A_3, %cond3A_4 : i32
    scf.if %cond3A_5 {
      %get3A = arith.constant 0 : index
      %get3A_6 = arith.constant 0 : index
      %get3A_7 = vector.load %arg5[%get3A, %get3A_6] : memref<576x32xf32, #tpu.memory_space<vmem>>, vector<576x32xf32>
      %swap3A = arith.constant 0 : index
      %swap3A_8 = arith.constant 0 : index
      %swap3A_9 = vector.load %arg6[%swap3A, %swap3A_8] : memref<8192x128xf32, #tpu.memory_space<vmem>>, vector<576x32xf32>
      tpu.vector_store %arg6[%swap3A, %swap3A_8], %get3A_7 {strides = array<i32>} : memref<8192x128xf32, #tpu.memory_space<vmem>>, vector<576x32xf32>,
    } else {
    }
    return
  }
  func.func @transform_0(%arg0: i32) -> (i32, i32) {
    %mul3A = arith.constant 4 : i32
    %mul3A_0 = arith.muli %mul3A, %arg0 : i32
    %add3A = arith.constant 0 : i32
    %add3A_1 = arith.addi %mul3A_0, %add3A : i32
    %min3A = arith.constant 121 : i32
    %min3A_2 = arith.minsi %add3A_1, %min3A : i32
    %c0_i32 = arith.constant 0 : i32
    %c0_i32_3 = arith.constant 0 : i32
    return %c0_i32, %min3A_2 : i32, i32
  }
  func.func @transform_1(%arg0: i32) -> (i32, i32) {
    %mul3A = arith.constant 4 : i32
    %mul3A_0 = arith.muli %mul3A, %arg0 : i32
    %add3A = arith.constant 1 : i32
    %add3A_1 = arith.addi %mul3A_0, %add3A : i32
    %min3A = arith.constant 121 : i32
    %min3A_2 = arith.minsi %add3A_1, %min3A : i32
    %c0_i32 = arith.constant 0 : i32
    %c0_i32_3 = arith.constant 0 : i32
    return %c0_i32, %min3A_2 : i32, i32
  }
  func.func @transform_2(%arg0: i32) -> (i32, i32) {
    %mul3A = arith.constant 4 : i32
    %mul3A_0 = arith.muli %mul3A, %arg0 : i32
    %add3A = arith.constant 2 : i32
    %add3A_1 = arith.addi %mul3A_0, %add3A : i32
    %min3A = arith.constant 121 : i32
    %min3A_2 = arith.minsi %add3A_1, %min3A : i32
    %c0_i32 = arith.constant 0 : i32
    %c0_i32_3 = arith.constant 0 : i32
    return %c0_i32, %min3A_2 : i32, i32
  }
  func.func @transform_3(%arg0: i32) -> (i32, i32) {
    %mul3A = arith.constant 4 : i32
    %mul3A_0 = arith.muli %mul3A, %arg0 : i32
    %add3A = arith.constant 3 : i32
    %add3A_1 = arith.addi %mul3A_0, %add3A : i32
    %min3A = arith.constant 121 : i32
    %min3A_2 = arith.minsi %add3A_1, %min3A : i32
    %c0_i32 = arith.constant 0 : i32
    %c0_i32_3 = arith.constant 0 : i32
    return %c0_i32, %min3A_2 : i32, i32
  }
  func.func @transform_4(%arg0: i32) -> (i32, i32) {
    %c0_i32 = arith.constant 0 : i32
    %c0_i32_0 = arith.constant 0 : i32
    %c0_i32_1 = arith.constant 0 : i32
    return %c0_i32, %c0_i32_0 : i32, i32
  }
  func.func @transform_5(%arg0: i32) -> (i32, i32) {
    %c0_i32 = arith.constant 0 : i32
    %c0_i32_0 = arith.constant 0 : i32
    return %arg0, %c0_i32 : i32, i32
  }
}

</mosaic_0001>

<sc_bundles>
// kernel: kernel.4.cloned.1.call-start
scs
__scs_entry_jumppad:
0x0: {  	(pc) =	sbr.rel $0x88, $3  }
0x1: {  	(tag) =	ssettag $0x0;
	lr =	simm.s32 $0x1  }
0x2: {  	[smem:$0x3F9F] =	sst lr;
	_ =	strace $0xD0000000  }
0x3: {  	_ = 	snop  }
0x4: {  	_ = 	snop  }
0x5: {  	_ = 	snop  }
0x6: {  	_ = 	snop  }
0x7: {  	_ = 	snop  }
__scs_overlays_trampoline_lowered:
0x8: {  	[smem:$0x3FAE] =	sst s0  }
0x9: {  	[smem:$0x3FAF] =	sst s1  }
0xa: {  	[smem:$0x3FB0] =	sst s2  }
0xb: {  	[smem:$0x3FB1] =	sst s3  }
0xc: {  	[smem:$0x3FB2] =	sst s4  }
0xd: {  	[smem:$0x3FB3] =	sst s5  }
0xe: {  	[smem:$0x3FB4] =	sst s6  }
0xf: {  	[smem:$0x3FB5] =	sst s7  }
0x10: {  	[smem:$0x3FB6] =	sst s8  }
0x11: {  	[smem:$0x3FB7] =	sst s9;
	s0 =	simm.s32 @!p0 $0x0  }
0x12: {  	s1 =	sld [smem:$0x3F9D];
	s0 =	simm.s32 @p0 $0x1  }
0x13: {  	[smem:$0x3FB8] =	sst s0;
	s0 =	simm.s32 @!p1 $0x0  }
0x14: {  	s2 =	sld [smem:$0x3F9C];
	s0 =	simm.s32 @p1 $0x1  }
0x15: {  	[smem:$0x3FB9] =	sst s0;
	s0 =	simm.s32 @!p2 $0x0  }
0x16: {  	s3 =	sld [smem:$0x3FDB];
	s0 =	simm.s32 @p2 $0x1  }
0x17: {  	s4 =	simm.s32 $0x1BF5;
	[smem:$0x3FBB] =	sst s0  }
0x18: {  	s0 =	sld [smem:$0x3F9E];
	_ =	swait.ge [sflag:s4], $0x0  }
0x19: {  	s7 =	sld [smem:$0x3F9F]  }
0x1a: {  	s8 =	sadd.s32 $0xFFFFE003, lr  }
0x1b: {  	s9 =	sadd.s32 $0xFFFFFEF7, lr;
	s5 =	simm.s32 $0xFFFFFFFF;
	p2 =	slt.u32 s8, $0xFFFFF086  }
0x1c: {  	p1 =	slt.u32 s9, $0xF7A;
	s5 =	simm.s32 @!p2 $0x0  }
0x1d: {  	s5 =	simm.s32 @p1 $0x1;
	p0 =	seq.s32 s7, s2  }
0x1e: {  	s7 =	smul.u32 @!p0 $0xF7A, s2;
	p2 =	seq.s32 @!p0 s5, $0x0  }
0x1f: {  	s9 =	smul.u32 $0xF7A, s1;
	s8 =	simm.s32 @!p0 $0x1BF5;
	p2 =	por !p2, p0  }
0x20: {  	[sflag:s8] =	ssyncset.s32 @!p0 $0xFFFFF086;
	s6 =	sadd.s32 @!p0 s3, s7;
	s7 =	simm.s32 @!p0 $0x108  }
0x21: {  	s3 =	sadd.s32 s3, s9;
	s6 =	sadd.s32 @!p0 $0x88, s6;
	s7 =	simm.s32 @p2 $0x1082  }
0x22: {  	[simem:s7], [sflag:s8] =	dma.local @!p0 [hbm:s6], $0xF7A  }
0x23: {  	s9 =	sor.u32 $0xD0000000, s2;
	s6 =	simm.s32 $0x108;
	_ =	swait.ge @!p0 [sflag:s8], $0x0  }
0x24: {  	s3 =	sadd.s32 $0x88, s3;
	s6 =	simm.s32 @!p1 $0x1082;
	[sflag:s4] =	ssyncset.s32 $0xFFFFF086  }
0x25: {  	[simem:s6], [sflag:s4] =	dma.local [hbm:s3], $0xF7A  }
0x26: {  	[smem:$0x3F9F] =	sst s1;
	(tag) =	ssettag s2;
	_ =	strace s9  }
0x27: {  	s1 =	sld [smem:$0x3FAF]  }
0x28: {  	s2 =	sld [smem:$0x3FB0]  }
0x29: {  	s4 =	sld [smem:$0x3FB2]  }
0x2a: {  	p0 =	seq.s32 s5, $0x0;
	s5 =	sld [smem:$0x3FB3]  }
0x2b: {  	s6 =	sld [smem:$0x3FB4]  }
0x2c: {  	s7 =	sld [smem:$0x3FB5]  }
0x2d: {  	s3 =	simm.s32 $0x108;
	s8 =	sld [smem:$0x3FB6]  }
0x2e: {  	s3 =	simm.s32 @!p0 $0x1082;
	s9 =	sld [smem:$0x3FB7]  }
0x2f: {  	lr =	sadd.s32 s0, s3;
	s0 =	sld [smem:$0x3FAE]  }
0x30: {  	s3 =	sld [smem:$0x3FB1]  }
0x31: {  	[smem:$0x3FBA] =	sst s10  }
0x32: {  	s10 =	sld [smem:$0x3FB8];
	_ =	sdelay $0x3  }
0x33: {  	p0 =	seq.s32 s10, $0x1;
	s10 =	sld [smem:$0x3FBA];
	_ =	sdelay $0x3  }
0x34: {  	[smem:$0x3FBA] =	sst s10  }
0x35: {  	s10 =	sld [smem:$0x3FB9];
	_ =	sdelay $0x3  }
0x36: {  	p1 =	seq.s32 s10, $0x1;
	s10 =	sld [smem:$0x3FBA];
	_ =	sdelay $0x3  }
0x37: {  	[smem:$0x3FBA] =	sst s10  }
0x38: {  	s10 =	sld [smem:$0x3FBB]  }
0x39: {  	_ = 	snop;
	(pc) =	sbr.ind lr, $3  }
0x3a: {  	_ = 	snop  }
0x3b: {  	_ = 	snop  }
0x3c: {  	p2 =	seq.s32 s10, $0x1;
	s10 =	sld [smem:$0x3FBA]  }
0x3d: {  	_ =	shalt  }
0x3e: {  	_ =	shalt  }
0x3f: {  	_ =	shalt  }
0x40: {  	_ =	shalt  }
0x41: {  	_ =	shalt  }
0x42: {  	_ =	shalt  }
0x43: {  	_ =	shalt  }
0x44: {  	_ =	shalt  }
0x45: {  	_ =	shalt  }
0x46: {  	_ =	shalt  }
0x47: {  	_ =	shalt  }
0x48: {  	_ =	shalt  }
0x49: {  	_ =	shalt  }
0x4a: {  	_ =	shalt  }
0x4b: {  	_ =	shalt  }
0x4c: {  	_ =	shalt  }
0x4d: {  	_ =	shalt  }
0x4e: {  	_ =	shalt  }
0x4f: {  	_ =	shalt  }
0x50: {  	_ =	shalt  }
0x51: {  	_ =	shalt  }
0x52: {  	_ =	shalt  }
0x53: {  	_ =	shalt  }
0x54: {  	_ =	shalt  }
0x55: {  	_ =	shalt  }
0x56: {  	_ =	shalt  }
0x57: {  	_ =	shalt  }
0x58: {  	_ =	shalt  }
0x59: {  	_ =	shalt  }
0x5a: {  	_ =	shalt  }
0x5b: {  	_ =	shalt  }
0x5c: {  	_ =	shalt  }
0x5d: {  	_ =	shalt  }
0x5e: {  	_ =	shalt  }
0x5f: {  	_ =	shalt  }
0x60: {  	_ =	shalt  }
0x61: {  	_ =	shalt  }
0x62: {  	_ =	shalt  }
0x63: {  	_ =	shalt  }
0x64: {  	_ =	shalt  }
0x65: {  	_ =	shalt  }
0x66: {  	_ =	shalt  }
0x67: {  	_ =	shalt  }
0x68: {  	_ =	shalt  }
0x69: {  	_ =	shalt  }
0x6a: {  	_ =	shalt  }
0x6b: {  	_ =	shalt  }
0x6c: {  	_ =	shalt  }
0x6d: {  	_ =	shalt  }
0x6e: {  	_ =	shalt  }
0x6f: {  	_ =	shalt  }
0x70: {  	_ =	shalt  }
0x71: {  	_ =	shalt  }
0x72: {  	_ =	shalt  }
0x73: {  	_ =	shalt  }
0x74: {  	_ =	shalt  }
0x75: {  	_ =	shalt  }
0x76: {  	_ =	shalt  }
0x77: {  	_ =	shalt  }
0x78: {  	_ =	shalt  }
0x79: {  	_ =	shalt  }
0x7a: {  	_ =	shalt  }
0x7b: {  	_ =	shalt  }
0x7c: {  	_ =	shalt  }
0x7d: {  	_ =	shalt  }
0x7e: {  	_ =	shalt  }
0x7f: {  	_ =	shalt  }
0x80: {  	_ =	shalt  }
0x81: {  	_ =	shalt  }
0x82: {  	_ =	shalt  }
0x83: {  	_ =	shalt  }
0x84: {  	_ =	shalt  }
0x85: {  	_ =	shalt  }
0x86: {  	_ =	shalt  }
0x87: {  	_ =	shalt  }
.Lfunc_end0:
.L_simem_size_0:
called_computation_lowered:
.L_overlay_start_0:
0x88: {  	s2 =	sld [smem:$0x3FD9]  }
0x89: {  	s3 =	sld [smem:$0x3FFE];
	_ =	sdelay $0x1  }
0x8a: {  	s1 =	srdreg.scid  }
0x8b: {  	s0 =	sand.u32 $0x1, s1  }
0x8c: {  	s17 =	sshll.u32 s0, $0xA;
	s2 =	sadd.s32 s3, s2  }
0x8d: {  	s2 =	sadd.s32 s2, s17  }
0x8e: {  	[smem:$0x3FC6] =	sst s2  }
0x8f: {  	_ = 	snop  }
0x90: {  	s2 =	sld [smem:$0x3FD0];
	(tm) =	ssettm $0x1  }
0x91: {  	s18 =	sld [smem:$0x3FFB];
	_ =	sdelay $0x3  }
0x92: {  	_ =	strace s18  }
0x93: {  	s3 =	sld [smem:$0x3FFC];
	_ =	sdelay $0x3  }
0x94: {  	_ =	strace s3  }
0x95: {  	s3 =	sld [smem:$0x3FFD];
	_ =	sdelay $0x3  }
0x96: {  	_ =	strace s3  }
0x97: {  	_ =	strace $0x8FFFFFFF  }
0x98: {  	s19 =	sld [smem:$0x3FDB];
	_ =	sdelay $0x1  }
0x99: {  	s4 =	simm.s32 $_scs_section_size  }
0x9a: {  	s5 =	simm.s32 $_size__tile_overlayer_lowered;
	s6 =	simm.s32 $_tile_overlayer_lowered  }
0x9b: {  	s22 =	simm.s32 $0x1BFF;
	s21 =	sshll.u32 s6, $0x1;
	s3 =	sadd.s32 s4, s19  }
0x9c: {  	s7 =	simm.s32 $0x0;
	s20 =	sshll.u32 s5, $0x1;
	s5 =	sadd.s32 s21, s3  }
0x9d: {  	[timem:s7], [sflag:s22] =	dma.local [hbm:s5], s20  }
0x9e: {  	_ =	swait.ge [sflag:s22], s20  }
0x9f: {  	s4 =	ssub.s32 $0x0, s20;
	[sflag:s22] =	ssyncset.done $0x0  }
0xa0: {  	[sflag:s22] =	ssyncadd.s32 s4;
	_ =	sdelay $0x1  }
0xa1: {  	s23 =	simm.s32 $0x1B8B  }
0xa2: {  	_ =	swait.ge [sflag:s23], $0x1  }
0xa3: {  	[sflag:s23] =	ssyncset.done $0x0  }
0xa4: {  	s25 =	simm.s32 $0x1B8E;
	s24 =	sld [smem:$0x3FFE];
	[sflag:s23] =	ssyncadd.s32 $0xFFFFFFFF  }
0xa5: {  	s26 =	simm.s32 $execute0_lowered;
	[smem:$0x3FD2] =	sst s25  }
0xa6: {  	s5 =	sshll.u32 s26, $0x1;
	_ =	strace $0x80000046;
	[dreg:$0x1] =	wrdreg $0xFFFFFFFF  }
0xa7: {  	s28 =	simm.s32 $_size_execute0_lowered;
	s3 =	sadd.s32 s3, s5;
	[dreg:$0x0] =	wrdreg $0x0  }
0xa8: {  	s5 =	sshll.u32 s28, $0x1;
	[dreg:$0x2] =	wrdreg s3  }
0xa9: {  	[dreg:$0x3] =	wrdreg s5  }
0xaa: {  	[dreg:$0x4] =	wrdreg $0xC0  }
0xab: {  	_ =	task [dreg:s7], $0x5FFFF  }
0xac: {  	[dreg:$0x1] =	wrdreg $0xFFFFFFFF  }
0xad: {  	[dreg:$0x0] =	wrdreg $0x60  }
0xae: {  	[dreg:$0x2] =	wrdreg s2  }
0xaf: {  	[dreg:$0x3] =	wrdreg s24  }
0xb0: {  	[dreg:$0x4] =	wrdreg $0x9  }
0xb1: {  	_ =	task.clear_ibuf [dreg:s7], $0x5FFFF;
	_ =	strace $0x90000046  }
0xb2: {  	s29 =	simm.s32 $0x9;
	_ =	strace $0x80000048  }
0xb3: {  	_ =	swait.ge [sflag:s29], $0x1  }
0xb4: {  	[sflag:s29] =	ssyncadd.s32 $0xFFFFFFFF  }
0xb5: {  	_ =	strace $0x90000048  }
0xb6: {  	_ =	sfence  }
0xb7: {  	s30 =	sld [smem:$0x0];
	_ =	sdelay $0x2  }
0xb8: {  	s31 =	sshll.u32 s1, $0xD;
	s1 =	sshrl.u32 s1, $0x2  }
0xb9: {  	s3 =	sand.u32 $0x4000, s31;
	s1 =	sadd.s32 s1, s30  }
0xba: {  	s0 =	sor.u32 s3, s0;
	s1 =	sshll.u32 s1, $0x11  }
0xbb: {  	s0 =	sor.u32 s1, s0  }
0xbc: {  	s0 =	sadd.s32 $0x8F2B, s0  }
0xbd: {  	[sflag:s0] =	ssyncadd.remote.s32 $0x1  }
0xbe: {  	_ =	sfence.sel $0xFFFF  }
0xbf: {  	[dreg:$0x0] =	wrdreg $0xFFFFFFFF;
	(pc) =	sbr.abs _section_cstart, $3  }
0xc0: {  	[dreg:$0x1] =	wrdreg $0xFFFFFFFF  }
0xc1: {  	_ =	task.clear_ibuf [dreg:s7], $0x2FFFF;
	_ =	strace $0x9FFFFFFF  }
0xc2: {  	(tm) =	ssettm $0x7FFFFFFF  }
0xc3: {  	_ =	shalt  }
tec
execute0_lowered:
.L_overlay_start_1:
0x0: {  	(tag) =	ssettag $0x1  }
0x1: {  	s2 =	rddreg [dreg:$0x0];
	s0 =	srdreg.scid  }
0x2: {  	s3 =	stileid.u32;
	s1 =	rddreg [dreg:$0x1];
	s11 =	simm.s32 $0x3  }
0x3: {  	s12 =	simm.s32 $0x68;
	s23 =	simm.s32 $0x270;
	s24 =	simm.s32 $0x5620  }
0x4: {  	s25 =	simm.s32 $0x2D8;
	s26 =	simm.s32 $0x6320;
	s28 =	simm.s32 $0x340  }
0x5: {  	s29 =	simm.s32 $0x7020;
	s30 =	simm.s32 $0x3A8;
	s31 =	simm.s32 $0x7D20  }
0x6: {  	s13 =	simm.s32 $0x1;
	s14 =	simm.s32 $0x80;
	s10 =	simm.s32 $0x10C20  }
0x7: {  	s15 =	simm.s32 $0x10F60;
	s16 =	simm.s32 $0x2;
	s17 =	simm.s32 $0x0  }
0x8: {  	s0 =	sand.u32 $0x1, s0;
	s4 =	sshll.u32 s3, $0x1;
	s3 =	simm.s32 $0x0  }
0x9: {  	s5 =	sadd.s32 $0x400400, s1;
	s9 =	sadd.s32 $0x400600, s1;
	s6 =	sor.u32 s0, s4  }
0xa: {  	[smem:$0x7FF] =	sst s3;
	s0 =	ssub.s32 $0x2, s0;
	s7 =	smul.u32 $0x2080, s6  }
0xb: {  	s4 =	sadd.s32 $0x400, s1;
	s1 =	simm.s32 $0x410;
	s8 =	sshrl.u32 s0, $0x1  }
0xc: {  	_ =	strace $0x80000047;
	s0 =	ssub.s32 s0, s8;
	s7 =	sadd.s32 s2, s7  }
0xd: {  	s8 =	sshll.u32 s6, $0x10;
	s0 =	smax.u32 s0, $0x1;
	[dreg:$0x3] =	wrdreg s7  }
0xe: {  	s7 =	sshll.u32 s6, $0x6;
	[dreg:$0x4] =	wrdreg s0;
	s6 =	simm.s32 $0x20  }
.LBB2_1:
0xf: {  	[dreg:$0x5] =	wrdreg s17  }
0x10: {  	s0 =	rddreg [dreg:$0x3]  }
0x11: {  	[tilespmem:s3], [sflag:$0x3] =	stream.linear.gather [hbm4b:s0+s3], $0x410, $0x38;
	[tilespmem:$0x112A0] =	vst v63  }
0x12: {  	_ =	swait.ge [sflag:s11], $0x410  }
0x13: {  	[sflag:s11] =	ssyncset.done $0x0  }
0x14: {  	s19 =	simm.s32 $0x820;
	[sflag:s11] =	ssyncadd.s32 $0xFFFFFBF0  }
0x15: {  	[tilespmem:s19], [sflag:$0x1] =	stream.indirect.gather [hbm4b:s4+s12], $0x20, s3, s12, $0xb8;
	[tilespmem:$0x112A0] =	vst v63  }
0x16: {  	s20 =	simm.s32 $0x1520  }
0x17: {  	[tilespmem:s20], [sflag:$0x1] =	stream.indirect.gather [hbm4b:s4+s12], $0x20, s12, s12, $0xb8;
	[tilespmem:$0x112A0] =	vst v63  }
0x18: {  	s21 =	simm.s32 $0xD0;
	s22 =	simm.s32 $0x2220  }
0x19: {  	[tilespmem:s22], [sflag:$0x1] =	stream.indirect.gather [hbm4b:s4+s12], $0x20, s21, s12, $0xb8;
	[tilespmem:$0x112A0] =	vst v63  }
0x1a: {  	s17 =	simm.s32 $0x138;
	s18 =	simm.s32 $0x2F20  }
0x1b: {  	[tilespmem:s18], [sflag:$0x1] =	stream.indirect.gather [hbm4b:s4+s12], $0x20, s17, s12, $0xb8;
	[tilespmem:$0x112A0] =	vst v63  }
0x1c: {  	s19 =	simm.s32 $0x1A0;
	s20 =	simm.s32 $0x3C20  }
0x1d: {  	[tilespmem:s20], [sflag:$0x1] =	stream.indirect.gather [hbm4b:s4+s12], $0x20, s19, s12, $0xb8;
	[tilespmem:$0x112A0] =	vst v63  }
0x1e: {  	s21 =	simm.s32 $0x208;
	s22 =	simm.s32 $0x4920  }
0x1f: {  	[tilespmem:s22], [sflag:$0x1] =	stream.indirect.gather [hbm4b:s4+s12], $0x20, s21, s12, $0xb8;
	[tilespmem:$0x112A0] =	vst v63  }
0x20: {  	_ = 	snop  }
0x21: {  	[tilespmem:s24], [sflag:$0x1] =	stream.indirect.gather [hbm4b:s4+s12], $0x20, s23, s12, $0xb8;
	[tilespmem:$0x112A0] =	vst v63  }
0x22: {  	_ = 	snop  }
0x23: {  	[tilespmem:s26], [sflag:$0x1] =	stream.indirect.gather [hbm4b:s4+s12], $0x20, s25, s12, $0xb8;
	[tilespmem:$0x112A0] =	vst v63  }
0x24: {  	_ = 	snop  }
0x25: {  	[tilespmem:s29], [sflag:$0x1] =	stream.indirect.gather [hbm4b:s4+s12], $0x20, s28, s12, $0xb8;
	[tilespmem:$0x112A0] =	vst v63  }
0x26: {  	s0 =	simm.s32 $0x0  }
0x27: {  	[tilespmem:s31], [sflag:$0x1] =	stream.indirect.gather [hbm4b:s4+s12], $0x20, s30, s12, $0xb8;
	[tilespmem:$0x112A0] =	vst v63  }
.LBB2_2:
0x28: {  	s17 =	sshllo.u32 s0, $0x1  }
0x29: {  	s18 =	sadd.s32 s7, s17  }
0x2a: {  	s18 =	smul.u32 $0x82, s18;
	_ =	sdelay $0x1  }
0x2b: {  	s18 =	sadd.s32 s2, s18  }
0x2c: {  	[tilespmem:s1], [sflag:$0x3] =	stream.linear.gather [hbm4b:s18+s3], $0x410, $0x38;
	[tilespmem:$0x112A0] =	vst v63  }
0x2d: {  	_ =	swait.ge [sflag:s11], $0x410  }
0x2e: {  	[sflag:s11] =	ssyncset.done $0x0  }
0x2f: {  	s21 =	simm.s32 $0x8A20;
	[sflag:s11] =	ssyncadd.s32 $0xFFFFFBF0  }
0x30: {  	[tilespmem:s21], [sflag:$0x2] =	stream.indirect.gather [hbm4b:s4+s12], $0x20, s1, s12, $0xb8;
	[tilespmem:$0x112A0] =	vst v63  }
0x31: {  	s22 =	simm.s32 $0x478;
	s19 =	simm.s32 $0x9720  }
0x32: {  	[tilespmem:s19], [sflag:$0x2] =	stream.indirect.gather [hbm4b:s4+s12], $0x20, s22, s12, $0xb8;
	[tilespmem:$0x112A0] =	vst v63  }
0x33: {  	s20 =	simm.s32 $0xA420;
	s19 =	simm.s32 $0x4E0  }
0x34: {  	[tilespmem:s20], [sflag:$0x2] =	stream.indirect.gather [hbm4b:s4+s12], $0x20, s19, s12, $0xb8;
	[tilespmem:$0x112A0] =	vst v63  }
0x35: {  	s21 =	simm.s32 $0x548;
	s22 =	simm.s32 $0xB120  }
0x36: {  	[tilespmem:s22], [sflag:$0x2] =	stream.indirect.gather [hbm4b:s4+s12], $0x20, s21, s12, $0xb8;
	[tilespmem:$0x112A0] =	vst v63  }
0x37: {  	s19 =	simm.s32 $0x5B0;
	s20 =	simm.s32 $0xBE20  }
0x38: {  	[tilespmem:s20], [sflag:$0x2] =	stream.indirect.gather [hbm4b:s4+s12], $0x20, s19, s12, $0xb8;
	[tilespmem:$0x112A0] =	vst v63  }
0x39: {  	s21 =	simm.s32 $0x618;
	s22 =	simm.s32 $0xCB20  }
0x3a: {  	[tilespmem:s22], [sflag:$0x2] =	stream.indirect.gather [hbm4b:s4+s12], $0x20, s21, s12, $0xb8;
	[tilespmem:$0x112A0] =	vst v63  }
0x3b: {  	s19 =	simm.s32 $0x680;
	s20 =	simm.s32 $0xD820  }
0x3c: {  	[tilespmem:s20], [sflag:$0x2] =	stream.indirect.gather [hbm4b:s4+s12], $0x20, s19, s12, $0xb8;
	[tilespmem:$0x112A0] =	vst v63  }
0x3d: {  	s21 =	simm.s32 $0x6E8;
	s22 =	simm.s32 $0xE520  }
0x3e: {  	[tilespmem:s22], [sflag:$0x2] =	stream.indirect.gather [hbm4b:s4+s12], $0x20, s21, s12, $0xb8;
	[tilespmem:$0x112A0] =	vst v63  }
0x3f: {  	s19 =	simm.s32 $0x750;
	s20 =	simm.s32 $0xF220  }
0x40: {  	[tilespmem:s20], [sflag:$0x2] =	stream.indirect.gather [hbm4b:s4+s12], $0x20, s19, s12, $0xb8;
	[tilespmem:$0x112A0] =	vst v63  }
0x41: {  	s21 =	simm.s32 $0x7B8;
	s22 =	simm.s32 $0xFF20  }
0x42: {  	[tilespmem:s22], [sflag:$0x2] =	stream.indirect.gather [hbm4b:s4+s12], $0x20, s21, s12, $0xb8;
	[tilespmem:$0x112A0] =	vst v63  }
0x43: {  	_ =	swait.ge [sflag:s13], $0xD00  }
0x44: {  	[sflag:s13] =	ssyncset.done $0x0  }
0x45: {  	[sflag:s13] =	ssyncadd.s32 $0xFFFFF300  }
0x46: {  	_ =	swait.ge [sflag:s13], $0xD00  }
0x47: {  	[sflag:s13] =	ssyncset.done $0x0  }
0x48: {  	[sflag:s13] =	ssyncadd.s32 $0xFFFFF300  }
0x49: {  	_ =	swait.ge [sflag:s13], $0xD00  }
0x4a: {  	[sflag:s13] =	ssyncset.done $0x0  }
0x4b: {  	[sflag:s13] =	ssyncadd.s32 $0xFFFFF300  }
0x4c: {  	_ =	swait.ge [sflag:s13], $0xD00  }
0x4d: {  	[sflag:s13] =	ssyncset.done $0x0  }
0x4e: {  	[sflag:s13] =	ssyncadd.s32 $0xFFFFF300  }
0x4f: {  	_ =	swait.ge [sflag:s13], $0xD00  }
0x50: {  	[sflag:s13] =	ssyncset.done $0x0  }
0x51: {  	[sflag:s13] =	ssyncadd.s32 $0xFFFFF300  }
0x52: {  	_ =	swait.ge [sflag:s13], $0xD00  }
0x53: {  	[sflag:s13] =	ssyncset.done $0x0  }
0x54: {  	[sflag:s13] =	ssyncadd.s32 $0xFFFFF300  }
0x55: {  	_ =	swait.ge [sflag:s13], $0xD00  }
0x56: {  	[sflag:s13] =	ssyncset.done $0x0  }
0x57: {  	[sflag:s13] =	ssyncadd.s32 $0xFFFFF300  }
0x58: {  	_ =	swait.ge [sflag:s13], $0xD00  }
0x59: {  	[sflag:s13] =	ssyncset.done $0x0  }
0x5a: {  	[sflag:s13] =	ssyncadd.s32 $0xFFFFF300  }
0x5b: {  	_ =	swait.ge [sflag:s13], $0xD00  }
0x5c: {  	[sflag:s13] =	ssyncset.done $0x0  }
0x5d: {  	[sflag:s13] =	ssyncadd.s32 $0xFFFFF300  }
0x5e: {  	_ =	swait.ge [sflag:s13], $0xD00  }
0x5f: {  	[sflag:s13] =	ssyncset.done $0x0  }
0x60: {  	s18 =	simm.s32 $0xAA0;
	[sflag:s13] =	ssyncadd.s32 $0xFFFFF300  }
0x61: {  	v0 =	vld [tilespmem:s18+$0xFFFFFD90]  }
0x62: {  	v1 =	vld [tilespmem:s18+$0xFFFFFDB0]  }
0x63: {  	v2 =	vld [tilespmem:s18+$0xFFFFFDA0]  }
0x64: {  	v3 =	vld [tilespmem:s18+$0xFFFFFD80]  }
0x65: {  	v4 =	vld [tilespmem:s18+$0xFFFFFDD0]  }
0x66: {  	v5 =	vld [tilespmem:s18+$0xFFFFFDC0]  }
0x67: {  	v6 =	vld [tilespmem:s18+$0xFFFFFDF0]  }
0x68: {  	v0 =	vadd.f32 v1, v0;
	v1 =	vld [tilespmem:s18+$0xFFFFFDE0]  }
0x69: {  	v2 =	vadd.f32 v2, v3;
	v3 =	vld [tilespmem:s18+$0xFFFFFE10]  }
0x6a: {  	v22 =	vld [tilespmem:s18+$0xFFFFFE00];
	v0 =	vadd.f32 v4, v0  }
0x6b: {  	v23 =	vld [tilespmem:s18+$0xFFFFFE30];
	v2 =	vadd.f32 v5, v2  }
0x6c: {  	v24 =	vld [tilespmem:s18+$0xFFFFFE20];
	v0 =	vadd.f32 v6, v0  }
0x6d: {  	v1 =	vadd.f32 v1, v2;
	v2 =	vld [tilespmem:s18+$0xFFFFFE50]  }
0x6e: {  	v0 =	vadd.f32 v3, v0;
	v3 =	vld [tilespmem:s18+$0xFFFFFE40]  }
0x6f: {  	v25 =	vld [tilespmem:s18+$0xFFFFFE70];
	v1 =	vadd.f32 v22, v1  }
0x70: {  	v26 =	vld [tilespmem:s18+$0xFFFFFE60];
	v0 =	vadd.f32 v23, v0  }
0x71: {  	v27 =	vld [tilespmem:s18+$0xFFFFFE90];
	v1 =	vadd.f32 v24, v1  }
0x72: {  	v0 =	vadd.f32 v2, v0;
	v2 =	vld [tilespmem:s18+$0xFFFFFE80]  }
0x73: {  	v1 =	vadd.f32 v3, v1;
	v3 =	vld [tilespmem:s18+$0xFFFFFEB0]  }
0x74: {  	v28 =	vld [tilespmem:s18+$0xFFFFFEA0];
	v0 =	vadd.f32 v25, v0  }
0x75: {  	v29 =	vld [tilespmem:s18+$0xFFFFFED0];
	v1 =	vadd.f32 v26, v1  }
0x76: {  	v30 =	vld [tilespmem:s18+$0xFFFFFEC0];
	v0 =	vadd.f32 v27, v0  }
0x77: {  	v1 =	vadd.f32 v2, v1;
	v2 =	vld [tilespmem:s18+$0xFFFFFEF0]  }
0x78: {  	v0 =	vadd.f32 v3, v0;
	v3 =	vld [tilespmem:s18+$0xFFFFFEE0]  }
0x79: {  	v31 =	vld [tilespmem:s18+$0xFFFFFF10];
	v1 =	vadd.f32 v28, v1  }
0x7a: {  	v32 =	vld [tilespmem:s18+$0xFFFFFF00];
	v0 =	vadd.f32 v29, v0  }
0x7b: {  	v33 =	vld [tilespmem:s18+$0xFFFFFF30];
	v1 =	vadd.f32 v30, v1  }
0x7c: {  	v0 =	vadd.f32 v2, v0;
	v2 =	vld [tilespmem:s18+$0xFFFFFF20]  }
0x7d: {  	v1 =	vadd.f32 v3, v1;
	v3 =	vld [tilespmem:s18+$0xFFFFFF50]  }
0x7e: {  	v34 =	vld [tilespmem:s18+$0xFFFFFF40];
	v0 =	vadd.f32 v31, v0  }
0x7f: {  	v35 =	vld [tilespmem:s18+$0xFFFFFF70];
	v1 =	vadd.f32 v32, v1  }
0x80: {  	v36 =	vld [tilespmem:s18+$0xFFFFFF60];
	v0 =	vadd.f32 v33, v0  }
0x81: {  	v1 =	vadd.f32 v2, v1;
	v2 =	vld [tilespmem:s18+$0xFFFFFF90]  }
0x82: {  	v0 =	vadd.f32 v3, v0;
	v3 =	vld [tilespmem:s18+$0xFFFFFF80]  }
0x83: {  	v37 =	vld [tilespmem:s18+$0xFFFFFFB0];
	v1 =	vadd.f32 v34, v1  }
0x84: {  	v38 =	vld [tilespmem:s18+$0xFFFFFFA0];
	v0 =	vadd.f32 v35, v0  }
0x85: {  	v39 =	vld [tilespmem:s18+$0xFFFFFFD0];
	v1 =	vadd.f32 v36, v1  }
0x86: {  	v0 =	vadd.f32 v2, v0;
	v2 =	vld [tilespmem:s18+$0xFFFFFFC0]  }
0x87: {  	v1 =	vadd.f32 v3, v1;
	v3 =	vld [tilespmem:s18+$0xFFFFFFF0]  }
0x88: {  	v40 =	vld [tilespmem:s18+$0xFFFFFFE0];
	v0 =	vadd.f32 v37, v0  }
0x89: {  	v1 =	vadd.f32 v38, v1  }
0x8a: {  	v0 =	vadd.f32 v39, v0  }
0x8b: {  	v1 =	vadd.f32 v2, v1  }
0x8c: {  	v0 =	vadd.f32 v3, v0  }
0x8d: {  	v1 =	vadd.f32 v40, v1  }
0x8e: {  	v0 =	vmul.f32 $5.000000070e-02, v0  }
0x8f: {  	s19 =	simm.s32 $0x10C40;
	v1 =	vmul.f32 $5.000000070e-02, v1  }
0x90: {  	[tilespmem:s19+$0xFFFFFFF0] =	vst v0  }
0x91: {  	[tilespmem:s19+$0xFFFFFFE0] =	vst v1  }
0x92: {  	v0 =	vld [tilespmem:s18+$0x0]  }
0x93: {  	v1 =	vld [tilespmem:s18+$0x10]  }
0x94: {  	v2 =	vld [tilespmem:s18+$0x30]  }
0x95: {  	v3 =	vld [tilespmem:s18+$0x20]  }
0x96: {  	v41 =	vld [tilespmem:s18+$0x50]  }
0x97: {  	v42 =	vld [tilespmem:s18+$0x40]  }
0x98: {  	v43 =	vld [tilespmem:s18+$0x70]  }
0x99: {  	v1 =	vadd.f32 v2, v1;
	v2 =	vld [tilespmem:s18+$0x60]  }
0x9a: {  	v7 =	vld [tilespmem:s18+$0x90];
	v0 =	vadd.f32 v3, v0  }
0x9b: {  	v3 =	vld [tilespmem:s18+$0x80]  }
0x9c: {  	v44 =	vld [tilespmem:s18+$0xB0];
	v1 =	vadd.f32 v41, v1;
	v0 =	vadd.f32 v42, v0  }
0x9d: {  	v45 =	vld [tilespmem:s18+$0xA0]  }
0x9e: {  	v46 =	vld [tilespmem:s18+$0xD0];
	v1 =	vadd.f32 v43, v1;
	v0 =	vadd.f32 v2, v0  }
0x9f: {  	v2 =	vld [tilespmem:s18+$0xC0]  }
0xa0: {  	v47 =	vld [tilespmem:s18+$0xF0];
	v1 =	vadd.f32 v7, v1;
	v0 =	vadd.f32 v3, v0  }
0xa1: {  	v3 =	vld [tilespmem:s18+$0xE0]  }
0xa2: {  	v48 =	vld [tilespmem:s18+$0x110];
	v1 =	vadd.f32 v44, v1;
	v0 =	vadd.f32 v45, v0  }
0xa3: {  	v49 =	vld [tilespmem:s18+$0x100]  }
0xa4: {  	v50 =	vld [tilespmem:s18+$0x130];
	v1 =	vadd.f32 v46, v1;
	v0 =	vadd.f32 v2, v0  }
0xa5: {  	v2 =	vld [tilespmem:s18+$0x120]  }
0xa6: {  	v51 =	vld [tilespmem:s18+$0x150];
	v1 =	vadd.f32 v47, v1;
	v0 =	vadd.f32 v3, v0  }
0xa7: {  	v3 =	vld [tilespmem:s18+$0x140]  }
0xa8: {  	v52 =	vld [tilespmem:s18+$0x170];
	v1 =	vadd.f32 v48, v1;
	v0 =	vadd.f32 v49, v0  }
0xa9: {  	v53 =	vld [tilespmem:s18+$0x160]  }
0xaa: {  	v54 =	vld [tilespmem:s18+$0x190];
	v1 =	vadd.f32 v50, v1;
	v0 =	vadd.f32 v2, v0  }
0xab: {  	v2 =	vld [tilespmem:s18+$0x180]  }
0xac: {  	v55 =	vld [tilespmem:s18+$0x1B0];
	v1 =	vadd.f32 v51, v1;
	v0 =	vadd.f32 v3, v0  }
0xad: {  	v3 =	vld [tilespmem:s18+$0x1A0]  }
0xae: {  	v56 =	vld [tilespmem:s18+$0x1D0];
	v1 =	vadd.f32 v52, v1;
	v0 =	vadd.f32 v53, v0  }
0xaf: {  	v57 =	vld [tilespmem:s18+$0x1C0]  }
0xb0: {  	v58 =	vld [tilespmem:s18+$0x1F0];
	v1 =	vadd.f32 v54, v1;
	v0 =	vadd.f32 v2, v0  }
0xb1: {  	v2 =	vld [tilespmem:s18+$0x1E0]  }
0xb2: {  	v59 =	vld [tilespmem:s18+$0x210];
	v1 =	vadd.f32 v55, v1;
	v0 =	vadd.f32 v3, v0  }
0xb3: {  	v3 =	vld [tilespmem:s18+$0x200]  }
0xb4: {  	v60 =	vld [tilespmem:s18+$0x230];
	v1 =	vadd.f32 v56, v1;
	v0 =	vadd.f32 v57, v0  }
0xb5: {  	v61 =	vld [tilespmem:s18+$0x220]  }
0xb6: {  	v1 =	vadd.f32 v58, v1;
	v0 =	vadd.f32 v2, v0  }
0xb7: {  	v62 =	vld [tilespmem:s18+$0x250]  }
0xb8: {  	v2 =	vld [tilespmem:s18+$0x240];
	v1 =	vadd.f32 v59, v1;
	v0 =	vadd.f32 v3, v0  }
0xb9: {  	v63 =	vld [tilespmem:s18+$0x270]  }
0xba: {  	v1 =	vadd.f32 v60, v1;
	v3 =	vadd.f32 v61, v0;
	v0 =	vld [tilespmem:s18+$0x260];
	_ =	sdelay $0x1  }
0xbb: {  	v1 =	vadd.f32 v62, v1  }
0xbc: {  	v2 =	vadd.f32 v2, v3  }
0xbd: {  	s20 =	sshll.u32 s0, $0x1;
	s22 =	simm.s32 $0x0;
	s21 =	simm.s32 $0x10C40;
	v1 =	vadd.f32 v63, v1  }
.LBB2_3:
0xbe: {  	s22 =	sadd.s32 $0x2, s22;
	v0 =	vadd.f32 v0, v2;
	s18 =	sadd.s32 $0x500, s18;
	s19 =	sadd.s32 $0x40, s19  }
0xbf: {  	p0 =	slt.u32 s22, $0x32;
	v1 =	vmul.f32 $5.000000070e-02, v1  }
0xc0: {  	v0 =	vmul.f32 $5.000000070e-02, v0  }
0xc1: {  	[tilespmem:s21+$0x10] =	vst v1  }
0xc2: {  	[tilespmem:s21+$0x0] =	vst v0;
	s21 =	smov.u32 s19  }
0xc3: {  	v0 =	vld [tilespmem:s18+$0xFFFFFD90]  }
0xc4: {  	v1 =	vld [tilespmem:s18+$0xFFFFFDB0]  }
0xc5: {  	v2 =	vld [tilespmem:s18+$0xFFFFFDA0]  }
0xc6: {  	v3 =	vld [tilespmem:s18+$0xFFFFFD80]  }
0xc7: {  	v4 =	vld [tilespmem:s18+$0xFFFFFDD0]  }
0xc8: {  	v5 =	vld [tilespmem:s18+$0xFFFFFDC0]  }
0xc9: {  	v6 =	vld [tilespmem:s18+$0xFFFFFDF0]  }
0xca: {  	v0 =	vadd.f32 v1, v0;
	v1 =	vld [tilespmem:s18+$0xFFFFFDE0]  }
0xcb: {  	v2 =	vadd.f32 v2, v3;
	v3 =	vld [tilespmem:s18+$0xFFFFFE10]  }
0xcc: {  	v0 =	vadd.f32 v4, v0;
	v4 =	vld [tilespmem:s18+$0xFFFFFE00]  }
0xcd: {  	v2 =	vadd.f32 v5, v2;
	v5 =	vld [tilespmem:s18+$0xFFFFFE30]  }
0xce: {  	v0 =	vadd.f32 v6, v0;
	v6 =	vld [tilespmem:s18+$0xFFFFFE20]  }
0xcf: {  	v1 =	vadd.f32 v1, v2;
	v2 =	vld [tilespmem:s18+$0xFFFFFE50]  }
0xd0: {  	v0 =	vadd.f32 v3, v0;
	v3 =	vld [tilespmem:s18+$0xFFFFFE40]  }
0xd1: {  	v1 =	vadd.f32 v4, v1;
	v4 =	vld [tilespmem:s18+$0xFFFFFE70]  }
0xd2: {  	v0 =	vadd.f32 v5, v0;
	v5 =	vld [tilespmem:s18+$0xFFFFFE60]  }
0xd3: {  	v1 =	vadd.f32 v6, v1;
	v6 =	vld [tilespmem:s18+$0xFFFFFE90]  }
0xd4: {  	v0 =	vadd.f32 v2, v0;
	v2 =	vld [tilespmem:s18+$0xFFFFFE80]  }
0xd5: {  	v1 =	vadd.f32 v3, v1;
	v3 =	vld [tilespmem:s18+$0xFFFFFEB0]  }
0xd6: {  	v0 =	vadd.f32 v4, v0;
	v4 =	vld [tilespmem:s18+$0xFFFFFEA0]  }
0xd7: {  	v1 =	vadd.f32 v5, v1;
	v5 =	vld [tilespmem:s18+$0xFFFFFED0]  }
0xd8: {  	v0 =	vadd.f32 v6, v0;
	v6 =	vld [tilespmem:s18+$0xFFFFFEC0]  }
0xd9: {  	v1 =	vadd.f32 v2, v1;
	v2 =	vld [tilespmem:s18+$0xFFFFFEF0]  }
0xda: {  	v0 =	vadd.f32 v3, v0;
	v3 =	vld [tilespmem:s18+$0xFFFFFEE0]  }
0xdb: {  	v1 =	vadd.f32 v4, v1;
	v4 =	vld [tilespmem:s18+$0xFFFFFF10]  }
0xdc: {  	v0 =	vadd.f32 v5, v0;
	v5 =	vld [tilespmem:s18+$0xFFFFFF00]  }
0xdd: {  	v1 =	vadd.f32 v6, v1;
	v6 =	vld [tilespmem:s18+$0xFFFFFF30]  }
0xde: {  	v0 =	vadd.f32 v2, v0;
	v2 =	vld [tilespmem:s18+$0xFFFFFF20]  }
0xdf: {  	v1 =	vadd.f32 v3, v1;
	v3 =	vld [tilespmem:s18+$0xFFFFFF50]  }
0xe0: {  	v0 =	vadd.f32 v4, v0;
	v4 =	vld [tilespmem:s18+$0xFFFFFF40]  }
0xe1: {  	v1 =	vadd.f32 v5, v1;
	v5 =	vld [tilespmem:s18+$0xFFFFFF70]  }
0xe2: {  	v0 =	vadd.f32 v6, v0;
	v6 =	vld [tilespmem:s18+$0xFFFFFF60]  }
0xe3: {  	v1 =	vadd.f32 v2, v1;
	v2 =	vld [tilespmem:s18+$0xFFFFFF90]  }
0xe4: {  	v0 =	vadd.f32 v3, v0;
	v3 =	vld [tilespmem:s18+$0xFFFFFF80]  }
0xe5: {  	v1 =	vadd.f32 v4, v1;
	v4 =	vld [tilespmem:s18+$0xFFFFFFB0]  }
0xe6: {  	v0 =	vadd.f32 v5, v0;
	v5 =	vld [tilespmem:s18+$0xFFFFFFA0]  }
0xe7: {  	v1 =	vadd.f32 v6, v1;
	v6 =	vld [tilespmem:s18+$0xFFFFFFD0]  }
0xe8: {  	v0 =	vadd.f32 v2, v0;
	v2 =	vld [tilespmem:s18+$0xFFFFFFC0]  }
0xe9: {  	v1 =	vadd.f32 v3, v1;
	v3 =	vld [tilespmem:s18+$0xFFFFFFF0]  }
0xea: {  	v0 =	vadd.f32 v4, v0;
	v4 =	vld [tilespmem:s18+$0xFFFFFFE0]  }
0xeb: {  	v1 =	vadd.f32 v5, v1  }
0xec: {  	v0 =	vadd.f32 v6, v0  }
0xed: {  	v1 =	vadd.f32 v2, v1  }
0xee: {  	v0 =	vadd.f32 v3, v0  }
0xef: {  	v1 =	vadd.f32 v4, v1  }
0xf0: {  	v0 =	vmul.f32 $5.000000070e-02, v0  }
0xf1: {  	v1 =	vmul.f32 $5.000000070e-02, v1  }
0xf2: {  	[tilespmem:s19+$0xFFFFFFF0] =	vst v0  }
0xf3: {  	[tilespmem:s19+$0xFFFFFFE0] =	vst v1  }
0xf4: {  	v0 =	vld [tilespmem:s18+$0x0]  }
0xf5: {  	v1 =	vld [tilespmem:s18+$0x10]  }
0xf6: {  	v2 =	vld [tilespmem:s18+$0x30]  }
0xf7: {  	v3 =	vld [tilespmem:s18+$0x20]  }
0xf8: {  	v4 =	vld [tilespmem:s18+$0x50]  }
0xf9: {  	v5 =	vld [tilespmem:s18+$0x40]  }
0xfa: {  	v6 =	vld [tilespmem:s18+$0x70]  }
0xfb: {  	v1 =	vadd.f32 v2, v1;
	v2 =	vld [tilespmem:s18+$0x60]  }
0xfc: {  	v0 =	vadd.f32 v3, v0;
	v3 =	vld [tilespmem:s18+$0x90]  }
0xfd: {  	v1 =	vadd.f32 v4, v1;
	v4 =	vld [tilespmem:s18+$0x80]  }
0xfe: {  	v0 =	vadd.f32 v5, v0;
	v5 =	vld [tilespmem:s18+$0xB0]  }
0xff: {  	v1 =	vadd.f32 v6, v1;
	v6 =	vld [tilespmem:s18+$0xA0]  }
0x100: {  	v0 =	vadd.f32 v2, v0;
	v2 =	vld [tilespmem:s18+$0xD0]  }
0x101: {  	v1 =	vadd.f32 v3, v1;
	v3 =	vld [tilespmem:s18+$0xC0]  }
0x102: {  	v0 =	vadd.f32 v4, v0;
	v4 =	vld [tilespmem:s18+$0xF0]  }
0x103: {  	v1 =	vadd.f32 v5, v1;
	v5 =	vld [tilespmem:s18+$0xE0]  }
0x104: {  	v0 =	vadd.f32 v6, v0;
	v6 =	vld [tilespmem:s18+$0x110]  }
0x105: {  	v1 =	vadd.f32 v2, v1;
	v2 =	vld [tilespmem:s18+$0x100]  }
0x106: {  	v0 =	vadd.f32 v3, v0;
	v3 =	vld [tilespmem:s18+$0x130]  }
0x107: {  	v1 =	vadd.f32 v4, v1;
	v4 =	vld [tilespmem:s18+$0x120]  }
0x108: {  	v0 =	vadd.f32 v5, v0;
	v5 =	vld [tilespmem:s18+$0x150]  }
0x109: {  	v1 =	vadd.f32 v6, v1;
	v6 =	vld [tilespmem:s18+$0x140]  }
0x10a: {  	v0 =	vadd.f32 v2, v0;
	v2 =	vld [tilespmem:s18+$0x170]  }
0x10b: {  	v1 =	vadd.f32 v3, v1;
	v3 =	vld [tilespmem:s18+$0x160]  }
0x10c: {  	v0 =	vadd.f32 v4, v0;
	v4 =	vld [tilespmem:s18+$0x190]  }
0x10d: {  	v1 =	vadd.f32 v5, v1;
	v5 =	vld [tilespmem:s18+$0x180]  }
0x10e: {  	v0 =	vadd.f32 v6, v0;
	v6 =	vld [tilespmem:s18+$0x1B0]  }
0x10f: {  	v1 =	vadd.f32 v2, v1;
	v2 =	vld [tilespmem:s18+$0x1A0]  }
0x110: {  	v0 =	vadd.f32 v3, v0;
	v3 =	vld [tilespmem:s18+$0x1D0]  }
0x111: {  	v1 =	vadd.f32 v4, v1;
	v4 =	vld [tilespmem:s18+$0x1C0]  }
0x112: {  	v0 =	vadd.f32 v5, v0;
	v5 =	vld [tilespmem:s18+$0x1F0]  }
0x113: {  	v1 =	vadd.f32 v6, v1;
	v6 =	vld [tilespmem:s18+$0x1E0]  }
0x114: {  	v0 =	vadd.f32 v2, v0;
	v2 =	vld [tilespmem:s18+$0x210]  }
0x115: {  	v1 =	vadd.f32 v3, v1;
	v3 =	vld [tilespmem:s18+$0x200]  }
0x116: {  	v0 =	vadd.f32 v4, v0;
	v4 =	vld [tilespmem:s18+$0x230]  }
0x117: {  	v1 =	vadd.f32 v5, v1;
	v5 =	vld [tilespmem:s18+$0x220]  }
0x118: {  	v0 =	vadd.f32 v6, v0;
	v6 =	vld [tilespmem:s18+$0x250]  }
0x119: {  	v1 =	vadd.f32 v2, v1;
	v2 =	vld [tilespmem:s18+$0x240]  }
0x11a: {  	v3 =	vadd.f32 v3, v0;
	v7 =	vld [tilespmem:s18+$0x270]  }
.Ltmp0:
0x11b: {  	v1 =	vadd.f32 v4, v1;
	v0 =	vld [tilespmem:s18+$0x260];
	(pc) =	sbr.rel @p0 .LBB2_3-.Ltmp0, $4  }
0x11c: {  	v3 =	vadd.f32 v5, v3  }
0x11d: {  	v1 =	vadd.f32 v6, v1  }
0x11e: {  	v2 =	vadd.f32 v2, v3  }
0x11f: {  	v1 =	vadd.f32 v7, v1  }
0x120: {  	v0 =	vadd.f32 v0, v2  }
0x121: {  	v1 =	vmul.f32 $5.000000070e-02, v1  }
0x122: {  	s18 =	sshll.u32 s0, $0xB;
	v0 =	vmul.f32 $5.000000070e-02, v0  }
0x123: {  	s18 =	sadd.s32 s8, s18;
	[tilespmem:s21+$0x10] =	vst v1  }
0x124: {  	s19 =	sadd.s32 s5, s18;
	[tilespmem:s21+$0x0] =	vst v0  }
0x125: {  	[hbm4b:s19+s6] =	stream.strided.scatter [tilespmem:s10], [sflag:$0x3], $0x340, s14, s6, $0x38;
	[tilespmem:$0x112A0] =	vst v63  }
0x126: {  	_ =	swait.ge [sflag:s11], $0x340  }
0x127: {  	[sflag:s11] =	ssyncset.done $0x0  }
0x128: {  	s20 =	sadd.s32 $0x2, s20;
	s18 =	sadd.s32 s18, s9;
	[sflag:s11] =	ssyncadd.s32 $0xFFFFFCC0  }
0x129: {  	[hbm4b:s18+s6] =	stream.strided.scatter [tilespmem:s15], [sflag:$0x3], $0x340, s14, s6, $0x38;
	[tilespmem:$0x112A0] =	vst v63  }
0x12a: {  	s18 =	sand.u32 $0x3E, s20  }
0x12b: {  	s18 =	sor.u32 s7, s18  }
0x12c: {  	_ =	swait.ge [sflag:s11], $0x340;
	s18 =	smul.u32 $0x82, s18  }
0x12d: {  	[sflag:s11] =	ssyncset.done $0x0  }
0x12e: {  	[sflag:s11] =	ssyncadd.s32 $0xFFFFFCC0;
	s18 =	sadd.s32 s2, s18  }
0x12f: {  	[tilespmem:s3], [sflag:$0x3] =	stream.linear.gather [hbm4b:s18+s3], $0x410, $0x38;
	[tilespmem:$0x112A0] =	vst v63  }
0x130: {  	_ =	swait.ge [sflag:s11], $0x410  }
0x131: {  	[sflag:s11] =	ssyncset.done $0x0  }
0x132: {  	s21 =	simm.s32 $0x820;
	[sflag:s11] =	ssyncadd.s32 $0xFFFFFBF0  }
0x133: {  	[tilespmem:s21], [sflag:$0x1] =	stream.indirect.gather [hbm4b:s4+s12], $0x20, s3, s12, $0xb8;
	[tilespmem:$0x112A0] =	vst v63  }
0x134: {  	s22 =	simm.s32 $0x1520  }
0x135: {  	[tilespmem:s22], [sflag:$0x1] =	stream.indirect.gather [hbm4b:s4+s12], $0x20, s12, s12, $0xb8;
	[tilespmem:$0x112A0] =	vst v63  }
0x136: {  	s19 =	simm.s32 $0xD0;
	s20 =	simm.s32 $0x2220  }
0x137: {  	[tilespmem:s20], [sflag:$0x1] =	stream.indirect.gather [hbm4b:s4+s12], $0x20, s19, s12, $0xb8;
	[tilespmem:$0x112A0] =	vst v63  }
0x138: {  	s21 =	simm.s32 $0x138;
	s22 =	simm.s32 $0x2F20  }
0x139: {  	[tilespmem:s22], [sflag:$0x1] =	stream.indirect.gather [hbm4b:s4+s12], $0x20, s21, s12, $0xb8;
	[tilespmem:$0x112A0] =	vst v63  }
0x13a: {  	s19 =	simm.s32 $0x1A0;
	s20 =	simm.s32 $0x3C20  }
0x13b: {  	[tilespmem:s20], [sflag:$0x1] =	stream.indirect.gather [hbm4b:s4+s12], $0x20, s19, s12, $0xb8;
	[tilespmem:$0x112A0] =	vst v63  }
0x13c: {  	s21 =	simm.s32 $0x208;
	s22 =	simm.s32 $0x4920  }
0x13d: {  	[tilespmem:s22], [sflag:$0x1] =	stream.indirect.gather [hbm4b:s4+s12], $0x20, s21, s12, $0xb8;
	[tilespmem:$0x112A0] =	vst v63  }
0x13e: {  	_ = 	snop  }
0x13f: {  	[tilespmem:s24], [sflag:$0x1] =	stream.indirect.gather [hbm4b:s4+s12], $0x20, s23, s12, $0xb8;
	[tilespmem:$0x112A0] =	vst v63  }
0x140: {  	_ = 	snop  }
0x141: {  	[tilespmem:s26], [sflag:$0x1] =	stream.indirect.gather [hbm4b:s4+s12], $0x20, s25, s12, $0xb8;
	[tilespmem:$0x112A0] =	vst v63  }
0x142: {  	_ = 	snop  }
0x143: {  	[tilespmem:s29], [sflag:$0x1] =	stream.indirect.gather [hbm4b:s4+s12], $0x20, s28, s12, $0xb8;
	[tilespmem:$0x112A0] =	vst v63  }
0x144: {  	_ = 	snop  }
0x145: {  	[tilespmem:s31], [sflag:$0x1] =	stream.indirect.gather [hbm4b:s4+s12], $0x20, s30, s12, $0xb8;
	[tilespmem:$0x112A0] =	vst v63  }
0x146: {  	_ =	swait.ge [sflag:s16], $0xD00  }
0x147: {  	[sflag:s16] =	ssyncset.done $0x0  }
0x148: {  	[sflag:s16] =	ssyncadd.s32 $0xFFFFF300  }
0x149: {  	_ =	swait.ge [sflag:s16], $0xD00  }
0x14a: {  	[sflag:s16] =	ssyncset.done $0x0  }
0x14b: {  	[sflag:s16] =	ssyncadd.s32 $0xFFFFF300  }
0x14c: {  	_ =	swait.ge [sflag:s16], $0xD00  }
0x14d: {  	[sflag:s16] =	ssyncset.done $0x0  }
0x14e: {  	[sflag:s16] =	ssyncadd.s32 $0xFFFFF300  }
0x14f: {  	_ =	swait.ge [sflag:s16], $0xD00  }
0x150: {  	[sflag:s16] =	ssyncset.done $0x0  }
0x151: {  	[sflag:s16] =	ssyncadd.s32 $0xFFFFF300  }
0x152: {  	_ =	swait.ge [sflag:s16], $0xD00  }
0x153: {  	[sflag:s16] =	ssyncset.done $0x0  }
0x154: {  	[sflag:s16] =	ssyncadd.s32 $0xFFFFF300  }
0x155: {  	_ =	swait.ge [sflag:s16], $0xD00  }
0x156: {  	[sflag:s16] =	ssyncset.done $0x0  }
0x157: {  	[sflag:s16] =	ssyncadd.s32 $0xFFFFF300  }
0x158: {  	_ =	swait.ge [sflag:s16], $0xD00  }
0x159: {  	[sflag:s16] =	ssyncset.done $0x0  }
0x15a: {  	[sflag:s16] =	ssyncadd.s32 $0xFFFFF300  }
0x15b: {  	_ =	swait.ge [sflag:s16], $0xD00  }
0x15c: {  	[sflag:s16] =	ssyncset.done $0x0  }
0x15d: {  	[sflag:s16] =	ssyncadd.s32 $0xFFFFF300  }
0x15e: {  	_ =	swait.ge [sflag:s16], $0xD00  }
0x15f: {  	[sflag:s16] =	ssyncset.done $0x0  }
0x160: {  	[sflag:s16] =	ssyncadd.s32 $0xFFFFF300  }
0x161: {  	_ =	swait.ge [sflag:s16], $0xD00  }
0x162: {  	[sflag:s16] =	ssyncset.done $0x0  }
0x163: {  	s18 =	simm.s32 $0x8CA0;
	[sflag:s16] =	ssyncadd.s32 $0xFFFFF300  }
0x164: {  	v0 =	vld [tilespmem:s18+$0xFFFFFD90]  }
0x165: {  	v1 =	vld [tilespmem:s18+$0xFFFFFDB0]  }
0x166: {  	v2 =	vld [tilespmem:s18+$0xFFFFFDA0]  }
0x167: {  	v3 =	vld [tilespmem:s18+$0xFFFFFD80]  }
0x168: {  	v4 =	vld [tilespmem:s18+$0xFFFFFDD0]  }
0x169: {  	v5 =	vld [tilespmem:s18+$0xFFFFFDC0]  }
0x16a: {  	v6 =	vld [tilespmem:s18+$0xFFFFFDF0]  }
0x16b: {  	v0 =	vadd.f32 v1, v0;
	v1 =	vld [tilespmem:s18+$0xFFFFFDE0]  }
0x16c: {  	v2 =	vadd.f32 v2, v3;
	v3 =	vld [tilespmem:s18+$0xFFFFFE10]  }
0x16d: {  	v22 =	vld [tilespmem:s18+$0xFFFFFE00];
	v0 =	vadd.f32 v4, v0  }
0x16e: {  	v23 =	vld [tilespmem:s18+$0xFFFFFE30];
	v2 =	vadd.f32 v5, v2  }
0x16f: {  	v24 =	vld [tilespmem:s18+$0xFFFFFE20];
	v0 =	vadd.f32 v6, v0  }
0x170: {  	v1 =	vadd.f32 v1, v2;
	v2 =	vld [tilespmem:s18+$0xFFFFFE50]  }
0x171: {  	v0 =	vadd.f32 v3, v0;
	v3 =	vld [tilespmem:s18+$0xFFFFFE40]  }
0x172: {  	v25 =	vld [tilespmem:s18+$0xFFFFFE70];
	v1 =	vadd.f32 v22, v1  }
0x173: {  	v26 =	vld [tilespmem:s18+$0xFFFFFE60];
	v0 =	vadd.f32 v23, v0  }
0x174: {  	v27 =	vld [tilespmem:s18+$0xFFFFFE90];
	v1 =	vadd.f32 v24, v1  }
0x175: {  	v0 =	vadd.f32 v2, v0;
	v2 =	vld [tilespmem:s18+$0xFFFFFE80]  }
0x176: {  	v1 =	vadd.f32 v3, v1;
	v3 =	vld [tilespmem:s18+$0xFFFFFEB0]  }
0x177: {  	v28 =	vld [tilespmem:s18+$0xFFFFFEA0];
	v0 =	vadd.f32 v25, v0  }
0x178: {  	v29 =	vld [tilespmem:s18+$0xFFFFFED0];
	v1 =	vadd.f32 v26, v1  }
0x179: {  	v30 =	vld [tilespmem:s18+$0xFFFFFEC0];
	v0 =	vadd.f32 v27, v0  }
0x17a: {  	v1 =	vadd.f32 v2, v1;
	v2 =	vld [tilespmem:s18+$0xFFFFFEF0]  }
0x17b: {  	v0 =	vadd.f32 v3, v0;
	v3 =	vld [tilespmem:s18+$0xFFFFFEE0]  }
0x17c: {  	v31 =	vld [tilespmem:s18+$0xFFFFFF10];
	v1 =	vadd.f32 v28, v1  }
0x17d: {  	v32 =	vld [tilespmem:s18+$0xFFFFFF00];
	v0 =	vadd.f32 v29, v0  }
0x17e: {  	v33 =	vld [tilespmem:s18+$0xFFFFFF30];
	v1 =	vadd.f32 v30, v1  }
0x17f: {  	v0 =	vadd.f32 v2, v0;
	v2 =	vld [tilespmem:s18+$0xFFFFFF20]  }
0x180: {  	v1 =	vadd.f32 v3, v1;
	v3 =	vld [tilespmem:s18+$0xFFFFFF50]  }
0x181: {  	v34 =	vld [tilespmem:s18+$0xFFFFFF40];
	v0 =	vadd.f32 v31, v0  }
0x182: {  	v35 =	vld [tilespmem:s18+$0xFFFFFF70];
	v1 =	vadd.f32 v32, v1  }
0x183: {  	v36 =	vld [tilespmem:s18+$0xFFFFFF60];
	v0 =	vadd.f32 v33, v0  }
0x184: {  	v1 =	vadd.f32 v2, v1;
	v2 =	vld [tilespmem:s18+$0xFFFFFF90]  }
0x185: {  	v0 =	vadd.f32 v3, v0;
	v3 =	vld [tilespmem:s18+$0xFFFFFF80]  }
0x186: {  	v37 =	vld [tilespmem:s18+$0xFFFFFFB0];
	v1 =	vadd.f32 v34, v1  }
0x187: {  	v38 =	vld [tilespmem:s18+$0xFFFFFFA0];
	v0 =	vadd.f32 v35, v0  }
0x188: {  	v39 =	vld [tilespmem:s18+$0xFFFFFFD0];
	v1 =	vadd.f32 v36, v1  }
0x189: {  	v0 =	vadd.f32 v2, v0;
	v2 =	vld [tilespmem:s18+$0xFFFFFFC0]  }
0x18a: {  	v1 =	vadd.f32 v3, v1;
	v3 =	vld [tilespmem:s18+$0xFFFFFFF0]  }
0x18b: {  	v40 =	vld [tilespmem:s18+$0xFFFFFFE0];
	v0 =	vadd.f32 v37, v0  }
0x18c: {  	v1 =	vadd.f32 v38, v1  }
0x18d: {  	v0 =	vadd.f32 v39, v0  }
0x18e: {  	v1 =	vadd.f32 v2, v1  }
0x18f: {  	v0 =	vadd.f32 v3, v0  }
0x190: {  	v1 =	vadd.f32 v40, v1  }
0x191: {  	v0 =	vmul.f32 $5.000000070e-02, v0  }
0x192: {  	s19 =	simm.s32 $0x10C40;
	v1 =	vmul.f32 $5.000000070e-02, v1  }
0x193: {  	[tilespmem:s19+$0xFFFFFFF0] =	vst v0  }
0x194: {  	[tilespmem:s19+$0xFFFFFFE0] =	vst v1  }
0x195: {  	v0 =	vld [tilespmem:s18+$0x0]  }
0x196: {  	v1 =	vld [tilespmem:s18+$0x10]  }
0x197: {  	v2 =	vld [tilespmem:s18+$0x30]  }
0x198: {  	v3 =	vld [tilespmem:s18+$0x20]  }
0x199: {  	v41 =	vld [tilespmem:s18+$0x50]  }
0x19a: {  	v42 =	vld [tilespmem:s18+$0x40]  }
0x19b: {  	v43 =	vld [tilespmem:s18+$0x70]  }
0x19c: {  	v1 =	vadd.f32 v2, v1;
	v2 =	vld [tilespmem:s18+$0x60]  }
0x19d: {  	v7 =	vld [tilespmem:s18+$0x90];
	v0 =	vadd.f32 v3, v0  }
0x19e: {  	v3 =	vld [tilespmem:s18+$0x80]  }
0x19f: {  	v44 =	vld [tilespmem:s18+$0xB0];
	v1 =	vadd.f32 v41, v1;
	v0 =	vadd.f32 v42, v0  }
0x1a0: {  	v45 =	vld [tilespmem:s18+$0xA0]  }
0x1a1: {  	v46 =	vld [tilespmem:s18+$0xD0];
	v1 =	vadd.f32 v43, v1;
	v0 =	vadd.f32 v2, v0  }
0x1a2: {  	v2 =	vld [tilespmem:s18+$0xC0]  }
0x1a3: {  	v47 =	vld [tilespmem:s18+$0xF0];
	v1 =	vadd.f32 v7, v1;
	v0 =	vadd.f32 v3, v0  }
0x1a4: {  	v3 =	vld [tilespmem:s18+$0xE0]  }
0x1a5: {  	v48 =	vld [tilespmem:s18+$0x110];
	v1 =	vadd.f32 v44, v1;
	v0 =	vadd.f32 v45, v0  }
0x1a6: {  	v49 =	vld [tilespmem:s18+$0x100]  }
0x1a7: {  	v50 =	vld [tilespmem:s18+$0x130];
	v1 =	vadd.f32 v46, v1;
	v0 =	vadd.f32 v2, v0  }
0x1a8: {  	v2 =	vld [tilespmem:s18+$0x120]  }
0x1a9: {  	v51 =	vld [tilespmem:s18+$0x150];
	v1 =	vadd.f32 v47, v1;
	v0 =	vadd.f32 v3, v0  }
0x1aa: {  	v3 =	vld [tilespmem:s18+$0x140]  }
0x1ab: {  	v52 =	vld [tilespmem:s18+$0x170];
	v1 =	vadd.f32 v48, v1;
	v0 =	vadd.f32 v49, v0  }
0x1ac: {  	v53 =	vld [tilespmem:s18+$0x160]  }
0x1ad: {  	v54 =	vld [tilespmem:s18+$0x190];
	v1 =	vadd.f32 v50, v1;
	v0 =	vadd.f32 v2, v0  }
0x1ae: {  	v2 =	vld [tilespmem:s18+$0x180]  }
0x1af: {  	v55 =	vld [tilespmem:s18+$0x1B0];
	v1 =	vadd.f32 v51, v1;
	v0 =	vadd.f32 v3, v0  }
0x1b0: {  	v3 =	vld [tilespmem:s18+$0x1A0]  }
0x1b1: {  	v56 =	vld [tilespmem:s18+$0x1D0];
	v1 =	vadd.f32 v52, v1;
	v0 =	vadd.f32 v53, v0  }
0x1b2: {  	v57 =	vld [tilespmem:s18+$0x1C0]  }
0x1b3: {  	v58 =	vld [tilespmem:s18+$0x1F0];
	v1 =	vadd.f32 v54, v1;
	v0 =	vadd.f32 v2, v0  }
0x1b4: {  	v2 =	vld [tilespmem:s18+$0x1E0]  }
0x1b5: {  	v59 =	vld [tilespmem:s18+$0x210];
	v1 =	vadd.f32 v55, v1;
	v0 =	vadd.f32 v3, v0  }
0x1b6: {  	v3 =	vld [tilespmem:s18+$0x200]  }
0x1b7: {  	v60 =	vld [tilespmem:s18+$0x230];
	v1 =	vadd.f32 v56, v1;
	v0 =	vadd.f32 v57, v0  }
0x1b8: {  	v61 =	vld [tilespmem:s18+$0x220]  }
0x1b9: {  	v1 =	vadd.f32 v58, v1;
	v0 =	vadd.f32 v2, v0  }
0x1ba: {  	v62 =	vld [tilespmem:s18+$0x250]  }
0x1bb: {  	v2 =	vld [tilespmem:s18+$0x240];
	v1 =	vadd.f32 v59, v1;
	v0 =	vadd.f32 v3, v0  }
0x1bc: {  	v63 =	vld [tilespmem:s18+$0x270]  }
0x1bd: {  	v1 =	vadd.f32 v60, v1;
	v3 =	vadd.f32 v61, v0;
	v0 =	vld [tilespmem:s18+$0x260];
	_ =	sdelay $0x1  }
0x1be: {  	v1 =	vadd.f32 v62, v1  }
0x1bf: {  	v2 =	vadd.f32 v2, v3  }
0x1c0: {  	s20 =	simm.s32 $0x10C40;
	s21 =	simm.s32 $0x0;
	v1 =	vadd.f32 v63, v1  }
.LBB2_5:
0x1c1: {  	s21 =	sadd.s32 $0x2, s21;
	v0 =	vadd.f32 v0, v2;
	s18 =	sadd.s32 $0x500, s18;
	s19 =	sadd.s32 $0x40, s19  }
0x1c2: {  	p0 =	slt.u32 s21, $0x32;
	v1 =	vmul.f32 $5.000000070e-02, v1  }
0x1c3: {  	v0 =	vmul.f32 $5.000000070e-02, v0  }
0x1c4: {  	[tilespmem:s20+$0x10] =	vst v1  }
0x1c5: {  	[tilespmem:s20+$0x0] =	vst v0;
	s20 =	smov.u32 s19  }
0x1c6: {  	v0 =	vld [tilespmem:s18+$0xFFFFFD90]  }
0x1c7: {  	v1 =	vld [tilespmem:s18+$0xFFFFFDB0]  }
0x1c8: {  	v2 =	vld [tilespmem:s18+$0xFFFFFDA0]  }
0x1c9: {  	v3 =	vld [tilespmem:s18+$0xFFFFFD80]  }
0x1ca: {  	v4 =	vld [tilespmem:s18+$0xFFFFFDD0]  }
0x1cb: {  	v5 =	vld [tilespmem:s18+$0xFFFFFDC0]  }
0x1cc: {  	v6 =	vld [tilespmem:s18+$0xFFFFFDF0]  }
0x1cd: {  	v0 =	vadd.f32 v1, v0;
	v1 =	vld [tilespmem:s18+$0xFFFFFDE0]  }
0x1ce: {  	v2 =	vadd.f32 v2, v3;
	v3 =	vld [tilespmem:s18+$0xFFFFFE10]  }
0x1cf: {  	v0 =	vadd.f32 v4, v0;
	v4 =	vld [tilespmem:s18+$0xFFFFFE00]  }
0x1d0: {  	v2 =	vadd.f32 v5, v2;
	v5 =	vld [tilespmem:s18+$0xFFFFFE30]  }
0x1d1: {  	v0 =	vadd.f32 v6, v0;
	v6 =	vld [tilespmem:s18+$0xFFFFFE20]  }
0x1d2: {  	v1 =	vadd.f32 v1, v2;
	v2 =	vld [tilespmem:s18+$0xFFFFFE50]  }
0x1d3: {  	v0 =	vadd.f32 v3, v0;
	v3 =	vld [tilespmem:s18+$0xFFFFFE40]  }
0x1d4: {  	v1 =	vadd.f32 v4, v1;
	v4 =	vld [tilespmem:s18+$0xFFFFFE70]  }
0x1d5: {  	v0 =	vadd.f32 v5, v0;
	v5 =	vld [tilespmem:s18+$0xFFFFFE60]  }
0x1d6: {  	v1 =	vadd.f32 v6, v1;
	v6 =	vld [tilespmem:s18+$0xFFFFFE90]  }
0x1d7: {  	v0 =	vadd.f32 v2, v0;
	v2 =	vld [tilespmem:s18+$0xFFFFFE80]  }
0x1d8: {  	v1 =	vadd.f32 v3, v1;
	v3 =	vld [tilespmem:s18+$0xFFFFFEB0]  }
0x1d9: {  	v0 =	vadd.f32 v4, v0;
	v4 =	vld [tilespmem:s18+$0xFFFFFEA0]  }
0x1da: {  	v1 =	vadd.f32 v5, v1;
	v5 =	vld [tilespmem:s18+$0xFFFFFED0]  }
0x1db: {  	v0 =	vadd.f32 v6, v0;
	v6 =	vld [tilespmem:s18+$0xFFFFFEC0]  }
0x1dc: {  	v1 =	vadd.f32 v2, v1;
	v2 =	vld [tilespmem:s18+$0xFFFFFEF0]  }
0x1dd: {  	v0 =	vadd.f32 v3, v0;
	v3 =	vld [tilespmem:s18+$0xFFFFFEE0]  }
0x1de: {  	v1 =	vadd.f32 v4, v1;
	v4 =	vld [tilespmem:s18+$0xFFFFFF10]  }
0x1df: {  	v0 =	vadd.f32 v5, v0;
	v5 =	vld [tilespmem:s18+$0xFFFFFF00]  }
0x1e0: {  	v1 =	vadd.f32 v6, v1;
	v6 =	vld [tilespmem:s18+$0xFFFFFF30]  }
0x1e1: {  	v0 =	vadd.f32 v2, v0;
	v2 =	vld [tilespmem:s18+$0xFFFFFF20]  }
0x1e2: {  	v1 =	vadd.f32 v3, v1;
	v3 =	vld [tilespmem:s18+$0xFFFFFF50]  }
0x1e3: {  	v0 =	vadd.f32 v4, v0;
	v4 =	vld [tilespmem:s18+$0xFFFFFF40]  }
0x1e4: {  	v1 =	vadd.f32 v5, v1;
	v5 =	vld [tilespmem:s18+$0xFFFFFF70]  }
0x1e5: {  	v0 =	vadd.f32 v6, v0;
	v6 =	vld [tilespmem:s18+$0xFFFFFF60]  }
0x1e6: {  	v1 =	vadd.f32 v2, v1;
	v2 =	vld [tilespmem:s18+$0xFFFFFF90]  }
0x1e7: {  	v0 =	vadd.f32 v3, v0;
	v3 =	vld [tilespmem:s18+$0xFFFFFF80]  }
0x1e8: {  	v1 =	vadd.f32 v4, v1;
	v4 =	vld [tilespmem:s18+$0xFFFFFFB0]  }
0x1e9: {  	v0 =	vadd.f32 v5, v0;
	v5 =	vld [tilespmem:s18+$0xFFFFFFA0]  }
0x1ea: {  	v1 =	vadd.f32 v6, v1;
	v6 =	vld [tilespmem:s18+$0xFFFFFFD0]  }
0x1eb: {  	v0 =	vadd.f32 v2, v0;
	v2 =	vld [tilespmem:s18+$0xFFFFFFC0]  }
0x1ec: {  	v1 =	vadd.f32 v3, v1;
	v3 =	vld [tilespmem:s18+$0xFFFFFFF0]  }
0x1ed: {  	v0 =	vadd.f32 v4, v0;
	v4 =	vld [tilespmem:s18+$0xFFFFFFE0]  }
0x1ee: {  	v1 =	vadd.f32 v5, v1  }
0x1ef: {  	v0 =	vadd.f32 v6, v0  }
0x1f0: {  	v1 =	vadd.f32 v2, v1  }
0x1f1: {  	v0 =	vadd.f32 v3, v0  }
0x1f2: {  	v1 =	vadd.f32 v4, v1  }
0x1f3: {  	v0 =	vmul.f32 $5.000000070e-02, v0  }
0x1f4: {  	v1 =	vmul.f32 $5.000000070e-02, v1  }
0x1f5: {  	[tilespmem:s19+$0xFFFFFFF0] =	vst v0  }
0x1f6: {  	[tilespmem:s19+$0xFFFFFFE0] =	vst v1  }
0x1f7: {  	v0 =	vld [tilespmem:s18+$0x0]  }
0x1f8: {  	v1 =	vld [tilespmem:s18+$0x10]  }
0x1f9: {  	v2 =	vld [tilespmem:s18+$0x30]  }
0x1fa: {  	v3 =	vld [tilespmem:s18+$0x20]  }
0x1fb: {  	v4 =	vld [tilespmem:s18+$0x50]  }
0x1fc: {  	v5 =	vld [tilespmem:s18+$0x40]  }
0x1fd: {  	v6 =	vld [tilespmem:s18+$0x70]  }
0x1fe: {  	v1 =	vadd.f32 v2, v1;
	v2 =	vld [tilespmem:s18+$0x60]  }
0x1ff: {  	v0 =	vadd.f32 v3, v0;
	v3 =	vld [tilespmem:s18+$0x90]  }
0x200: {  	v1 =	vadd.f32 v4, v1;
	v4 =	vld [tilespmem:s18+$0x80]  }
0x201: {  	v0 =	vadd.f32 v5, v0;
	v5 =	vld [tilespmem:s18+$0xB0]  }
0x202: {  	v1 =	vadd.f32 v6, v1;
	v6 =	vld [tilespmem:s18+$0xA0]  }
0x203: {  	v0 =	vadd.f32 v2, v0;
	v2 =	vld [tilespmem:s18+$0xD0]  }
0x204: {  	v1 =	vadd.f32 v3, v1;
	v3 =	vld [tilespmem:s18+$0xC0]  }
0x205: {  	v0 =	vadd.f32 v4, v0;
	v4 =	vld [tilespmem:s18+$0xF0]  }
0x206: {  	v1 =	vadd.f32 v5, v1;
	v5 =	vld [tilespmem:s18+$0xE0]  }
0x207: {  	v0 =	vadd.f32 v6, v0;
	v6 =	vld [tilespmem:s18+$0x110]  }
0x208: {  	v1 =	vadd.f32 v2, v1;
	v2 =	vld [tilespmem:s18+$0x100]  }
0x209: {  	v0 =	vadd.f32 v3, v0;
	v3 =	vld [tilespmem:s18+$0x130]  }
0x20a: {  	v1 =	vadd.f32 v4, v1;
	v4 =	vld [tilespmem:s18+$0x120]  }
0x20b: {  	v0 =	vadd.f32 v5, v0;
	v5 =	vld [tilespmem:s18+$0x150]  }
0x20c: {  	v1 =	vadd.f32 v6, v1;
	v6 =	vld [tilespmem:s18+$0x140]  }
0x20d: {  	v0 =	vadd.f32 v2, v0;
	v2 =	vld [tilespmem:s18+$0x170]  }
0x20e: {  	v1 =	vadd.f32 v3, v1;
	v3 =	vld [tilespmem:s18+$0x160]  }
0x20f: {  	v0 =	vadd.f32 v4, v0;
	v4 =	vld [tilespmem:s18+$0x190]  }
0x210: {  	v1 =	vadd.f32 v5, v1;
	v5 =	vld [tilespmem:s18+$0x180]  }
0x211: {  	v0 =	vadd.f32 v6, v0;
	v6 =	vld [tilespmem:s18+$0x1B0]  }
0x212: {  	v1 =	vadd.f32 v2, v1;
	v2 =	vld [tilespmem:s18+$0x1A0]  }
0x213: {  	v0 =	vadd.f32 v3, v0;
	v3 =	vld [tilespmem:s18+$0x1D0]  }
0x214: {  	v1 =	vadd.f32 v4, v1;
	v4 =	vld [tilespmem:s18+$0x1C0]  }
0x215: {  	v0 =	vadd.f32 v5, v0;
	v5 =	vld [tilespmem:s18+$0x1F0]  }
0x216: {  	v1 =	vadd.f32 v6, v1;
	v6 =	vld [tilespmem:s18+$0x1E0]  }
0x217: {  	v0 =	vadd.f32 v2, v0;
	v2 =	vld [tilespmem:s18+$0x210]  }
0x218: {  	v1 =	vadd.f32 v3, v1;
	v3 =	vld [tilespmem:s18+$0x200]  }
0x219: {  	v0 =	vadd.f32 v4, v0;
	v4 =	vld [tilespmem:s18+$0x230]  }
0x21a: {  	v1 =	vadd.f32 v5, v1;
	v5 =	vld [tilespmem:s18+$0x220]  }
0x21b: {  	v0 =	vadd.f32 v6, v0;
	v6 =	vld [tilespmem:s18+$0x250]  }
0x21c: {  	v1 =	vadd.f32 v2, v1;
	v2 =	vld [tilespmem:s18+$0x240]  }
0x21d: {  	v3 =	vadd.f32 v3, v0;
	v7 =	vld [tilespmem:s18+$0x270]  }
.Ltmp1:
0x21e: {  	v1 =	vadd.f32 v4, v1;
	v0 =	vld [tilespmem:s18+$0x260];
	(pc) =	sbr.rel @p0 .LBB2_5-.Ltmp1, $4  }
0x21f: {  	v3 =	vadd.f32 v5, v3  }
0x220: {  	v1 =	vadd.f32 v6, v1  }
0x221: {  	v2 =	vadd.f32 v2, v3  }
0x222: {  	v1 =	vadd.f32 v7, v1  }
0x223: {  	v0 =	vadd.f32 v0, v2  }
0x224: {  	v1 =	vmul.f32 $5.000000070e-02, v1  }
0x225: {  	s17 =	sshll.u32 s17, $0xA;
	v0 =	vmul.f32 $5.000000070e-02, v0  }
0x226: {  	s17 =	sadd.s32 s8, s17;
	[tilespmem:s20+$0x10] =	vst v1  }
0x227: {  	s18 =	sadd.s32 s5, s17;
	[tilespmem:s20+$0x0] =	vst v0  }
0x228: {  	[hbm4b:s18+s6] =	stream.strided.scatter [tilespmem:s10], [sflag:$0x3], $0x340, s14, s6, $0x38;
	[tilespmem:$0x112A0] =	vst v63  }
0x229: {  	s0 =	sadd.s32 $0x1, s0;
	_ =	swait.ge [sflag:s11], $0x340  }
0x22a: {  	p0 =	sne.s32 s0, $0x20;
	[sflag:s11] =	ssyncset.done $0x0  }
.Ltmp2:
0x22b: {  	s17 =	sadd.s32 s17, s9;
	[sflag:s11] =	ssyncadd.s32 $0xFFFFFCC0;
	(pc) =	sbr.rel @p0 .LBB2_2-.Ltmp2, $4  }
0x22c: {  	[hbm4b:s17+s6] =	stream.strided.scatter [tilespmem:s15], [sflag:$0x3], $0x340, s14, s6, $0x38;
	[tilespmem:$0x112A0] =	vst v63  }
0x22d: {  	_ =	swait.ge [sflag:s11], $0x340  }
0x22e: {  	[sflag:s11] =	ssyncset.done $0x0  }
0x22f: {  	[sflag:s11] =	ssyncadd.s32 $0xFFFFFCC0  }
0x230: {  	_ =	swait.ge [sflag:s13], $0xD00  }
0x231: {  	[sflag:s13] =	ssyncset.done $0x0  }
0x232: {  	[sflag:s13] =	ssyncadd.s32 $0xFFFFF300  }
0x233: {  	_ =	swait.ge [sflag:s13], $0xD00  }
0x234: {  	[sflag:s13] =	ssyncset.done $0x0  }
0x235: {  	[sflag:s13] =	ssyncadd.s32 $0xFFFFF300  }
0x236: {  	_ =	swait.ge [sflag:s13], $0xD00  }
0x237: {  	[sflag:s13] =	ssyncset.done $0x0  }
0x238: {  	[sflag:s13] =	ssyncadd.s32 $0xFFFFF300  }
0x239: {  	_ =	swait.ge [sflag:s13], $0xD00  }
0x23a: {  	[sflag:s13] =	ssyncset.done $0x0  }
0x23b: {  	[sflag:s13] =	ssyncadd.s32 $0xFFFFF300  }
0x23c: {  	_ =	swait.ge [sflag:s13], $0xD00  }
0x23d: {  	[sflag:s13] =	ssyncset.done $0x0  }
0x23e: {  	[sflag:s13] =	ssyncadd.s32 $0xFFFFF300  }
0x23f: {  	_ =	swait.ge [sflag:s13], $0xD00  }
0x240: {  	[sflag:s13] =	ssyncset.done $0x0  }
0x241: {  	[sflag:s13] =	ssyncadd.s32 $0xFFFFF300  }
0x242: {  	_ =	swait.ge [sflag:s13], $0xD00  }
0x243: {  	[sflag:s13] =	ssyncset.done $0x0  }
0x244: {  	[sflag:s13] =	ssyncadd.s32 $0xFFFFF300  }
0x245: {  	_ =	swait.ge [sflag:s13], $0xD00  }
0x246: {  	[sflag:s13] =	ssyncset.done $0x0  }
0x247: {  	[sflag:s13] =	ssyncadd.s32 $0xFFFFF300  }
0x248: {  	_ =	swait.ge [sflag:s13], $0xD00  }
0x249: {  	[sflag:s13] =	ssyncset.done $0x0  }
0x24a: {  	[sflag:s13] =	ssyncadd.s32 $0xFFFFF300  }
0x24b: {  	_ =	swait.ge [sflag:s13], $0xD00  }
0x24c: {  	s17 =	rddreg [dreg:$0x5]  }
0x24d: {  	s0 =	rddreg [dreg:$0x4];
	s17 =	sadd.s32 $0x1, s17  }
0x24e: {  	p0 =	sne.s32 s17, s0  }
.Ltmp3:
0x24f: {  	_ = 	snop;
	(pc) =	sbr.rel @p0 .LBB2_1-.Ltmp3, $3  }
0x250: {  	_ =	sdelay $0x1  }
0x251: {  	[sflag:s13] =	ssyncset.done $0x0  }
0x252: {  	[sflag:s13] =	ssyncadd.s32 $0xFFFFF300  }
0x253: {  	_ =	sfence.sel $0x180000  }
0x254: {  	[bflag:$0x0] =	sbarrier.arrive $0xFFFF  }
0x255: {  	_ =	strace $0x90000047  }
0x256: {  	s0 =	stileid.u32;
	[bflag:$0x2] =	sbarrier.arrive $0xFFFF  }
0x257: {  	p0 =	sne.s32 s0, $0x0;
	s0 =	rddreg [dreg:$0x2]  }
0x258: {  	s0 =	sadd.s32 @!p0 $0x100000, s0  }
0x259: {  	[sflag:s0] =	ssyncadd.tile.s32 @!p0 $0x1;
	_ =	shalt  }
.Lfunc_end2:
_tile_overlayer_lowered:
.L_overlay_start_2:
0x25a: {  	(tag) =	ssettag $0x2  }
0x25b: {  	s0 =	rddreg [dreg:$0x0];
	s2 =	stileid.u32  }
0x25c: {  	s1 =	rddreg [dreg:$0x1];
	p0 =	sne.s32 s2, $0x0  }
0x25d: {  	s3 =	rddreg [dreg:$0x2];
	[bflag:$0x3] =	sbarrier.arrive $0xFFFF;
	s2 =	simm.s32 @!p0 $0x1C03  }
0x25e: {  	[timem:s3], [sflag:s2] =	dma.local @!p0 [hbm:s0], s1  }
0x25f: {  	s0 =	simm.s32 @!p0 $0x3  }
0x260: {  	_ =	swait.ge @!p0 [sflag:s0], s1  }
0x261: {  	s1 =	ssub.s32 @!p0 $0x0, s1;
	[sflag:s0] =	ssyncset.done @!p0 $0x0  }
0x262: {  	[sflag:s0] =	ssyncadd.s32 @!p0 s1  }
0x263: {  	[bflag:$0x3] =	sbarrier.arrive $0xFFFF  }
0x264: {  	_ =	shalt  }

</sc_bundles>
